<compile_context>
chip_gen: v7x
topology: tpu7x:2x2x1
jax: 0.10.2.dev20260603
libtpu: 0.0.44.dev20260713+nightly
codegen_flags: <defaults>
</compile_context>

<pallas_src>
import functools

import jax
import jax.numpy as jnp
from jax import lax
from jax.experimental import pallas as pl
from jax.experimental.pallas import tpu as pltpu
from jax.experimental.pallas import tpu_sc as plsc

_L = 16
_ROWS_PER_CHUNK = 2


def _rsqrt_newton(x):
    i = lax.bitcast_convert_type(x, jnp.int32)
    i = jnp.int32(0x5F3759DF) - lax.shift_right_logical(i, 1)
    y = lax.bitcast_convert_type(i, jnp.float32)
    for _ in range(2):
        y = y * (1.5 - 0.5 * x * y * y)
    return y


_GATHER_DNUMS = lax.GatherDimensionNumbers(
    offset_dims=(), collapsed_slice_dims=(0,), start_index_map=(0,))


def _lane_permute(v, idx):
    return lax.gather(v, idx[:, None], _GATHER_DNUMS, slice_sizes=(1,),
                      mode=lax.GatherScatterMode.PROMISE_IN_BOUNDS)


def _lane_sum(v, perm_idx):
    for idx in perm_idx:
        v = v + _lane_permute(v, idx)
    return v


def _make_sc_kernel(num_slots, seq_len, parts, dim, max_pos, num_workers):
    batch = num_slots // seq_len
    slots_per_chunk = _ROWS_PER_CHUNK * seq_len
    chunks = batch // _ROWS_PER_CHUNK // num_workers
    assert chunks % 2 == 0
    ncg = dim // _L
    row_ids = seq_len * parts
    out_per_chunk = slots_per_chunk * dim

    mesh = plsc.VectorSubcoreMesh(core_axis_name="c", subcore_axis_name="s")

    @functools.partial(
        pl.kernel,
        out_type=jax.ShapeDtypeStruct((num_slots * dim,), jnp.float32),
        mesh=mesh,
        scratch_types=[
            pltpu.VMEM((2, _ROWS_PER_CHUNK, row_ids), jnp.int32),
            pltpu.VMEM((2, _ROWS_PER_CHUNK, row_ids, dim), jnp.float32),
            pltpu.VMEM((2, out_per_chunk), jnp.float32),
            pltpu.VMEM((max_pos, dim), jnp.float32),
            pltpu.VMEM((dim,), jnp.float32),
            pltpu.VMEM((dim,), jnp.float32),
            pltpu.SemaphoreType.DMA,
            pltpu.SemaphoreType.DMA,
            pltpu.SemaphoreType.DMA,
            pltpu.SemaphoreType.DMA,
            pltpu.SemaphoreType.DMA,
        ],
        compiler_params=pltpu.CompilerParams(use_tc_tiling_on_sc=False),
    )
    def body(ids_ref, table_ref, pos_ref, gam_ref, bet_ref, out_ref,
             idx_v, rows_v, out_v, pos_v, gam_v, bet_v,
             gsem0, gsem1, isem0, isem1, osem):
        nc = mesh.num_cores
        wid = lax.axis_index("s") * nc + lax.axis_index("c")
        wchunk = wid * chunks
        gsems = (gsem0, gsem1)
        isems = (isem0, isem1)

        pltpu.sync_copy(pos_ref, pos_v)
        pltpu.sync_copy(gam_ref, gam_v)
        pltpu.sync_copy(bet_ref, bet_v)
        gam = [gam_v[pl.ds(cg * _L, _L)] for cg in range(ncg)]
        bet = [bet_v[pl.ds(cg * _L, _L)] for cg in range(ncg)]
        inv_parts = jnp.float32(1.0 / parts)
        inv_dim = jnp.float32(1.0 / dim)
        lanes = lax.iota(jnp.int32, _L)
        perm_idx = [lanes ^ jnp.int32(sh) for sh in (8, 4, 2, 1)]

        def ids_src(c):
            return ids_ref.at[pl.ds((wchunk + c) * _ROWS_PER_CHUNK,
                                    _ROWS_PER_CHUNK)]

        def gather_descs(b, sem):
            return [
                pltpu.make_async_copy(
                    table_ref.at[idx_v.at[b, jj]],
                    rows_v.at[b, jj],
                    sem)
                for jj in range(_ROWS_PER_CHUNK)
            ]

        def compute(b):
            @plsc.parallel_loop(0, slots_per_chunk, unroll=4)
            def _(i):
                r = lax.div(i, seq_len)
                p = lax.rem(i, seq_len)
                base = p * parts
                obase = i * dim
                accs = []
                for cg in range(ncg):
                    col = cg * _L
                    a = rows_v[b, r, base, pl.ds(col, _L)]
                    for k in range(1, parts):
                        a = a + rows_v[b, r, base + k, pl.ds(col, _L)]
                    a = a * inv_parts + pos_v[p, pl.ds(col, _L)]
                    accs.append(a)
                t = (accs[0] + accs[1]) + (accs[2] + accs[3])
                sq = (accs[0] * accs[0] + accs[1] * accs[1]) + (
                    accs[2] * accs[2] + accs[3] * accs[3])
                mean = _lane_sum(t, perm_idx) * inv_dim
                var = _lane_sum(sq, perm_idx) * inv_dim - mean * mean
                inv = _rsqrt_newton(var + jnp.float32(1e-5))
                for cg in range(ncg):
                    out_v[b, pl.ds(obase + cg * _L, _L)] = (
                        (accs[cg] - mean) * inv * gam[cg] + bet[cg])

        def out_dst(c):
            return out_ref.at[pl.ds((wchunk + c) * out_per_chunk,
                                    out_per_chunk)]

        pltpu.sync_copy(ids_src(0), idx_v.at[0])
        for d in gather_descs(0, gsems[0]):
            d.start()
        pltpu.async_copy(ids_src(1), idx_v.at[1], isems[1])

        def pair_body(c0, _):
            for b in range(2):
                c = c0 + b
                nb = 1 - b
                @pl.when(c + 1 < chunks)
                def _():
                    pltpu.make_async_copy(
                        ids_src(c + 1), idx_v.at[nb], isems[nb]).wait()
                    for d in gather_descs(nb, gsems[nb]):
                        d.start()
                for d in gather_descs(b, gsems[b]):
                    d.wait()

                @pl.when(c + 2 < chunks)
                def _():
                    pltpu.async_copy(ids_src(c + 2), idx_v.at[b], isems[b])
                compute(b)

                @pl.when(c > 0)
                def _():
                    pltpu.make_async_copy(
                        out_v.at[nb], out_dst(c - 1), osem).wait()
                pltpu.async_copy(out_v.at[b], out_dst(c), osem)
            return 0

        lax.fori_loop(0, chunks // 2, lambda j, x: pair_body(j * 2, x), 0)
        pltpu.make_async_copy(out_v.at[1], out_dst(chunks - 1), osem).wait()

    return body


def kernel(part_ids, part_table, pos_table, ln_gamma, ln_beta):
    batch, seq_len, parts = part_ids.shape
    dim = part_table.shape[1]
    num_slots = batch * seq_len
    ids2d = part_ids.reshape(batch, seq_len * parts)
    sc = _make_sc_kernel(num_slots, seq_len, parts, dim,
                         pos_table.shape[0], 32)
    out = sc(ids2d, part_table, pos_table, ln_gamma, ln_beta)
    return out.reshape(batch, seq_len, dim)

# --- scband reference (transcript-rebuilt; emitter-appended) ---
"""Pipeline reference for scband-part-embedding-74466142978370 (READ-ONLY COPY).

The authoritative reference and input builder live on the scoring server;
editing this copy changes nothing except your own understanding.
"""

import jax, jax.numpy as jnp
import numpy as np

NUM_PARTS = 100000
EMBED_DIM = 64
BATCH = 16384
SEQ_LEN = 50
PARTS_PER_DAY = 5
MAX_POS = 100


def setup_inputs(seed: int = 0) -> dict:
    key = jax.random.key(seed)
    k1, k2, k3 = jax.random.split(key, 3)
    part_ids = jax.random.randint(k1, (BATCH, SEQ_LEN, PARTS_PER_DAY), 0, NUM_PARTS + 1, dtype=jnp.int64 if jax.config.jax_enable_x64 else jnp.int32)
    part_ids = part_ids.astype(jnp.int32)
    part_table = jax.random.normal(k2, (NUM_PARTS + 1, EMBED_DIM), dtype=jnp.float32)
    # padding_idx=0: row 0 is zeros
    part_table = part_table.at[0].set(0.0)
    pos_table = jax.random.normal(k3, (MAX_POS, EMBED_DIM), dtype=jnp.float32)
    ln_gamma = jnp.ones((EMBED_DIM,), dtype=jnp.float32)
    ln_beta = jnp.zeros((EMBED_DIM,), dtype=jnp.float32)
    return {
        "part_ids": part_ids,
        "part_table": part_table,
        "pos_table": pos_table,
        "ln_gamma": ln_gamma,
        "ln_beta": ln_beta,
    }


def reference(part_ids, part_table, pos_table, ln_gamma, ln_beta):
    # Embedding lookup: (B, S, P, D)
    part_embeds = jnp.take(part_table, part_ids, axis=0)
    # Mean over parts-per-day: (B, S, D)
    day_embeds = jnp.mean(part_embeds, axis=2)
    # positions = arange(seq_len), broadcast over batch
    seq_len = part_ids.shape[1]
    positions = jnp.arange(seq_len, dtype=jnp.int32)
    pos_embeds = jnp.take(pos_table, positions, axis=0)[None, :, :]  # (1, S, D)
    embeddings = day_embeds + pos_embeds
    # LayerNorm over last dim, eps=1e-5 (torch default)
    mean = jnp.mean(embeddings, axis=-1, keepdims=True)
    var = jnp.var(embeddings, axis=-1, keepdims=True)
    normed = (embeddings - mean) / jnp.sqrt(var + 1e-5)
    out = normed * ln_gamma + ln_beta
    # dropout is identity in eval mode
    return out

if __name__ == "__main__":
    import jax
    _d = setup_inputs()
    print(jax.jit(kernel)(*tuple(_d.values())))

</pallas_src>

<mosaic_0001>
#map = affine_map<(d0, d1) -> (0, 0)>
#map1 = affine_map<(d0, d1) -> (0)>
module attributes {stable_mosaic.version = 14 : i64} {
  func.func @body(%arg0: i32, %arg1: i32, %arg2: memref<16384x250xi32, #tpu.memory_space<hbm>>, %arg3: memref<100001x64xf32, #tpu.memory_space<hbm>>, %arg4: memref<100x64xf32, #tpu.memory_space<hbm>>, %arg5: memref<64xf32, #tpu.memory_space<hbm>>, %arg6: memref<64xf32, #tpu.memory_space<hbm>>, %arg7: memref<52428800xf32, #tpu.memory_space<hbm>>, %arg8: memref<2x2x250xi32, #tpu.memory_space<vmem>>, %arg9: memref<2x2x250x64xf32, #tpu.memory_space<vmem>>, %arg10: memref<2x6400xf32, #tpu.memory_space<vmem>>, %arg11: memref<100x64xf32, #tpu.memory_space<vmem>>, %arg12: memref<64xf32, #tpu.memory_space<vmem>>, %arg13: memref<64xf32, #tpu.memory_space<vmem>>, %arg14: memref<!tpu.dma_semaphore, #tpu.memory_space<semaphore_mem>>, %arg15: memref<!tpu.dma_semaphore, #tpu.memory_space<semaphore_mem>>, %arg16: memref<!tpu.dma_semaphore, #tpu.memory_space<semaphore_mem>>, %arg17: memref<!tpu.dma_semaphore, #tpu.memory_space<semaphore_mem>>, %arg18: memref<!tpu.dma_semaphore, #tpu.memory_space<semaphore_mem>>) attributes {dimension_semantics = [#tpu.dimension_semantics<core_parallel>, #tpu.dimension_semantics<subcore_parallel>], iteration_bounds = array<i64: 2, 16>, scalar_prefetch = 0 : i64, scratch_operands = 11 : i64, tpu.core_type = #tpu.core_type<sc_vector_subcore>, window_params = [{transform_indices = #map}, {transform_indices = #map}, {transform_indices = #map}, {transform_indices = #map1}, {transform_indices = #map1}, {transform_indices = #map1}]} {
    %mul3A = arith.constant 2 : i32
    %mul3A_0 = arith.muli %arg1, %mul3A : i32
    %add3A = arith.addi %mul3A_0, %arg0 : i32
    %mul3A_1 = arith.constant 256 : i32
    %mul3A_2 = arith.muli %add3A, %mul3A_1 : i32
    "tpu.region"() ({
      %run_scoped3A_105 = tpu.sem_alloc : memref<!tpu.dma_semaphore, #tpu.memory_space<semaphore_mem>>
      tpu.enqueue_dma source(%arg4 : memref<100x64xf32, #tpu.memory_space<hbm>>) target(%arg11 : memref<100x64xf32, #tpu.memory_space<vmem>>) target_semaphore(%run_scoped3A_105 : memref<!tpu.dma_semaphore, #tpu.memory_space<semaphore_mem>>)
      tpu.wait_dma2 semaphore(%run_scoped3A_105 : memref<!tpu.dma_semaphore, #tpu.memory_space<semaphore_mem>>) src(%arg4 : memref<100x64xf32, #tpu.memory_space<hbm>>) dst(%arg11 : memref<100x64xf32, #tpu.memory_space<vmem>>)
      tpu.yield
    }) : () -> ()
    "tpu.region"() ({
      %run_scoped3A_105 = tpu.sem_alloc : memref<!tpu.dma_semaphore, #tpu.memory_space<semaphore_mem>>
      tpu.enqueue_dma source(%arg5 : memref<64xf32, #tpu.memory_space<hbm>>) target(%arg12 : memref<64xf32, #tpu.memory_space<vmem>>) target_semaphore(%run_scoped3A_105 : memref<!tpu.dma_semaphore, #tpu.memory_space<semaphore_mem>>)
      tpu.wait_dma2 semaphore(%run_scoped3A_105 : memref<!tpu.dma_semaphore, #tpu.memory_space<semaphore_mem>>) src(%arg5 : memref<64xf32, #tpu.memory_space<hbm>>) dst(%arg12 : memref<64xf32, #tpu.memory_space<vmem>>)
      tpu.yield
    }) : () -> ()
    "tpu.region"() ({
      %run_scoped3A_105 = tpu.sem_alloc : memref<!tpu.dma_semaphore, #tpu.memory_space<semaphore_mem>>
      tpu.enqueue_dma source(%arg6 : memref<64xf32, #tpu.memory_space<hbm>>) target(%arg13 : memref<64xf32, #tpu.memory_space<vmem>>) target_semaphore(%run_scoped3A_105 : memref<!tpu.dma_semaphore, #tpu.memory_space<semaphore_mem>>)
      tpu.wait_dma2 semaphore(%run_scoped3A_105 : memref<!tpu.dma_semaphore, #tpu.memory_space<semaphore_mem>>) src(%arg6 : memref<64xf32, #tpu.memory_space<hbm>>) dst(%arg13 : memref<64xf32, #tpu.memory_space<vmem>>)
      tpu.yield
    }) : () -> ()
    %get3A = arith.constant 0 : index
    %get3A_3 = tpu.vector_load %arg12[%get3A] {strides = array<i32>} : memref<64xf32, #tpu.memory_space<vmem>>, vector<16xf32>,
    %get3A_4 = vector.shape_cast %get3A_3 : vector<16xf32> to vector<16xf32>
    %get3A_5 = arith.constant 16 : index
    %get3A_6 = tpu.vector_load %arg12[%get3A_5] {strides = array<i32>} : memref<64xf32, #tpu.memory_space<vmem>>, vector<16xf32>,
    %get3A_7 = vector.shape_cast %get3A_6 : vector<16xf32> to vector<16xf32>
    %get3A_8 = arith.constant 32 : index
    %get3A_9 = tpu.vector_load %arg12[%get3A_8] {strides = array<i32>} : memref<64xf32, #tpu.memory_space<vmem>>, vector<16xf32>,
    %get3A_10 = vector.shape_cast %get3A_9 : vector<16xf32> to vector<16xf32>
    %get3A_11 = arith.constant 48 : index
    %get3A_12 = tpu.vector_load %arg12[%get3A_11] {strides = array<i32>} : memref<64xf32, #tpu.memory_space<vmem>>, vector<16xf32>,
    %get3A_13 = vector.shape_cast %get3A_12 : vector<16xf32> to vector<16xf32>
    %get3A_14 = arith.constant 0 : index
    %get3A_15 = tpu.vector_load %arg13[%get3A_14] {strides = array<i32>} : memref<64xf32, #tpu.memory_space<vmem>>, vector<16xf32>,
    %get3A_16 = vector.shape_cast %get3A_15 : vector<16xf32> to vector<16xf32>
    %get3A_17 = arith.constant 16 : index
    %get3A_18 = tpu.vector_load %arg13[%get3A_17] {strides = array<i32>} : memref<64xf32, #tpu.memory_space<vmem>>, vector<16xf32>,
    %get3A_19 = vector.shape_cast %get3A_18 : vector<16xf32> to vector<16xf32>
    %get3A_20 = arith.constant 32 : index
    %get3A_21 = tpu.vector_load %arg13[%get3A_20] {strides = array<i32>} : memref<64xf32, #tpu.memory_space<vmem>>, vector<16xf32>,
    %get3A_22 = vector.shape_cast %get3A_21 : vector<16xf32> to vector<16xf32>
    %get3A_23 = arith.constant 48 : index
    %get3A_24 = tpu.vector_load %arg13[%get3A_23] {strides = array<i32>} : memref<64xf32, #tpu.memory_space<vmem>>, vector<16xf32>,
    %get3A_25 = vector.shape_cast %get3A_24 : vector<16xf32> to vector<16xf32>
    %iota3A = tpu.iota {dimensions = array<i32: 0>} : vector<16xi32>
    %xor3A = arith.constant 8 : i32
    %xor3A_26 = vector.broadcast %xor3A : i32 to vector<16xi32>
    %xor3A_27 = arith.xori %iota3A, %xor3A_26 : vector<16xi32>
    %xor3A_28 = arith.constant 4 : i32
    %xor3A_29 = vector.broadcast %xor3A_28 : i32 to vector<16xi32>
    %xor3A_30 = arith.xori %iota3A, %xor3A_29 : vector<16xi32>
    %xor3A_31 = arith.constant 2 : i32
    %xor3A_32 = vector.broadcast %xor3A_31 : i32 to vector<16xi32>
    %xor3A_33 = arith.xori %iota3A, %xor3A_32 : vector<16xi32>
    %xor3A_34 = arith.constant 1 : i32
    %xor3A_35 = vector.broadcast %xor3A_34 : i32 to vector<16xi32>
    %xor3A_36 = arith.xori %iota3A, %xor3A_35 : vector<16xi32>
    %add3A_37 = arith.constant 0 : i32
    %add3A_38 = arith.addi %mul3A_2, %add3A_37 : i32
    %mul3A_39 = arith.constant 2 : i32
    %mul3A_40 = arith.muli %add3A_38, %mul3A_39 : i32
    %run_scoped3A = arith.constant 0 : i32
    "tpu.region"() ({
      %run_scoped3A_105 = tpu.sem_alloc : memref<!tpu.dma_semaphore, #tpu.memory_space<semaphore_mem>>
      %dma_start3A_106 = arith.constant 0 : i32
      %dma_start3A_107 = arith.constant 0 : i32
      %dma_start3A_108 = tpu.memref_slice %arg8[%run_scoped3A, %dma_start3A_106, %dma_start3A_107] : memref<2x2x250xi32, #tpu.memory_space<vmem>> -> memref<1x2x250xi32, #tpu.memory_space<vmem>>
      %dma_start3A_109 = tpu.memref_squeeze %dma_start3A_108 : memref<1x2x250xi32, #tpu.memory_space<vmem>> -> memref<2x250xi32, #tpu.memory_space<vmem>>
      %dma_start3A_110 = arith.constant 0 : i32
      %dma_start3A_111 = tpu.memref_slice %arg2[%mul3A_40, %dma_start3A_110] : memref<16384x250xi32, #tpu.memory_space<hbm>> -> memref<2x250xi32, #tpu.memory_space<hbm>>
      %dma_start3A_112 = arith.constant 0 : i32
      %dma_start3A_113 = arith.constant 0 : i32
      %dma_start3A_114 = tpu.memref_slice %arg8[%run_scoped3A, %dma_start3A_112, %dma_start3A_113] : memref<2x2x250xi32, #tpu.memory_space<vmem>> -> memref<1x2x250xi32, #tpu.memory_space<vmem>>
      %dma_start3A_115 = tpu.memref_squeeze %dma_start3A_114 : memref<1x2x250xi32, #tpu.memory_space<vmem>> -> memref<2x250xi32, #tpu.memory_space<vmem>>
      %dma_start3A_116 = arith.constant 0 : i32
      %dma_start3A_117 = tpu.memref_slice %arg2[%mul3A_40, %dma_start3A_116] : memref<16384x250xi32, #tpu.memory_space<hbm>> -> memref<2x250xi32, #tpu.memory_space<hbm>>
      tpu.enqueue_dma source(%dma_start3A_117 : memref<2x250xi32, #tpu.memory_space<hbm>>) target(%dma_start3A_115 : memref<2x250xi32, #tpu.memory_space<vmem>>) target_semaphore(%run_scoped3A_105 : memref<!tpu.dma_semaphore, #tpu.memory_space<semaphore_mem>>)
      %dma_wait3A_118 = arith.constant 0 : i32
      %dma_wait3A_119 = arith.constant 0 : i32
      %dma_wait3A_120 = tpu.memref_slice %arg8[%run_scoped3A, %dma_wait3A_118, %dma_wait3A_119] : memref<2x2x250xi32, #tpu.memory_space<vmem>> -> memref<1x2x250xi32, #tpu.memory_space<vmem>>
      %dma_wait3A_121 = tpu.memref_squeeze %dma_wait3A_120 : memref<1x2x250xi32, #tpu.memory_space<vmem>> -> memref<2x250xi32, #tpu.memory_space<vmem>>
      %dma_wait3A_122 = arith.constant 0 : i32
      %dma_wait3A_123 = tpu.memref_slice %arg2[%mul3A_40, %dma_wait3A_122] : memref<16384x250xi32, #tpu.memory_space<hbm>> -> memref<2x250xi32, #tpu.memory_space<hbm>>
      %dma_wait3A_124 = arith.constant 0 : i32
      %dma_wait3A_125 = arith.constant 0 : i32
      %dma_wait3A_126 = tpu.memref_slice %arg8[%run_scoped3A, %dma_wait3A_124, %dma_wait3A_125] : memref<2x2x250xi32, #tpu.memory_space<vmem>> -> memref<1x2x250xi32, #tpu.memory_space<vmem>>
      %dma_wait3A_127 = tpu.memref_squeeze %dma_wait3A_126 : memref<1x2x250xi32, #tpu.memory_space<vmem>> -> memref<2x250xi32, #tpu.memory_space<vmem>>
      %dma_wait3A_128 = arith.constant 0 : i32
      %dma_wait3A_129 = tpu.memref_slice %arg2[%mul3A_40, %dma_wait3A_128] : memref<16384x250xi32, #tpu.memory_space<hbm>> -> memref<2x250xi32, #tpu.memory_space<hbm>>
      tpu.wait_dma2 semaphore(%run_scoped3A_105 : memref<!tpu.dma_semaphore, #tpu.memory_space<semaphore_mem>>) src(%dma_wait3A_129 : memref<2x250xi32, #tpu.memory_space<hbm>>) dst(%dma_wait3A_127 : memref<2x250xi32, #tpu.memory_space<vmem>>)
      tpu.yield
    }) : () -> ()
    %dma_start3A = arith.constant 0 : i32
    %dma_start3A_41 = arith.constant 0 : i32
    %dma_start3A_42 = arith.constant 0 : i32
    %dma_start3A_43 = arith.constant 0 : i32
    %dma_start3A_44 = arith.constant 0 : i32
    %dma_start3A_45 = arith.constant 0 : i32
    %dma_start3A_46 = tpu.memref_slice %arg9[%dma_start3A_42, %dma_start3A_43, %dma_start3A_44, %dma_start3A_45] : memref<2x2x250x64xf32, #tpu.memory_space<vmem>> -> memref<1x1x250x64xf32, #tpu.memory_space<vmem>>
    %dma_start3A_47 = tpu.memref_squeeze %dma_start3A_46 : memref<1x1x250x64xf32, #tpu.memory_space<vmem>> -> memref<250x64xf32, #tpu.memory_space<vmem>>
    %dma_start3A_48 = arith.constant 0 : i32
    %dma_start3A_49 = tpu.memref_slice %arg8[%dma_start3A, %dma_start3A_41, %dma_start3A_48] : memref<2x2x250xi32, #tpu.memory_space<vmem>> -> memref<1x1x250xi32, #tpu.memory_space<vmem>>
    %dma_start3A_50 = tpu.memref_squeeze %dma_start3A_49 : memref<1x1x250xi32, #tpu.memory_space<vmem>> -> memref<250xi32, #tpu.memory_space<vmem>>
    %dma_start3A_51 = arith.constant 0 : i32
    %dma_start3A_52 = arith.constant 0 : i32
    %dma_start3A_53 = tpu.memref_slice %arg3[%dma_start3A_51, %dma_start3A_52] : memref<100001x64xf32, #tpu.memory_space<hbm>> -> memref<100001x64xf32, #tpu.memory_space<hbm>>
    tpu.enqueue_indirect_dma source(%dma_start3A_53 : memref<100001x64xf32, #tpu.memory_space<hbm>>) target(%dma_start3A_47 : memref<250x64xf32, #tpu.memory_space<vmem>>) offsets(%dma_start3A_50 : memref<250xi32, #tpu.memory_space<vmem>>) semaphore(%arg14 : memref<!tpu.dma_semaphore, #tpu.memory_space<semaphore_mem>>)
    %dma_start3A_54 = arith.constant 0 : i32
    %dma_start3A_55 = arith.constant 1 : i32
    %dma_start3A_56 = arith.constant 0 : i32
    %dma_start3A_57 = arith.constant 1 : i32
    %dma_start3A_58 = arith.constant 0 : i32
    %dma_start3A_59 = arith.constant 0 : i32
    %dma_start3A_60 = tpu.memref_slice %arg9[%dma_start3A_56, %dma_start3A_57, %dma_start3A_58, %dma_start3A_59] : memref<2x2x250x64xf32, #tpu.memory_space<vmem>> -> memref<1x1x250x64xf32, #tpu.memory_space<vmem>>
    %dma_start3A_61 = tpu.memref_squeeze %dma_start3A_60 : memref<1x1x250x64xf32, #tpu.memory_space<vmem>> -> memref<250x64xf32, #tpu.memory_space<vmem>>
    %dma_start3A_62 = arith.constant 0 : i32
    %dma_start3A_63 = tpu.memref_slice %arg8[%dma_start3A_54, %dma_start3A_55, %dma_start3A_62] : memref<2x2x250xi32, #tpu.memory_space<vmem>> -> memref<1x1x250xi32, #tpu.memory_space<vmem>>
    %dma_start3A_64 = tpu.memref_squeeze %dma_start3A_63 : memref<1x1x250xi32, #tpu.memory_space<vmem>> -> memref<250xi32, #tpu.memory_space<vmem>>
    %dma_start3A_65 = arith.constant 0 : i32
    %dma_start3A_66 = arith.constant 0 : i32
    %dma_start3A_67 = tpu.memref_slice %arg3[%dma_start3A_65, %dma_start3A_66] : memref<100001x64xf32, #tpu.memory_space<hbm>> -> memref<100001x64xf32, #tpu.memory_space<hbm>>
    tpu.enqueue_indirect_dma source(%dma_start3A_67 : memref<100001x64xf32, #tpu.memory_space<hbm>>) target(%dma_start3A_61 : memref<250x64xf32, #tpu.memory_space<vmem>>) offsets(%dma_start3A_64 : memref<250xi32, #tpu.memory_space<vmem>>) semaphore(%arg14 : memref<!tpu.dma_semaphore, #tpu.memory_space<semaphore_mem>>)
    %add3A_68 = arith.constant 1 : i32
    %add3A_69 = arith.addi %mul3A_2, %add3A_68 : i32
    %mul3A_70 = arith.constant 2 : i32
    %mul3A_71 = arith.muli %add3A_69, %mul3A_70 : i32
    %dma_start3A_72 = arith.constant 1 : i32
    %dma_start3A_73 = arith.constant 0 : i32
    %dma_start3A_74 = arith.constant 0 : i32
    %dma_start3A_75 = tpu.memref_slice %arg8[%dma_start3A_72, %dma_start3A_73, %dma_start3A_74] : memref<2x2x250xi32, #tpu.memory_space<vmem>> -> memref<1x2x250xi32, #tpu.memory_space<vmem>>
    %dma_start3A_76 = tpu.memref_squeeze %dma_start3A_75 : memref<1x2x250xi32, #tpu.memory_space<vmem>> -> memref<2x250xi32, #tpu.memory_space<vmem>>
    %dma_start3A_77 = arith.constant 0 : i32
    %dma_start3A_78 = tpu.memref_slice %arg2[%mul3A_71, %dma_start3A_77] : memref<16384x250xi32, #tpu.memory_space<hbm>> -> memref<2x250xi32, #tpu.memory_space<hbm>>
    %dma_start3A_79 = arith.constant 0 : i32
    %dma_start3A_80 = arith.constant 0 : i32
    %dma_start3A_81 = tpu.memref_slice %arg8[%dma_start3A_72, %dma_start3A_79, %dma_start3A_80] : memref<2x2x250xi32, #tpu.memory_space<vmem>> -> memref<1x2x250xi32, #tpu.memory_space<vmem>>
    %dma_start3A_82 = tpu.memref_squeeze %dma_start3A_81 : memref<1x2x250xi32, #tpu.memory_space<vmem>> -> memref<2x250xi32, #tpu.memory_space<vmem>>
    %dma_start3A_83 = arith.constant 0 : i32
    %dma_start3A_84 = tpu.memref_slice %arg2[%mul3A_71, %dma_start3A_83] : memref<16384x250xi32, #tpu.memory_space<hbm>> -> memref<2x250xi32, #tpu.memory_space<hbm>>
    tpu.enqueue_dma source(%dma_start3A_84 : memref<2x250xi32, #tpu.memory_space<hbm>>) target(%dma_start3A_82 : memref<2x250xi32, #tpu.memory_space<vmem>>) target_semaphore(%arg17 : memref<!tpu.dma_semaphore, #tpu.memory_space<semaphore_mem>>)
    %scan3A = arith.constant 2.000000e-01 : f32
    %scan3A_85 = arith.constant 1.562500e-02 : f32
    %scan3A_86 = arith.constant 0 : i32
    %scan3A_87 = arith.constant 0 : i32
    %scan3A_88 = arith.constant 128 : i32
    %scan3A_89 = arith.addi %scan3A_87, %scan3A_88 : i32
    %scan3A_90 = arith.constant 1 : i32
    %scan3A_91 = scf.for %scan3A_105 = %scan3A_87 to %scan3A_89 step %scan3A_90 iter_args(%scan3A_106 = %scan3A_86) -> (i32)  : i32 {
      %mul3A_107 = arith.constant 2 : i32
      %mul3A_108 = arith.muli %scan3A_105, %mul3A_107 : i32
      %add3A_109 = arith.constant 0 : i32
      %add3A_110 = arith.addi %mul3A_108, %add3A_109 : i32
      %add3A_111 = arith.constant 1 : i32
      %add3A_112 = arith.addi %add3A_110, %add3A_111 : i32
      %lt3A = arith.constant 256 : i32
      %lt3A_113 = arith.cmpi slt, %add3A_112, %lt3A : i32
      %convert_element_type3A = arith.extui %lt3A_113 : i1 to i32
      %cond3A = arith.constant 0 : i32
      %cond3A_114 = arith.cmpi ne, %convert_element_type3A, %cond3A : i32
      scf.if %cond3A_114 {
        %add3A_233 = arith.constant 1 : i32
        %add3A_234 = arith.addi %add3A_110, %add3A_233 : i32
        %add3A_235 = arith.addi %mul3A_2, %add3A_234 : i32
        %mul3A_236 = arith.constant 2 : i32
        %mul3A_237 = arith.muli %add3A_235, %mul3A_236 : i32
        %dma_wait3A_238 = arith.constant 1 : i32
        %dma_wait3A_239 = arith.constant 0 : i32
        %dma_wait3A_240 = arith.constant 0 : i32
        %dma_wait3A_241 = tpu.memref_slice %arg8[%dma_wait3A_238, %dma_wait3A_239, %dma_wait3A_240] : memref<2x2x250xi32, #tpu.memory_space<vmem>> -> memref<1x2x250xi32, #tpu.memory_space<vmem>>
        %dma_wait3A_242 = tpu.memref_squeeze %dma_wait3A_241 : memref<1x2x250xi32, #tpu.memory_space<vmem>> -> memref<2x250xi32, #tpu.memory_space<vmem>>
        %dma_wait3A_243 = arith.constant 0 : i32
        %dma_wait3A_244 = tpu.memref_slice %arg2[%mul3A_237, %dma_wait3A_243] : memref<16384x250xi32, #tpu.memory_space<hbm>> -> memref<2x250xi32, #tpu.memory_space<hbm>>
        %dma_wait3A_245 = arith.constant 0 : i32
        %dma_wait3A_246 = arith.constant 0 : i32
        %dma_wait3A_247 = tpu.memref_slice %arg8[%dma_wait3A_238, %dma_wait3A_245, %dma_wait3A_246] : memref<2x2x250xi32, #tpu.memory_space<vmem>> -> memref<1x2x250xi32, #tpu.memory_space<vmem>>
        %dma_wait3A_248 = tpu.memref_squeeze %dma_wait3A_247 : memref<1x2x250xi32, #tpu.memory_space<vmem>> -> memref<2x250xi32, #tpu.memory_space<vmem>>
        %dma_wait3A_249 = arith.constant 0 : i32
        %dma_wait3A_250 = tpu.memref_slice %arg2[%mul3A_237, %dma_wait3A_249] : memref<16384x250xi32, #tpu.memory_space<hbm>> -> memref<2x250xi32, #tpu.memory_space<hbm>>
        tpu.wait_dma2 semaphore(%arg17 : memref<!tpu.dma_semaphore, #tpu.memory_space<semaphore_mem>>) src(%dma_wait3A_250 : memref<2x250xi32, #tpu.memory_space<hbm>>) dst(%dma_wait3A_248 : memref<2x250xi32, #tpu.memory_space<vmem>>)
        %dma_start3A_251 = arith.constant 1 : i32
        %dma_start3A_252 = arith.constant 0 : i32
        %dma_start3A_253 = arith.constant 1 : i32
        %dma_start3A_254 = arith.constant 0 : i32
        %dma_start3A_255 = arith.constant 0 : i32
        %dma_start3A_256 = arith.constant 0 : i32
        %dma_start3A_257 = tpu.memref_slice %arg9[%dma_start3A_253, %dma_start3A_254, %dma_start3A_255, %dma_start3A_256] : memref<2x2x250x64xf32, #tpu.memory_space<vmem>> -> memref<1x1x250x64xf32, #tpu.memory_space<vmem>>
        %dma_start3A_258 = tpu.memref_squeeze %dma_start3A_257 : memref<1x1x250x64xf32, #tpu.memory_space<vmem>> -> memref<250x64xf32, #tpu.memory_space<vmem>>
        %dma_start3A_259 = arith.constant 0 : i32
        %dma_start3A_260 = tpu.memref_slice %arg8[%dma_start3A_251, %dma_start3A_252, %dma_start3A_259] : memref<2x2x250xi32, #tpu.memory_space<vmem>> -> memref<1x1x250xi32, #tpu.memory_space<vmem>>
        %dma_start3A_261 = tpu.memref_squeeze %dma_start3A_260 : memref<1x1x250xi32, #tpu.memory_space<vmem>> -> memref<250xi32, #tpu.memory_space<vmem>>
        %dma_start3A_262 = arith.constant 0 : i32
        %dma_start3A_263 = arith.constant 0 : i32
        %dma_start3A_264 = tpu.memref_slice %arg3[%dma_start3A_262, %dma_start3A_263] : memref<100001x64xf32, #tpu.memory_space<hbm>> -> memref<100001x64xf32, #tpu.memory_space<hbm>>
        tpu.enqueue_indirect_dma source(%dma_start3A_264 : memref<100001x64xf32, #tpu.memory_space<hbm>>) target(%dma_start3A_258 : memref<250x64xf32, #tpu.memory_space<vmem>>) offsets(%dma_start3A_261 : memref<250xi32, #tpu.memory_space<vmem>>) semaphore(%arg15 : memref<!tpu.dma_semaphore, #tpu.memory_space<semaphore_mem>>)
        %dma_start3A_265 = arith.constant 1 : i32
        %dma_start3A_266 = arith.constant 1 : i32
        %dma_start3A_267 = arith.constant 1 : i32
        %dma_start3A_268 = arith.constant 1 : i32
        %dma_start3A_269 = arith.constant 0 : i32
        %dma_start3A_270 = arith.constant 0 : i32
        %dma_start3A_271 = tpu.memref_slice %arg9[%dma_start3A_267, %dma_start3A_268, %dma_start3A_269, %dma_start3A_270] : memref<2x2x250x64xf32, #tpu.memory_space<vmem>> -> memref<1x1x250x64xf32, #tpu.memory_space<vmem>>
        %dma_start3A_272 = tpu.memref_squeeze %dma_start3A_271 : memref<1x1x250x64xf32, #tpu.memory_space<vmem>> -> memref<250x64xf32, #tpu.memory_space<vmem>>
        %dma_start3A_273 = arith.constant 0 : i32
        %dma_start3A_274 = tpu.memref_slice %arg8[%dma_start3A_265, %dma_start3A_266, %dma_start3A_273] : memref<2x2x250xi32, #tpu.memory_space<vmem>> -> memref<1x1x250xi32, #tpu.memory_space<vmem>>
        %dma_start3A_275 = tpu.memref_squeeze %dma_start3A_274 : memref<1x1x250xi32, #tpu.memory_space<vmem>> -> memref<250xi32, #tpu.memory_space<vmem>>
        %dma_start3A_276 = arith.constant 0 : i32
        %dma_start3A_277 = arith.constant 0 : i32
        %dma_start3A_278 = tpu.memref_slice %arg3[%dma_start3A_276, %dma_start3A_277] : memref<100001x64xf32, #tpu.memory_space<hbm>> -> memref<100001x64xf32, #tpu.memory_space<hbm>>
        tpu.enqueue_indirect_dma source(%dma_start3A_278 : memref<100001x64xf32, #tpu.memory_space<hbm>>) target(%dma_start3A_272 : memref<250x64xf32, #tpu.memory_space<vmem>>) offsets(%dma_start3A_275 : memref<250xi32, #tpu.memory_space<vmem>>) semaphore(%arg15 : memref<!tpu.dma_semaphore, #tpu.memory_space<semaphore_mem>>)
      } else {
      }
      %dma_wait3A_115 = arith.constant 0 : i32
      %dma_wait3A_116 = arith.constant 0 : i32
      %dma_wait3A_117 = arith.constant 0 : i32
      %dma_wait3A_118 = arith.constant 0 : i32
      %dma_wait3A_119 = arith.constant 0 : i32
      %dma_wait3A_120 = arith.constant 0 : i32
      %dma_wait3A_121 = tpu.memref_slice %arg9[%dma_wait3A_117, %dma_wait3A_118, %dma_wait3A_119, %dma_wait3A_120] : memref<2x2x250x64xf32, #tpu.memory_space<vmem>> -> memref<1x1x250x64xf32, #tpu.memory_space<vmem>>
      %dma_wait3A_122 = tpu.memref_squeeze %dma_wait3A_121 : memref<1x1x250x64xf32, #tpu.memory_space<vmem>> -> memref<250x64xf32, #tpu.memory_space<vmem>>
      %dma_wait3A_123 = arith.constant 0 : i32
      %dma_wait3A_124 = tpu.memref_slice %arg8[%dma_wait3A_115, %dma_wait3A_116, %dma_wait3A_123] : memref<2x2x250xi32, #tpu.memory_space<vmem>> -> memref<1x1x250xi32, #tpu.memory_space<vmem>>
      %dma_wait3A_125 = tpu.memref_squeeze %dma_wait3A_124 : memref<1x1x250xi32, #tpu.memory_space<vmem>> -> memref<250xi32, #tpu.memory_space<vmem>>
      %dma_wait3A_126 = arith.constant 0 : i32
      %dma_wait3A_127 = arith.constant 0 : i32
      %dma_wait3A_128 = tpu.memref_slice %arg3[%dma_wait3A_126, %dma_wait3A_127] : memref<100001x64xf32, #tpu.memory_space<hbm>> -> memref<100001x64xf32, #tpu.memory_space<hbm>>
      tpu.wait_indirect_dma semaphore(%arg14 : memref<!tpu.dma_semaphore, #tpu.memory_space<semaphore_mem>>) src(%dma_wait3A_128 : memref<100001x64xf32, #tpu.memory_space<hbm>>) dst(%dma_wait3A_122 : memref<250x64xf32, #tpu.memory_space<vmem>>)
      %dma_wait3A_129 = arith.constant 0 : i32
      %dma_wait3A_130 = arith.constant 1 : i32
      %dma_wait3A_131 = arith.constant 0 : i32
      %dma_wait3A_132 = arith.constant 1 : i32
      %dma_wait3A_133 = arith.constant 0 : i32
      %dma_wait3A_134 = arith.constant 0 : i32
      %dma_wait3A_135 = tpu.memref_slice %arg9[%dma_wait3A_131, %dma_wait3A_132, %dma_wait3A_133, %dma_wait3A_134] : memref<2x2x250x64xf32, #tpu.memory_space<vmem>> -> memref<1x1x250x64xf32, #tpu.memory_space<vmem>>
      %dma_wait3A_136 = tpu.memref_squeeze %dma_wait3A_135 : memref<1x1x250x64xf32, #tpu.memory_space<vmem>> -> memref<250x64xf32, #tpu.memory_space<vmem>>
      %dma_wait3A_137 = arith.constant 0 : i32
      %dma_wait3A_138 = tpu.memref_slice %arg8[%dma_wait3A_129, %dma_wait3A_130, %dma_wait3A_137] : memref<2x2x250xi32, #tpu.memory_space<vmem>> -> memref<1x1x250xi32, #tpu.memory_space<vmem>>
      %dma_wait3A_139 = tpu.memref_squeeze %dma_wait3A_138 : memref<1x1x250xi32, #tpu.memory_space<vmem>> -> memref<250xi32, #tpu.memory_space<vmem>>
      %dma_wait3A_140 = arith.constant 0 : i32
      %dma_wait3A_141 = arith.constant 0 : i32
      %dma_wait3A_142 = tpu.memref_slice %arg3[%dma_wait3A_140, %dma_wait3A_141] : memref<100001x64xf32, #tpu.memory_space<hbm>> -> memref<100001x64xf32, #tpu.memory_space<hbm>>
      tpu.wait_indirect_dma semaphore(%arg14 : memref<!tpu.dma_semaphore, #tpu.memory_space<semaphore_mem>>) src(%dma_wait3A_142 : memref<100001x64xf32, #tpu.memory_space<hbm>>) dst(%dma_wait3A_136 : memref<250x64xf32, #tpu.memory_space<vmem>>)
      %add3A_143 = arith.constant 2 : i32
      %add3A_144 = arith.addi %add3A_110, %add3A_143 : i32
      %lt3A_145 = arith.constant 256 : i32
      %lt3A_146 = arith.cmpi slt, %add3A_144, %lt3A_145 : i32
      %convert_element_type3A_147 = arith.extui %lt3A_146 : i1 to i32
      %cond3A_148 = arith.constant 0 : i32
      %cond3A_149 = arith.cmpi ne, %convert_element_type3A_147, %cond3A_148 : i32
      scf.if %cond3A_149 {
        %add3A_233 = arith.constant 2 : i32
        %add3A_234 = arith.addi %add3A_110, %add3A_233 : i32
        %add3A_235 = arith.addi %mul3A_2, %add3A_234 : i32
        %mul3A_236 = arith.constant 2 : i32
        %mul3A_237 = arith.muli %add3A_235, %mul3A_236 : i32
        %dma_start3A_238 = arith.constant 0 : i32
        %dma_start3A_239 = arith.constant 0 : i32
        %dma_start3A_240 = arith.constant 0 : i32
        %dma_start3A_241 = tpu.memref_slice %arg8[%dma_start3A_238, %dma_start3A_239, %dma_start3A_240] : memref<2x2x250xi32, #tpu.memory_space<vmem>> -> memref<1x2x250xi32, #tpu.memory_space<vmem>>
        %dma_start3A_242 = tpu.memref_squeeze %dma_start3A_241 : memref<1x2x250xi32, #tpu.memory_space<vmem>> -> memref<2x250xi32, #tpu.memory_space<vmem>>
        %dma_start3A_243 = arith.constant 0 : i32
        %dma_start3A_244 = tpu.memref_slice %arg2[%mul3A_237, %dma_start3A_243] : memref<16384x250xi32, #tpu.memory_space<hbm>> -> memref<2x250xi32, #tpu.memory_space<hbm>>
        %dma_start3A_245 = arith.constant 0 : i32
        %dma_start3A_246 = arith.constant 0 : i32
        %dma_start3A_247 = tpu.memref_slice %arg8[%dma_start3A_238, %dma_start3A_245, %dma_start3A_246] : memref<2x2x250xi32, #tpu.memory_space<vmem>> -> memref<1x2x250xi32, #tpu.memory_space<vmem>>
        %dma_start3A_248 = tpu.memref_squeeze %dma_start3A_247 : memref<1x2x250xi32, #tpu.memory_space<vmem>> -> memref<2x250xi32, #tpu.memory_space<vmem>>
        %dma_start3A_249 = arith.constant 0 : i32
        %dma_start3A_250 = tpu.memref_slice %arg2[%mul3A_237, %dma_start3A_249] : memref<16384x250xi32, #tpu.memory_space<hbm>> -> memref<2x250xi32, #tpu.memory_space<hbm>>
        tpu.enqueue_dma source(%dma_start3A_250 : memref<2x250xi32, #tpu.memory_space<hbm>>) target(%dma_start3A_248 : memref<2x250xi32, #tpu.memory_space<vmem>>) target_semaphore(%arg16 : memref<!tpu.dma_semaphore, #tpu.memory_space<semaphore_mem>>)
      } else {
      }
      %parallel_loop3A = arith.constant 0 : i32
      %parallel_loop3A_150 = arith.constant 100 : i32
      %parallel_loop3A_151 = arith.constant 1 : i32
      scf.for %parallel_loop3A_233 = %parallel_loop3A to %parallel_loop3A_150 step %parallel_loop3A_151  : i32 {
        %parallel_loop3A_234 = arith.constant 50 : i32
        %parallel_loop3A_235 = arith.divsi %parallel_loop3A_233, %parallel_loop3A_234 : i32
        %parallel_loop3A_236 = arith.constant 50 : i32
        %parallel_loop3A_237 = arith.remsi %parallel_loop3A_233, %parallel_loop3A_236 : i32
        %parallel_loop3A_238 = arith.constant 5 : i32
        %parallel_loop3A_239 = arith.muli %parallel_loop3A_237, %parallel_loop3A_238 : i32
        %parallel_loop3A_240 = arith.constant 64 : i32
        %parallel_loop3A_241 = arith.muli %parallel_loop3A_233, %parallel_loop3A_240 : i32
        %parallel_loop3A_242 = arith.constant 0 : i32
        %parallel_loop3A_243 = arith.index_cast %parallel_loop3A_242 : i32 to index
        %parallel_loop3A_244 = arith.index_cast %parallel_loop3A_235 : i32 to index
        %parallel_loop3A_245 = arith.index_cast %parallel_loop3A_239 : i32 to index
        %parallel_loop3A_246 = arith.constant 0 : index
        %parallel_loop3A_247 = tpu.vector_load %arg9[%parallel_loop3A_243, %parallel_loop3A_244, %parallel_loop3A_245, %parallel_loop3A_246] {strides = array<i32>} : memref<2x2x250x64xf32, #tpu.memory_space<vmem>>, vector<1x1x1x16xf32>,
        %parallel_loop3A_248 = vector.shape_cast %parallel_loop3A_247 : vector<1x1x1x16xf32> to vector<16xf32>
        %parallel_loop3A_249 = arith.constant 1 : i32
        %parallel_loop3A_250 = arith.addi %parallel_loop3A_239, %parallel_loop3A_249 : i32
        %parallel_loop3A_251 = arith.constant 0 : i32
        %parallel_loop3A_252 = arith.index_cast %parallel_loop3A_251 : i32 to index
        %parallel_loop3A_253 = arith.index_cast %parallel_loop3A_235 : i32 to index
        %parallel_loop3A_254 = arith.index_cast %parallel_loop3A_250 : i32 to index
        %parallel_loop3A_255 = arith.constant 0 : index
        %parallel_loop3A_256 = tpu.vector_load %arg9[%parallel_loop3A_252, %parallel_loop3A_253, %parallel_loop3A_254, %parallel_loop3A_255] {strides = array<i32>} : memref<2x2x250x64xf32, #tpu.memory_space<vmem>>, vector<1x1x1x16xf32>,
        %parallel_loop3A_257 = vector.shape_cast %parallel_loop3A_256 : vector<1x1x1x16xf32> to vector<16xf32>
        %parallel_loop3A_258 = arith.addf %parallel_loop3A_248, %parallel_loop3A_257 : vector<16xf32>
        %parallel_loop3A_259 = arith.constant 2 : i32
        %parallel_loop3A_260 = arith.addi %parallel_loop3A_239, %parallel_loop3A_259 : i32
        %parallel_loop3A_261 = arith.constant 0 : i32
        %parallel_loop3A_262 = arith.index_cast %parallel_loop3A_261 : i32 to index
        %parallel_loop3A_263 = arith.index_cast %parallel_loop3A_235 : i32 to index
        %parallel_loop3A_264 = arith.index_cast %parallel_loop3A_260 : i32 to index
        %parallel_loop3A_265 = arith.constant 0 : index
        %parallel_loop3A_266 = tpu.vector_load %arg9[%parallel_loop3A_262, %parallel_loop3A_263, %parallel_loop3A_264, %parallel_loop3A_265] {strides = array<i32>} : memref<2x2x250x64xf32, #tpu.memory_space<vmem>>, vector<1x1x1x16xf32>,
        %parallel_loop3A_267 = vector.shape_cast %parallel_loop3A_266 : vector<1x1x1x16xf32> to vector<16xf32>
        %parallel_loop3A_268 = arith.addf %parallel_loop3A_258, %parallel_loop3A_267 : vector<16xf32>
        %parallel_loop3A_269 = arith.constant 3 : i32
        %parallel_loop3A_270 = arith.addi %parallel_loop3A_239, %parallel_loop3A_269 : i32
        %parallel_loop3A_271 = arith.constant 0 : i32
        %parallel_loop3A_272 = arith.index_cast %parallel_loop3A_271 : i32 to index
        %parallel_loop3A_273 = arith.index_cast %parallel_loop3A_235 : i32 to index
        %parallel_loop3A_274 = arith.index_cast %parallel_loop3A_270 : i32 to index
        %parallel_loop3A_275 = arith.constant 0 : index
        %parallel_loop3A_276 = tpu.vector_load %arg9[%parallel_loop3A_272, %parallel_loop3A_273, %parallel_loop3A_274, %parallel_loop3A_275] {strides = array<i32>} : memref<2x2x250x64xf32, #tpu.memory_space<vmem>>, vector<1x1x1x16xf32>,
        %parallel_loop3A_277 = vector.shape_cast %parallel_loop3A_276 : vector<1x1x1x16xf32> to vector<16xf32>
        %parallel_loop3A_278 = arith.addf %parallel_loop3A_268, %parallel_loop3A_277 : vector<16xf32>
        %parallel_loop3A_279 = arith.constant 4 : i32
        %parallel_loop3A_280 = arith.addi %parallel_loop3A_239, %parallel_loop3A_279 : i32
        %parallel_loop3A_281 = arith.constant 0 : i32
        %parallel_loop3A_282 = arith.index_cast %parallel_loop3A_281 : i32 to index
        %parallel_loop3A_283 = arith.index_cast %parallel_loop3A_235 : i32 to index
        %parallel_loop3A_284 = arith.index_cast %parallel_loop3A_280 : i32 to index
        %parallel_loop3A_285 = arith.constant 0 : index
        %parallel_loop3A_286 = tpu.vector_load %arg9[%parallel_loop3A_282, %parallel_loop3A_283, %parallel_loop3A_284, %parallel_loop3A_285] {strides = array<i32>} : memref<2x2x250x64xf32, #tpu.memory_space<vmem>>, vector<1x1x1x16xf32>,
        %parallel_loop3A_287 = vector.shape_cast %parallel_loop3A_286 : vector<1x1x1x16xf32> to vector<16xf32>
        %parallel_loop3A_288 = arith.addf %parallel_loop3A_278, %parallel_loop3A_287 : vector<16xf32>
        %parallel_loop3A_289 = vector.broadcast %scan3A : f32 to vector<16xf32>
        %parallel_loop3A_290 = arith.mulf %parallel_loop3A_288, %parallel_loop3A_289 : vector<16xf32>
        %parallel_loop3A_291 = arith.index_cast %parallel_loop3A_237 : i32 to index
        %parallel_loop3A_292 = arith.constant 0 : index
        %parallel_loop3A_293 = tpu.vector_load %arg11[%parallel_loop3A_291, %parallel_loop3A_292] {strides = array<i32>} : memref<100x64xf32, #tpu.memory_space<vmem>>, vector<1x16xf32>,
        %parallel_loop3A_294 = vector.shape_cast %parallel_loop3A_293 : vector<1x16xf32> to vector<16xf32>
        %parallel_loop3A_295 = arith.addf %parallel_loop3A_290, %parallel_loop3A_294 : vector<16xf32>
        %parallel_loop3A_296 = arith.constant 0 : i32
        %parallel_loop3A_297 = arith.index_cast %parallel_loop3A_296 : i32 to index
        %parallel_loop3A_298 = arith.index_cast %parallel_loop3A_235 : i32 to index
        %parallel_loop3A_299 = arith.index_cast %parallel_loop3A_239 : i32 to index
        %parallel_loop3A_300 = arith.constant 16 : index
        %parallel_loop3A_301 = tpu.vector_load %arg9[%parallel_loop3A_297, %parallel_loop3A_298, %parallel_loop3A_299, %parallel_loop3A_300] {strides = array<i32>} : memref<2x2x250x64xf32, #tpu.memory_space<vmem>>, vector<1x1x1x16xf32>,
        %parallel_loop3A_302 = vector.shape_cast %parallel_loop3A_301 : vector<1x1x1x16xf32> to vector<16xf32>
        %parallel_loop3A_303 = arith.constant 1 : i32
        %parallel_loop3A_304 = arith.addi %parallel_loop3A_239, %parallel_loop3A_303 : i32
        %parallel_loop3A_305 = arith.constant 0 : i32
        %parallel_loop3A_306 = arith.index_cast %parallel_loop3A_305 : i32 to index
        %parallel_loop3A_307 = arith.index_cast %parallel_loop3A_235 : i32 to index
        %parallel_loop3A_308 = arith.index_cast %parallel_loop3A_304 : i32 to index
        %parallel_loop3A_309 = arith.constant 16 : index
        %parallel_loop3A_310 = tpu.vector_load %arg9[%parallel_loop3A_306, %parallel_loop3A_307, %parallel_loop3A_308, %parallel_loop3A_309] {strides = array<i32>} : memref<2x2x250x64xf32, #tpu.memory_space<vmem>>, vector<1x1x1x16xf32>,
        %parallel_loop3A_311 = vector.shape_cast %parallel_loop3A_310 : vector<1x1x1x16xf32> to vector<16xf32>
        %parallel_loop3A_312 = arith.addf %parallel_loop3A_302, %parallel_loop3A_311 : vector<16xf32>
        %parallel_loop3A_313 = arith.constant 2 : i32
        %parallel_loop3A_314 = arith.addi %parallel_loop3A_239, %parallel_loop3A_313 : i32
        %parallel_loop3A_315 = arith.constant 0 : i32
        %parallel_loop3A_316 = arith.index_cast %parallel_loop3A_315 : i32 to index
        %parallel_loop3A_317 = arith.index_cast %parallel_loop3A_235 : i32 to index
        %parallel_loop3A_318 = arith.index_cast %parallel_loop3A_314 : i32 to index
        %parallel_loop3A_319 = arith.constant 16 : index
        %parallel_loop3A_320 = tpu.vector_load %arg9[%parallel_loop3A_316, %parallel_loop3A_317, %parallel_loop3A_318, %parallel_loop3A_319] {strides = array<i32>} : memref<2x2x250x64xf32, #tpu.memory_space<vmem>>, vector<1x1x1x16xf32>,
        %parallel_loop3A_321 = vector.shape_cast %parallel_loop3A_320 : vector<1x1x1x16xf32> to vector<16xf32>
        %parallel_loop3A_322 = arith.addf %parallel_loop3A_312, %parallel_loop3A_321 : vector<16xf32>
        %parallel_loop3A_323 = arith.constant 3 : i32
        %parallel_loop3A_324 = arith.addi %parallel_loop3A_239, %parallel_loop3A_323 : i32
        %parallel_loop3A_325 = arith.constant 0 : i32
        %parallel_loop3A_326 = arith.index_cast %parallel_loop3A_325 : i32 to index
        %parallel_loop3A_327 = arith.index_cast %parallel_loop3A_235 : i32 to index
        %parallel_loop3A_328 = arith.index_cast %parallel_loop3A_324 : i32 to index
        %parallel_loop3A_329 = arith.constant 16 : index
        %parallel_loop3A_330 = tpu.vector_load %arg9[%parallel_loop3A_326, %parallel_loop3A_327, %parallel_loop3A_328, %parallel_loop3A_329] {strides = array<i32>} : memref<2x2x250x64xf32, #tpu.memory_space<vmem>>, vector<1x1x1x16xf32>,
        %parallel_loop3A_331 = vector.shape_cast %parallel_loop3A_330 : vector<1x1x1x16xf32> to vector<16xf32>
        %parallel_loop3A_332 = arith.addf %parallel_loop3A_322, %parallel_loop3A_331 : vector<16xf32>
        %parallel_loop3A_333 = arith.constant 4 : i32
        %parallel_loop3A_334 = arith.addi %parallel_loop3A_239, %parallel_loop3A_333 : i32
        %parallel_loop3A_335 = arith.constant 0 : i32
        %parallel_loop3A_336 = arith.index_cast %parallel_loop3A_335 : i32 to index
        %parallel_loop3A_337 = arith.index_cast %parallel_loop3A_235 : i32 to index
        %parallel_loop3A_338 = arith.index_cast %parallel_loop3A_334 : i32 to index
        %parallel_loop3A_339 = arith.constant 16 : index
        %parallel_loop3A_340 = tpu.vector_load %arg9[%parallel_loop3A_336, %parallel_loop3A_337, %parallel_loop3A_338, %parallel_loop3A_339] {strides = array<i32>} : memref<2x2x250x64xf32, #tpu.memory_space<vmem>>, vector<1x1x1x16xf32>,
        %parallel_loop3A_341 = vector.shape_cast %parallel_loop3A_340 : vector<1x1x1x16xf32> to vector<16xf32>
        %parallel_loop3A_342 = arith.addf %parallel_loop3A_332, %parallel_loop3A_341 : vector<16xf32>
        %parallel_loop3A_343 = vector.broadcast %scan3A : f32 to vector<16xf32>
        %parallel_loop3A_344 = arith.mulf %parallel_loop3A_342, %parallel_loop3A_343 : vector<16xf32>
        %parallel_loop3A_345 = arith.index_cast %parallel_loop3A_237 : i32 to index
        %parallel_loop3A_346 = arith.constant 16 : index
        %parallel_loop3A_347 = tpu.vector_load %arg11[%parallel_loop3A_345, %parallel_loop3A_346] {strides = array<i32>} : memref<100x64xf32, #tpu.memory_space<vmem>>, vector<1x16xf32>,
        %parallel_loop3A_348 = vector.shape_cast %parallel_loop3A_347 : vector<1x16xf32> to vector<16xf32>
        %parallel_loop3A_349 = arith.addf %parallel_loop3A_344, %parallel_loop3A_348 : vector<16xf32>
        %parallel_loop3A_350 = arith.constant 0 : i32
        %parallel_loop3A_351 = arith.index_cast %parallel_loop3A_350 : i32 to index
        %parallel_loop3A_352 = arith.index_cast %parallel_loop3A_235 : i32 to index
        %parallel_loop3A_353 = arith.index_cast %parallel_loop3A_239 : i32 to index
        %parallel_loop3A_354 = arith.constant 32 : index
        %parallel_loop3A_355 = tpu.vector_load %arg9[%parallel_loop3A_351, %parallel_loop3A_352, %parallel_loop3A_353, %parallel_loop3A_354] {strides = array<i32>} : memref<2x2x250x64xf32, #tpu.memory_space<vmem>>, vector<1x1x1x16xf32>,
        %parallel_loop3A_356 = vector.shape_cast %parallel_loop3A_355 : vector<1x1x1x16xf32> to vector<16xf32>
        %parallel_loop3A_357 = arith.constant 1 : i32
        %parallel_loop3A_358 = arith.addi %parallel_loop3A_239, %parallel_loop3A_357 : i32
        %parallel_loop3A_359 = arith.constant 0 : i32
        %parallel_loop3A_360 = arith.index_cast %parallel_loop3A_359 : i32 to index
        %parallel_loop3A_361 = arith.index_cast %parallel_loop3A_235 : i32 to index
        %parallel_loop3A_362 = arith.index_cast %parallel_loop3A_358 : i32 to index
        %parallel_loop3A_363 = arith.constant 32 : index
        %parallel_loop3A_364 = tpu.vector_load %arg9[%parallel_loop3A_360, %parallel_loop3A_361, %parallel_loop3A_362, %parallel_loop3A_363] {strides = array<i32>} : memref<2x2x250x64xf32, #tpu.memory_space<vmem>>, vector<1x1x1x16xf32>,
        %parallel_loop3A_365 = vector.shape_cast %parallel_loop3A_364 : vector<1x1x1x16xf32> to vector<16xf32>
        %parallel_loop3A_366 = arith.addf %parallel_loop3A_356, %parallel_loop3A_365 : vector<16xf32>
        %parallel_loop3A_367 = arith.constant 2 : i32
        %parallel_loop3A_368 = arith.addi %parallel_loop3A_239, %parallel_loop3A_367 : i32
        %parallel_loop3A_369 = arith.constant 0 : i32
        %parallel_loop3A_370 = arith.index_cast %parallel_loop3A_369 : i32 to index
        %parallel_loop3A_371 = arith.index_cast %parallel_loop3A_235 : i32 to index
        %parallel_loop3A_372 = arith.index_cast %parallel_loop3A_368 : i32 to index
        %parallel_loop3A_373 = arith.constant 32 : index
        %parallel_loop3A_374 = tpu.vector_load %arg9[%parallel_loop3A_370, %parallel_loop3A_371, %parallel_loop3A_372, %parallel_loop3A_373] {strides = array<i32>} : memref<2x2x250x64xf32, #tpu.memory_space<vmem>>, vector<1x1x1x16xf32>,
        %parallel_loop3A_375 = vector.shape_cast %parallel_loop3A_374 : vector<1x1x1x16xf32> to vector<16xf32>
        %parallel_loop3A_376 = arith.addf %parallel_loop3A_366, %parallel_loop3A_375 : vector<16xf32>
        %parallel_loop3A_377 = arith.constant 3 : i32
        %parallel_loop3A_378 = arith.addi %parallel_loop3A_239, %parallel_loop3A_377 : i32
        %parallel_loop3A_379 = arith.constant 0 : i32
        %parallel_loop3A_380 = arith.index_cast %parallel_loop3A_379 : i32 to index
        %parallel_loop3A_381 = arith.index_cast %parallel_loop3A_235 : i32 to index
        %parallel_loop3A_382 = arith.index_cast %parallel_loop3A_378 : i32 to index
        %parallel_loop3A_383 = arith.constant 32 : index
        %parallel_loop3A_384 = tpu.vector_load %arg9[%parallel_loop3A_380, %parallel_loop3A_381, %parallel_loop3A_382, %parallel_loop3A_383] {strides = array<i32>} : memref<2x2x250x64xf32, #tpu.memory_space<vmem>>, vector<1x1x1x16xf32>,
        %parallel_loop3A_385 = vector.shape_cast %parallel_loop3A_384 : vector<1x1x1x16xf32> to vector<16xf32>
        %parallel_loop3A_386 = arith.addf %parallel_loop3A_376, %parallel_loop3A_385 : vector<16xf32>
        %parallel_loop3A_387 = arith.constant 4 : i32
        %parallel_loop3A_388 = arith.addi %parallel_loop3A_239, %parallel_loop3A_387 : i32
        %parallel_loop3A_389 = arith.constant 0 : i32
        %parallel_loop3A_390 = arith.index_cast %parallel_loop3A_389 : i32 to index
        %parallel_loop3A_391 = arith.index_cast %parallel_loop3A_235 : i32 to index
        %parallel_loop3A_392 = arith.index_cast %parallel_loop3A_388 : i32 to index
        %parallel_loop3A_393 = arith.constant 32 : index
        %parallel_loop3A_394 = tpu.vector_load %arg9[%parallel_loop3A_390, %parallel_loop3A_391, %parallel_loop3A_392, %parallel_loop3A_393] {strides = array<i32>} : memref<2x2x250x64xf32, #tpu.memory_space<vmem>>, vector<1x1x1x16xf32>,
        %parallel_loop3A_395 = vector.shape_cast %parallel_loop3A_394 : vector<1x1x1x16xf32> to vector<16xf32>
        %parallel_loop3A_396 = arith.addf %parallel_loop3A_386, %parallel_loop3A_395 : vector<16xf32>
        %parallel_loop3A_397 = vector.broadcast %scan3A : f32 to vector<16xf32>
        %parallel_loop3A_398 = arith.mulf %parallel_loop3A_396, %parallel_loop3A_397 : vector<16xf32>
        %parallel_loop3A_399 = arith.index_cast %parallel_loop3A_237 : i32 to index
        %parallel_loop3A_400 = arith.constant 32 : index
        %parallel_loop3A_401 = tpu.vector_load %arg11[%parallel_loop3A_399, %parallel_loop3A_400] {strides = array<i32>} : memref<100x64xf32, #tpu.memory_space<vmem>>, vector<1x16xf32>,
        %parallel_loop3A_402 = vector.shape_cast %parallel_loop3A_401 : vector<1x16xf32> to vector<16xf32>
        %parallel_loop3A_403 = arith.addf %parallel_loop3A_398, %parallel_loop3A_402 : vector<16xf32>
        %parallel_loop3A_404 = arith.constant 0 : i32
        %parallel_loop3A_405 = arith.index_cast %parallel_loop3A_404 : i32 to index
        %parallel_loop3A_406 = arith.index_cast %parallel_loop3A_235 : i32 to index
        %parallel_loop3A_407 = arith.index_cast %parallel_loop3A_239 : i32 to index
        %parallel_loop3A_408 = arith.constant 48 : index
        %parallel_loop3A_409 = tpu.vector_load %arg9[%parallel_loop3A_405, %parallel_loop3A_406, %parallel_loop3A_407, %parallel_loop3A_408] {strides = array<i32>} : memref<2x2x250x64xf32, #tpu.memory_space<vmem>>, vector<1x1x1x16xf32>,
        %parallel_loop3A_410 = vector.shape_cast %parallel_loop3A_409 : vector<1x1x1x16xf32> to vector<16xf32>
        %parallel_loop3A_411 = arith.constant 1 : i32
        %parallel_loop3A_412 = arith.addi %parallel_loop3A_239, %parallel_loop3A_411 : i32
        %parallel_loop3A_413 = arith.constant 0 : i32
        %parallel_loop3A_414 = arith.index_cast %parallel_loop3A_413 : i32 to index
        %parallel_loop3A_415 = arith.index_cast %parallel_loop3A_235 : i32 to index
        %parallel_loop3A_416 = arith.index_cast %parallel_loop3A_412 : i32 to index
        %parallel_loop3A_417 = arith.constant 48 : index
        %parallel_loop3A_418 = tpu.vector_load %arg9[%parallel_loop3A_414, %parallel_loop3A_415, %parallel_loop3A_416, %parallel_loop3A_417] {strides = array<i32>} : memref<2x2x250x64xf32, #tpu.memory_space<vmem>>, vector<1x1x1x16xf32>,
        %parallel_loop3A_419 = vector.shape_cast %parallel_loop3A_418 : vector<1x1x1x16xf32> to vector<16xf32>
        %parallel_loop3A_420 = arith.addf %parallel_loop3A_410, %parallel_loop3A_419 : vector<16xf32>
        %parallel_loop3A_421 = arith.constant 2 : i32
        %parallel_loop3A_422 = arith.addi %parallel_loop3A_239, %parallel_loop3A_421 : i32
        %parallel_loop3A_423 = arith.constant 0 : i32
        %parallel_loop3A_424 = arith.index_cast %parallel_loop3A_423 : i32 to index
        %parallel_loop3A_425 = arith.index_cast %parallel_loop3A_235 : i32 to index
        %parallel_loop3A_426 = arith.index_cast %parallel_loop3A_422 : i32 to index
        %parallel_loop3A_427 = arith.constant 48 : index
        %parallel_loop3A_428 = tpu.vector_load %arg9[%parallel_loop3A_424, %parallel_loop3A_425, %parallel_loop3A_426, %parallel_loop3A_427] {strides = array<i32>} : memref<2x2x250x64xf32, #tpu.memory_space<vmem>>, vector<1x1x1x16xf32>,
        %parallel_loop3A_429 = vector.shape_cast %parallel_loop3A_428 : vector<1x1x1x16xf32> to vector<16xf32>
        %parallel_loop3A_430 = arith.addf %parallel_loop3A_420, %parallel_loop3A_429 : vector<16xf32>
        %parallel_loop3A_431 = arith.constant 3 : i32
        %parallel_loop3A_432 = arith.addi %parallel_loop3A_239, %parallel_loop3A_431 : i32
        %parallel_loop3A_433 = arith.constant 0 : i32
        %parallel_loop3A_434 = arith.index_cast %parallel_loop3A_433 : i32 to index
        %parallel_loop3A_435 = arith.index_cast %parallel_loop3A_235 : i32 to index
        %parallel_loop3A_436 = arith.index_cast %parallel_loop3A_432 : i32 to index
        %parallel_loop3A_437 = arith.constant 48 : index
        %parallel_loop3A_438 = tpu.vector_load %arg9[%parallel_loop3A_434, %parallel_loop3A_435, %parallel_loop3A_436, %parallel_loop3A_437] {strides = array<i32>} : memref<2x2x250x64xf32, #tpu.memory_space<vmem>>, vector<1x1x1x16xf32>,
        %parallel_loop3A_439 = vector.shape_cast %parallel_loop3A_438 : vector<1x1x1x16xf32> to vector<16xf32>
        %parallel_loop3A_440 = arith.addf %parallel_loop3A_430, %parallel_loop3A_439 : vector<16xf32>
        %parallel_loop3A_441 = arith.constant 4 : i32
        %parallel_loop3A_442 = arith.addi %parallel_loop3A_239, %parallel_loop3A_441 : i32
        %parallel_loop3A_443 = arith.constant 0 : i32
        %parallel_loop3A_444 = arith.index_cast %parallel_loop3A_443 : i32 to index
        %parallel_loop3A_445 = arith.index_cast %parallel_loop3A_235 : i32 to index
        %parallel_loop3A_446 = arith.index_cast %parallel_loop3A_442 : i32 to index
        %parallel_loop3A_447 = arith.constant 48 : index
        %parallel_loop3A_448 = tpu.vector_load %arg9[%parallel_loop3A_444, %parallel_loop3A_445, %parallel_loop3A_446, %parallel_loop3A_447] {strides = array<i32>} : memref<2x2x250x64xf32, #tpu.memory_space<vmem>>, vector<1x1x1x16xf32>,
        %parallel_loop3A_449 = vector.shape_cast %parallel_loop3A_448 : vector<1x1x1x16xf32> to vector<16xf32>
        %parallel_loop3A_450 = arith.addf %parallel_loop3A_440, %parallel_loop3A_449 : vector<16xf32>
        %parallel_loop3A_451 = vector.broadcast %scan3A : f32 to vector<16xf32>
        %parallel_loop3A_452 = arith.mulf %parallel_loop3A_450, %parallel_loop3A_451 : vector<16xf32>
        %parallel_loop3A_453 = arith.index_cast %parallel_loop3A_237 : i32 to index
        %parallel_loop3A_454 = arith.constant 48 : index
        %parallel_loop3A_455 = tpu.vector_load %arg11[%parallel_loop3A_453, %parallel_loop3A_454] {strides = array<i32>} : memref<100x64xf32, #tpu.memory_space<vmem>>, vector<1x16xf32>,
        %parallel_loop3A_456 = vector.shape_cast %parallel_loop3A_455 : vector<1x16xf32> to vector<16xf32>
        %parallel_loop3A_457 = arith.addf %parallel_loop3A_452, %parallel_loop3A_456 : vector<16xf32>
        %parallel_loop3A_458 = arith.addf %parallel_loop3A_295, %parallel_loop3A_349 : vector<16xf32>
        %parallel_loop3A_459 = arith.addf %parallel_loop3A_403, %parallel_loop3A_457 : vector<16xf32>
        %parallel_loop3A_460 = arith.addf %parallel_loop3A_458, %parallel_loop3A_459 : vector<16xf32>
        %parallel_loop3A_461 = arith.mulf %parallel_loop3A_295, %parallel_loop3A_295 : vector<16xf32>
        %parallel_loop3A_462 = arith.mulf %parallel_loop3A_349, %parallel_loop3A_349 : vector<16xf32>
        %parallel_loop3A_463 = arith.addf %parallel_loop3A_461, %parallel_loop3A_462 : vector<16xf32>
        %parallel_loop3A_464 = arith.mulf %parallel_loop3A_403, %parallel_loop3A_403 : vector<16xf32>
        %parallel_loop3A_465 = arith.mulf %parallel_loop3A_457, %parallel_loop3A_457 : vector<16xf32>
        %parallel_loop3A_466 = arith.addf %parallel_loop3A_464, %parallel_loop3A_465 : vector<16xf32>
        %parallel_loop3A_467 = arith.addf %parallel_loop3A_463, %parallel_loop3A_466 : vector<16xf32>
        %parallel_loop3A_468 = vector.shape_cast %xor3A_27 : vector<16xi32> to vector<16x1xi32>
        %parallel_loop3A_469 = vector.shape_cast %parallel_loop3A_468 : vector<16x1xi32> to vector<16xi32>
        %parallel_loop3A_470 = tpu.dynamic_gather %parallel_loop3A_460[%parallel_loop3A_469] in [0] : vector<16xf32>, vector<16xi32> -> vector<16xf32>
        %parallel_loop3A_471 = arith.addf %parallel_loop3A_460, %parallel_loop3A_470 : vector<16xf32>
        %parallel_loop3A_472 = vector.shape_cast %xor3A_30 : vector<16xi32> to vector<16x1xi32>
        %parallel_loop3A_473 = vector.shape_cast %parallel_loop3A_472 : vector<16x1xi32> to vector<16xi32>
        %parallel_loop3A_474 = tpu.dynamic_gather %parallel_loop3A_471[%parallel_loop3A_473] in [0] : vector<16xf32>, vector<16xi32> -> vector<16xf32>
        %parallel_loop3A_475 = arith.addf %parallel_loop3A_471, %parallel_loop3A_474 : vector<16xf32>
        %parallel_loop3A_476 = vector.shape_cast %xor3A_33 : vector<16xi32> to vector<16x1xi32>
        %parallel_loop3A_477 = vector.shape_cast %parallel_loop3A_476 : vector<16x1xi32> to vector<16xi32>
        %parallel_loop3A_478 = tpu.dynamic_gather %parallel_loop3A_475[%parallel_loop3A_477] in [0] : vector<16xf32>, vector<16xi32> -> vector<16xf32>
        %parallel_loop3A_479 = arith.addf %parallel_loop3A_475, %parallel_loop3A_478 : vector<16xf32>
        %parallel_loop3A_480 = vector.shape_cast %xor3A_36 : vector<16xi32> to vector<16x1xi32>
        %parallel_loop3A_481 = vector.shape_cast %parallel_loop3A_480 : vector<16x1xi32> to vector<16xi32>
        %parallel_loop3A_482 = tpu.dynamic_gather %parallel_loop3A_479[%parallel_loop3A_481] in [0] : vector<16xf32>, vector<16xi32> -> vector<16xf32>
        %parallel_loop3A_483 = arith.addf %parallel_loop3A_479, %parallel_loop3A_482 : vector<16xf32>
        %parallel_loop3A_484 = vector.broadcast %scan3A_85 : f32 to vector<16xf32>
        %parallel_loop3A_485 = arith.mulf %parallel_loop3A_483, %parallel_loop3A_484 : vector<16xf32>
        %parallel_loop3A_486 = vector.shape_cast %xor3A_27 : vector<16xi32> to vector<16x1xi32>
        %parallel_loop3A_487 = vector.shape_cast %parallel_loop3A_486 : vector<16x1xi32> to vector<16xi32>
        %parallel_loop3A_488 = tpu.dynamic_gather %parallel_loop3A_467[%parallel_loop3A_487] in [0] : vector<16xf32>, vector<16xi32> -> vector<16xf32>
        %parallel_loop3A_489 = arith.addf %parallel_loop3A_467, %parallel_loop3A_488 : vector<16xf32>
        %parallel_loop3A_490 = vector.shape_cast %xor3A_30 : vector<16xi32> to vector<16x1xi32>
        %parallel_loop3A_491 = vector.shape_cast %parallel_loop3A_490 : vector<16x1xi32> to vector<16xi32>
        %parallel_loop3A_492 = tpu.dynamic_gather %parallel_loop3A_489[%parallel_loop3A_491] in [0] : vector<16xf32>, vector<16xi32> -> vector<16xf32>
        %parallel_loop3A_493 = arith.addf %parallel_loop3A_489, %parallel_loop3A_492 : vector<16xf32>
        %parallel_loop3A_494 = vector.shape_cast %xor3A_33 : vector<16xi32> to vector<16x1xi32>
        %parallel_loop3A_495 = vector.shape_cast %parallel_loop3A_494 : vector<16x1xi32> to vector<16xi32>
        %parallel_loop3A_496 = tpu.dynamic_gather %parallel_loop3A_493[%parallel_loop3A_495] in [0] : vector<16xf32>, vector<16xi32> -> vector<16xf32>
        %parallel_loop3A_497 = arith.addf %parallel_loop3A_493, %parallel_loop3A_496 : vector<16xf32>
        %parallel_loop3A_498 = vector.shape_cast %xor3A_36 : vector<16xi32> to vector<16x1xi32>
        %parallel_loop3A_499 = vector.shape_cast %parallel_loop3A_498 : vector<16x1xi32> to vector<16xi32>
        %parallel_loop3A_500 = tpu.dynamic_gather %parallel_loop3A_497[%parallel_loop3A_499] in [0] : vector<16xf32>, vector<16xi32> -> vector<16xf32>
        %parallel_loop3A_501 = arith.addf %parallel_loop3A_497, %parallel_loop3A_500 : vector<16xf32>
        %parallel_loop3A_502 = vector.broadcast %scan3A_85 : f32 to vector<16xf32>
        %parallel_loop3A_503 = arith.mulf %parallel_loop3A_501, %parallel_loop3A_502 : vector<16xf32>
        %parallel_loop3A_504 = arith.mulf %parallel_loop3A_485, %parallel_loop3A_485 : vector<16xf32>
        %parallel_loop3A_505 = arith.subf %parallel_loop3A_503, %parallel_loop3A_504 : vector<16xf32>
        %parallel_loop3A_506 = arith.constant 9.99999974E-6 : f32
        %parallel_loop3A_507 = vector.broadcast %parallel_loop3A_506 : f32 to vector<16xf32>
        %parallel_loop3A_508 = arith.addf %parallel_loop3A_505, %parallel_loop3A_507 : vector<16xf32>
        %parallel_loop3A_509 = tpu.bitcast %parallel_loop3A_508 : vector<16xf32> -> vector<16xi32>
        %parallel_loop3A_510 = arith.constant 1 : i32
        %parallel_loop3A_511 = vector.broadcast %parallel_loop3A_510 : i32 to vector<16xi32>
        %parallel_loop3A_512 = arith.shrui %parallel_loop3A_509, %parallel_loop3A_511 : vector<16xi32>
        %parallel_loop3A_513 = arith.constant 1597463007 : i32
        %parallel_loop3A_514 = vector.broadcast %parallel_loop3A_513 : i32 to vector<16xi32>
        %parallel_loop3A_515 = arith.subi %parallel_loop3A_514, %parallel_loop3A_512 : vector<16xi32>
        %parallel_loop3A_516 = tpu.bitcast %parallel_loop3A_515 : vector<16xi32> -> vector<16xf32>
        %parallel_loop3A_517 = arith.constant 5.000000e-01 : f32
        %parallel_loop3A_518 = vector.broadcast %parallel_loop3A_517 : f32 to vector<16xf32>
        %parallel_loop3A_519 = arith.mulf %parallel_loop3A_518, %parallel_loop3A_508 : vector<16xf32>
        %parallel_loop3A_520 = arith.mulf %parallel_loop3A_519, %parallel_loop3A_516 : vector<16xf32>
        %parallel_loop3A_521 = arith.mulf %parallel_loop3A_520, %parallel_loop3A_516 : vector<16xf32>
        %parallel_loop3A_522 = arith.constant 1.500000e+00 : f32
        %parallel_loop3A_523 = vector.broadcast %parallel_loop3A_522 : f32 to vector<16xf32>
        %parallel_loop3A_524 = arith.subf %parallel_loop3A_523, %parallel_loop3A_521 : vector<16xf32>
        %parallel_loop3A_525 = arith.mulf %parallel_loop3A_516, %parallel_loop3A_524 : vector<16xf32>
        %parallel_loop3A_526 = arith.constant 5.000000e-01 : f32
        %parallel_loop3A_527 = vector.broadcast %parallel_loop3A_526 : f32 to vector<16xf32>
        %parallel_loop3A_528 = arith.mulf %parallel_loop3A_527, %parallel_loop3A_508 : vector<16xf32>
        %parallel_loop3A_529 = arith.mulf %parallel_loop3A_528, %parallel_loop3A_525 : vector<16xf32>
        %parallel_loop3A_530 = arith.mulf %parallel_loop3A_529, %parallel_loop3A_525 : vector<16xf32>
        %parallel_loop3A_531 = arith.constant 1.500000e+00 : f32
        %parallel_loop3A_532 = vector.broadcast %parallel_loop3A_531 : f32 to vector<16xf32>
        %parallel_loop3A_533 = arith.subf %parallel_loop3A_532, %parallel_loop3A_530 : vector<16xf32>
        %parallel_loop3A_534 = arith.mulf %parallel_loop3A_525, %parallel_loop3A_533 : vector<16xf32>
        %parallel_loop3A_535 = arith.subf %parallel_loop3A_295, %parallel_loop3A_485 : vector<16xf32>
        %parallel_loop3A_536 = arith.mulf %parallel_loop3A_535, %parallel_loop3A_534 : vector<16xf32>
        %parallel_loop3A_537 = arith.mulf %parallel_loop3A_536, %get3A_4 : vector<16xf32>
        %parallel_loop3A_538 = arith.addf %parallel_loop3A_537, %get3A_16 : vector<16xf32>
        %parallel_loop3A_539 = arith.constant 0 : i32
        %parallel_loop3A_540 = arith.addi %parallel_loop3A_241, %parallel_loop3A_539 : i32
        %parallel_loop3A_541 = arith.constant 0 : i32
        %parallel_loop3A_542 = arith.index_cast %parallel_loop3A_541 : i32 to index
        %parallel_loop3A_543 = arith.index_cast %parallel_loop3A_540 : i32 to index
        %parallel_loop3A_544 = tpu.vector_load %arg10[%parallel_loop3A_542, %parallel_loop3A_543] {strides = array<i32>} : memref<2x6400xf32, #tpu.memory_space<vmem>>, vector<1x16xf32>,
        %parallel_loop3A_545 = vector.shape_cast %parallel_loop3A_544 : vector<1x16xf32> to vector<16xf32>
        %parallel_loop3A_546 = vector.shape_cast %parallel_loop3A_538 : vector<16xf32> to vector<1x16xf32>
        tpu.vector_store %arg10[%parallel_loop3A_542, %parallel_loop3A_543], %parallel_loop3A_546 {strides = array<i32>} : memref<2x6400xf32, #tpu.memory_space<vmem>>, vector<1x16xf32>,
        %parallel_loop3A_547 = arith.subf %parallel_loop3A_349, %parallel_loop3A_485 : vector<16xf32>
        %parallel_loop3A_548 = arith.mulf %parallel_loop3A_547, %parallel_loop3A_534 : vector<16xf32>
        %parallel_loop3A_549 = arith.mulf %parallel_loop3A_548, %get3A_7 : vector<16xf32>
        %parallel_loop3A_550 = arith.addf %parallel_loop3A_549, %get3A_19 : vector<16xf32>
        %parallel_loop3A_551 = arith.constant 16 : i32
        %parallel_loop3A_552 = arith.addi %parallel_loop3A_241, %parallel_loop3A_551 : i32
        %parallel_loop3A_553 = arith.constant 0 : i32
        %parallel_loop3A_554 = arith.index_cast %parallel_loop3A_553 : i32 to index
        %parallel_loop3A_555 = arith.index_cast %parallel_loop3A_552 : i32 to index
        %parallel_loop3A_556 = tpu.vector_load %arg10[%parallel_loop3A_554, %parallel_loop3A_555] {strides = array<i32>} : memref<2x6400xf32, #tpu.memory_space<vmem>>, vector<1x16xf32>,
        %parallel_loop3A_557 = vector.shape_cast %parallel_loop3A_556 : vector<1x16xf32> to vector<16xf32>
        %parallel_loop3A_558 = vector.shape_cast %parallel_loop3A_550 : vector<16xf32> to vector<1x16xf32>
        tpu.vector_store %arg10[%parallel_loop3A_554, %parallel_loop3A_555], %parallel_loop3A_558 {strides = array<i32>} : memref<2x6400xf32, #tpu.memory_space<vmem>>, vector<1x16xf32>,
        %parallel_loop3A_559 = arith.subf %parallel_loop3A_403, %parallel_loop3A_485 : vector<16xf32>
        %parallel_loop3A_560 = arith.mulf %parallel_loop3A_559, %parallel_loop3A_534 : vector<16xf32>
        %parallel_loop3A_561 = arith.mulf %parallel_loop3A_560, %get3A_10 : vector<16xf32>
        %parallel_loop3A_562 = arith.addf %parallel_loop3A_561, %get3A_22 : vector<16xf32>
        %parallel_loop3A_563 = arith.constant 32 : i32
        %parallel_loop3A_564 = arith.addi %parallel_loop3A_241, %parallel_loop3A_563 : i32
        %parallel_loop3A_565 = arith.constant 0 : i32
        %parallel_loop3A_566 = arith.index_cast %parallel_loop3A_565 : i32 to index
        %parallel_loop3A_567 = arith.index_cast %parallel_loop3A_564 : i32 to index
        %parallel_loop3A_568 = tpu.vector_load %arg10[%parallel_loop3A_566, %parallel_loop3A_567] {strides = array<i32>} : memref<2x6400xf32, #tpu.memory_space<vmem>>, vector<1x16xf32>,
        %parallel_loop3A_569 = vector.shape_cast %parallel_loop3A_568 : vector<1x16xf32> to vector<16xf32>
        %parallel_loop3A_570 = vector.shape_cast %parallel_loop3A_562 : vector<16xf32> to vector<1x16xf32>
        tpu.vector_store %arg10[%parallel_loop3A_566, %parallel_loop3A_567], %parallel_loop3A_570 {strides = array<i32>} : memref<2x6400xf32, #tpu.memory_space<vmem>>, vector<1x16xf32>,
        %parallel_loop3A_571 = arith.subf %parallel_loop3A_457, %parallel_loop3A_485 : vector<16xf32>
        %parallel_loop3A_572 = arith.mulf %parallel_loop3A_571, %parallel_loop3A_534 : vector<16xf32>
        %parallel_loop3A_573 = arith.mulf %parallel_loop3A_572, %get3A_13 : vector<16xf32>
        %parallel_loop3A_574 = arith.addf %parallel_loop3A_573, %get3A_25 : vector<16xf32>
        %parallel_loop3A_575 = arith.constant 48 : i32
        %parallel_loop3A_576 = arith.addi %parallel_loop3A_241, %parallel_loop3A_575 : i32
        %parallel_loop3A_577 = arith.constant 0 : i32
        %parallel_loop3A_578 = arith.index_cast %parallel_loop3A_577 : i32 to index
        %parallel_loop3A_579 = arith.index_cast %parallel_loop3A_576 : i32 to index
        %parallel_loop3A_580 = tpu.vector_load %arg10[%parallel_loop3A_578, %parallel_loop3A_579] {strides = array<i32>} : memref<2x6400xf32, #tpu.memory_space<vmem>>, vector<1x16xf32>,
        %parallel_loop3A_581 = vector.shape_cast %parallel_loop3A_580 : vector<1x16xf32> to vector<16xf32>
        %parallel_loop3A_582 = vector.shape_cast %parallel_loop3A_574 : vector<16xf32> to vector<1x16xf32>
        tpu.vector_store %arg10[%parallel_loop3A_578, %parallel_loop3A_579], %parallel_loop3A_582 {strides = array<i32>} : memref<2x6400xf32, #tpu.memory_space<vmem>>, vector<1x16xf32>,
      } {sc.loop_unroll_factor = 4 : i64, sc.parallel_access}
      %gt3A = arith.constant 0 : i32
      %gt3A_152 = arith.cmpi sgt, %add3A_110, %gt3A : i32
      %convert_element_type3A_153 = arith.extui %gt3A_152 : i1 to i32
      %cond3A_154 = arith.constant 0 : i32
      %cond3A_155 = arith.cmpi ne, %convert_element_type3A_153, %cond3A_154 : i32
      scf.if %cond3A_155 {
        %sub3A = arith.constant 1 : i32
        %sub3A_233 = arith.subi %add3A_110, %sub3A : i32
        %add3A_234 = arith.addi %mul3A_2, %sub3A_233 : i32
        %mul3A_235 = arith.constant 6400 : i32
        %mul3A_236 = arith.muli %add3A_234, %mul3A_235 : i32
        %dma_wait3A_237 = arith.constant 1 : i32
        %dma_wait3A_238 = arith.constant 0 : i32
        %dma_wait3A_239 = tpu.memref_slice %arg10[%dma_wait3A_237, %dma_wait3A_238] : memref<2x6400xf32, #tpu.memory_space<vmem>> -> memref<1x6400xf32, #tpu.memory_space<vmem>>
        %dma_wait3A_240 = tpu.memref_squeeze %dma_wait3A_239 : memref<1x6400xf32, #tpu.memory_space<vmem>> -> memref<6400xf32, #tpu.memory_space<vmem>>
        %dma_wait3A_241 = tpu.memref_slice %arg7[%mul3A_236] : memref<52428800xf32, #tpu.memory_space<hbm>> -> memref<6400xf32, #tpu.memory_space<hbm>>
        %dma_wait3A_242 = tpu.memref_slice %arg7[%mul3A_236] : memref<52428800xf32, #tpu.memory_space<hbm>> -> memref<6400xf32, #tpu.memory_space<hbm>>
        %dma_wait3A_243 = arith.constant 0 : i32
        %dma_wait3A_244 = tpu.memref_slice %arg10[%dma_wait3A_237, %dma_wait3A_243] : memref<2x6400xf32, #tpu.memory_space<vmem>> -> memref<1x6400xf32, #tpu.memory_space<vmem>>
        %dma_wait3A_245 = tpu.memref_squeeze %dma_wait3A_244 : memref<1x6400xf32, #tpu.memory_space<vmem>> -> memref<6400xf32, #tpu.memory_space<vmem>>
        tpu.wait_dma2 semaphore(%arg18 : memref<!tpu.dma_semaphore, #tpu.memory_space<semaphore_mem>>) src(%dma_wait3A_245 : memref<6400xf32, #tpu.memory_space<vmem>>) dst(%dma_wait3A_242 : memref<6400xf32, #tpu.memory_space<hbm>>)
      } else {
      }
      %add3A_156 = arith.addi %mul3A_2, %add3A_110 : i32
      %mul3A_157 = arith.constant 6400 : i32
      %mul3A_158 = arith.muli %add3A_156, %mul3A_157 : i32
      %dma_start3A_159 = arith.constant 0 : i32
      %dma_start3A_160 = arith.constant 0 : i32
      %dma_start3A_161 = tpu.memref_slice %arg10[%dma_start3A_159, %dma_start3A_160] : memref<2x6400xf32, #tpu.memory_space<vmem>> -> memref<1x6400xf32, #tpu.memory_space<vmem>>
      %dma_start3A_162 = tpu.memref_squeeze %dma_start3A_161 : memref<1x6400xf32, #tpu.memory_space<vmem>> -> memref<6400xf32, #tpu.memory_space<vmem>>
      %dma_start3A_163 = tpu.memref_slice %arg7[%mul3A_158] : memref<52428800xf32, #tpu.memory_space<hbm>> -> memref<6400xf32, #tpu.memory_space<hbm>>
      %dma_start3A_164 = tpu.memref_slice %arg7[%mul3A_158] : memref<52428800xf32, #tpu.memory_space<hbm>> -> memref<6400xf32, #tpu.memory_space<hbm>>
      %dma_start3A_165 = arith.constant 0 : i32
      %dma_start3A_166 = tpu.memref_slice %arg10[%dma_start3A_159, %dma_start3A_165] : memref<2x6400xf32, #tpu.memory_space<vmem>> -> memref<1x6400xf32, #tpu.memory_space<vmem>>
      %dma_start3A_167 = tpu.memref_squeeze %dma_start3A_166 : memref<1x6400xf32, #tpu.memory_space<vmem>> -> memref<6400xf32, #tpu.memory_space<vmem>>
      tpu.enqueue_dma source(%dma_start3A_167 : memref<6400xf32, #tpu.memory_space<vmem>>) target(%dma_start3A_164 : memref<6400xf32, #tpu.memory_space<hbm>>) target_semaphore(%arg18 : memref<!tpu.dma_semaphore, #tpu.memory_space<semaphore_mem>>)
      %add3A_168 = arith.constant 1 : i32
      %add3A_169 = arith.addi %mul3A_108, %add3A_168 : i32
      %add3A_170 = arith.constant 1 : i32
      %add3A_171 = arith.addi %add3A_169, %add3A_170 : i32
      %lt3A_172 = arith.constant 256 : i32
      %lt3A_173 = arith.cmpi slt, %add3A_171, %lt3A_172 : i32
      %convert_element_type3A_174 = arith.extui %lt3A_173 : i1 to i32
      %cond3A_175 = arith.constant 0 : i32
      %cond3A_176 = arith.cmpi ne, %convert_element_type3A_174, %cond3A_175 : i32
      scf.if %cond3A_176 {
        %add3A_233 = arith.constant 1 : i32
        %add3A_234 = arith.addi %add3A_169, %add3A_233 : i32
        %add3A_235 = arith.addi %mul3A_2, %add3A_234 : i32
        %mul3A_236 = arith.constant 2 : i32
        %mul3A_237 = arith.muli %add3A_235, %mul3A_236 : i32
        %dma_wait3A_238 = arith.constant 0 : i32
        %dma_wait3A_239 = arith.constant 0 : i32
        %dma_wait3A_240 = arith.constant 0 : i32
        %dma_wait3A_241 = tpu.memref_slice %arg8[%dma_wait3A_238, %dma_wait3A_239, %dma_wait3A_240] : memref<2x2x250xi32, #tpu.memory_space<vmem>> -> memref<1x2x250xi32, #tpu.memory_space<vmem>>
        %dma_wait3A_242 = tpu.memref_squeeze %dma_wait3A_241 : memref<1x2x250xi32, #tpu.memory_space<vmem>> -> memref<2x250xi32, #tpu.memory_space<vmem>>
        %dma_wait3A_243 = arith.constant 0 : i32
        %dma_wait3A_244 = tpu.memref_slice %arg2[%mul3A_237, %dma_wait3A_243] : memref<16384x250xi32, #tpu.memory_space<hbm>> -> memref<2x250xi32, #tpu.memory_space<hbm>>
        %dma_wait3A_245 = arith.constant 0 : i32
        %dma_wait3A_246 = arith.constant 0 : i32
        %dma_wait3A_247 = tpu.memref_slice %arg8[%dma_wait3A_238, %dma_wait3A_245, %dma_wait3A_246] : memref<2x2x250xi32, #tpu.memory_space<vmem>> -> memref<1x2x250xi32, #tpu.memory_space<vmem>>
        %dma_wait3A_248 = tpu.memref_squeeze %dma_wait3A_247 : memref<1x2x250xi32, #tpu.memory_space<vmem>> -> memref<2x250xi32, #tpu.memory_space<vmem>>
        %dma_wait3A_249 = arith.constant 0 : i32
        %dma_wait3A_250 = tpu.memref_slice %arg2[%mul3A_237, %dma_wait3A_249] : memref<16384x250xi32, #tpu.memory_space<hbm>> -> memref<2x250xi32, #tpu.memory_space<hbm>>
        tpu.wait_dma2 semaphore(%arg16 : memref<!tpu.dma_semaphore, #tpu.memory_space<semaphore_mem>>) src(%dma_wait3A_250 : memref<2x250xi32, #tpu.memory_space<hbm>>) dst(%dma_wait3A_248 : memref<2x250xi32, #tpu.memory_space<vmem>>)
        %dma_start3A_251 = arith.constant 0 : i32
        %dma_start3A_252 = arith.constant 0 : i32
        %dma_start3A_253 = arith.constant 0 : i32
        %dma_start3A_254 = arith.constant 0 : i32
        %dma_start3A_255 = arith.constant 0 : i32
        %dma_start3A_256 = arith.constant 0 : i32
        %dma_start3A_257 = tpu.memref_slice %arg9[%dma_start3A_253, %dma_start3A_254, %dma_start3A_255, %dma_start3A_256] : memref<2x2x250x64xf32, #tpu.memory_space<vmem>> -> memref<1x1x250x64xf32, #tpu.memory_space<vmem>>
        %dma_start3A_258 = tpu.memref_squeeze %dma_start3A_257 : memref<1x1x250x64xf32, #tpu.memory_space<vmem>> -> memref<250x64xf32, #tpu.memory_space<vmem>>
        %dma_start3A_259 = arith.constant 0 : i32
        %dma_start3A_260 = tpu.memref_slice %arg8[%dma_start3A_251, %dma_start3A_252, %dma_start3A_259] : memref<2x2x250xi32, #tpu.memory_space<vmem>> -> memref<1x1x250xi32, #tpu.memory_space<vmem>>
        %dma_start3A_261 = tpu.memref_squeeze %dma_start3A_260 : memref<1x1x250xi32, #tpu.memory_space<vmem>> -> memref<250xi32, #tpu.memory_space<vmem>>
        %dma_start3A_262 = arith.constant 0 : i32
        %dma_start3A_263 = arith.constant 0 : i32
        %dma_start3A_264 = tpu.memref_slice %arg3[%dma_start3A_262, %dma_start3A_263] : memref<100001x64xf32, #tpu.memory_space<hbm>> -> memref<100001x64xf32, #tpu.memory_space<hbm>>
        tpu.enqueue_indirect_dma source(%dma_start3A_264 : memref<100001x64xf32, #tpu.memory_space<hbm>>) target(%dma_start3A_258 : memref<250x64xf32, #tpu.memory_space<vmem>>) offsets(%dma_start3A_261 : memref<250xi32, #tpu.memory_space<vmem>>) semaphore(%arg14 : memref<!tpu.dma_semaphore, #tpu.memory_space<semaphore_mem>>)
        %dma_start3A_265 = arith.constant 0 : i32
        %dma_start3A_266 = arith.constant 1 : i32
        %dma_start3A_267 = arith.constant 0 : i32
        %dma_start3A_268 = arith.constant 1 : i32
        %dma_start3A_269 = arith.constant 0 : i32
        %dma_start3A_270 = arith.constant 0 : i32
        %dma_start3A_271 = tpu.memref_slice %arg9[%dma_start3A_267, %dma_start3A_268, %dma_start3A_269, %dma_start3A_270] : memref<2x2x250x64xf32, #tpu.memory_space<vmem>> -> memref<1x1x250x64xf32, #tpu.memory_space<vmem>>
        %dma_start3A_272 = tpu.memref_squeeze %dma_start3A_271 : memref<1x1x250x64xf32, #tpu.memory_space<vmem>> -> memref<250x64xf32, #tpu.memory_space<vmem>>
        %dma_start3A_273 = arith.constant 0 : i32
        %dma_start3A_274 = tpu.memref_slice %arg8[%dma_start3A_265, %dma_start3A_266, %dma_start3A_273] : memref<2x2x250xi32, #tpu.memory_space<vmem>> -> memref<1x1x250xi32, #tpu.memory_space<vmem>>
        %dma_start3A_275 = tpu.memref_squeeze %dma_start3A_274 : memref<1x1x250xi32, #tpu.memory_space<vmem>> -> memref<250xi32, #tpu.memory_space<vmem>>
        %dma_start3A_276 = arith.constant 0 : i32
        %dma_start3A_277 = arith.constant 0 : i32
        %dma_start3A_278 = tpu.memref_slice %arg3[%dma_start3A_276, %dma_start3A_277] : memref<100001x64xf32, #tpu.memory_space<hbm>> -> memref<100001x64xf32, #tpu.memory_space<hbm>>
        tpu.enqueue_indirect_dma source(%dma_start3A_278 : memref<100001x64xf32, #tpu.memory_space<hbm>>) target(%dma_start3A_272 : memref<250x64xf32, #tpu.memory_space<vmem>>) offsets(%dma_start3A_275 : memref<250xi32, #tpu.memory_space<vmem>>) semaphore(%arg14 : memref<!tpu.dma_semaphore, #tpu.memory_space<semaphore_mem>>)
      } else {
      }
      %dma_wait3A_177 = arith.constant 1 : i32
      %dma_wait3A_178 = arith.constant 0 : i32
      %dma_wait3A_179 = arith.constant 1 : i32
      %dma_wait3A_180 = arith.constant 0 : i32
      %dma_wait3A_181 = arith.constant 0 : i32
      %dma_wait3A_182 = arith.constant 0 : i32
      %dma_wait3A_183 = tpu.memref_slice %arg9[%dma_wait3A_179, %dma_wait3A_180, %dma_wait3A_181, %dma_wait3A_182] : memref<2x2x250x64xf32, #tpu.memory_space<vmem>> -> memref<1x1x250x64xf32, #tpu.memory_space<vmem>>
      %dma_wait3A_184 = tpu.memref_squeeze %dma_wait3A_183 : memref<1x1x250x64xf32, #tpu.memory_space<vmem>> -> memref<250x64xf32, #tpu.memory_space<vmem>>
      %dma_wait3A_185 = arith.constant 0 : i32
      %dma_wait3A_186 = tpu.memref_slice %arg8[%dma_wait3A_177, %dma_wait3A_178, %dma_wait3A_185] : memref<2x2x250xi32, #tpu.memory_space<vmem>> -> memref<1x1x250xi32, #tpu.memory_space<vmem>>
      %dma_wait3A_187 = tpu.memref_squeeze %dma_wait3A_186 : memref<1x1x250xi32, #tpu.memory_space<vmem>> -> memref<250xi32, #tpu.memory_space<vmem>>
      %dma_wait3A_188 = arith.constant 0 : i32
      %dma_wait3A_189 = arith.constant 0 : i32
      %dma_wait3A_190 = tpu.memref_slice %arg3[%dma_wait3A_188, %dma_wait3A_189] : memref<100001x64xf32, #tpu.memory_space<hbm>> -> memref<100001x64xf32, #tpu.memory_space<hbm>>
      tpu.wait_indirect_dma semaphore(%arg15 : memref<!tpu.dma_semaphore, #tpu.memory_space<semaphore_mem>>) src(%dma_wait3A_190 : memref<100001x64xf32, #tpu.memory_space<hbm>>) dst(%dma_wait3A_184 : memref<250x64xf32, #tpu.memory_space<vmem>>)
      %dma_wait3A_191 = arith.constant 1 : i32
      %dma_wait3A_192 = arith.constant 1 : i32
      %dma_wait3A_193 = arith.constant 1 : i32
      %dma_wait3A_194 = arith.constant 1 : i32
      %dma_wait3A_195 = arith.constant 0 : i32
      %dma_wait3A_196 = arith.constant 0 : i32
      %dma_wait3A_197 = tpu.memref_slice %arg9[%dma_wait3A_193, %dma_wait3A_194, %dma_wait3A_195, %dma_wait3A_196] : memref<2x2x250x64xf32, #tpu.memory_space<vmem>> -> memref<1x1x250x64xf32, #tpu.memory_space<vmem>>
      %dma_wait3A_198 = tpu.memref_squeeze %dma_wait3A_197 : memref<1x1x250x64xf32, #tpu.memory_space<vmem>> -> memref<250x64xf32, #tpu.memory_space<vmem>>
      %dma_wait3A_199 = arith.constant 0 : i32
      %dma_wait3A_200 = tpu.memref_slice %arg8[%dma_wait3A_191, %dma_wait3A_192, %dma_wait3A_199] : memref<2x2x250xi32, #tpu.memory_space<vmem>> -> memref<1x1x250xi32, #tpu.memory_space<vmem>>
      %dma_wait3A_201 = tpu.memref_squeeze %dma_wait3A_200 : memref<1x1x250xi32, #tpu.memory_space<vmem>> -> memref<250xi32, #tpu.memory_space<vmem>>
      %dma_wait3A_202 = arith.constant 0 : i32
      %dma_wait3A_203 = arith.constant 0 : i32
      %dma_wait3A_204 = tpu.memref_slice %arg3[%dma_wait3A_202, %dma_wait3A_203] : memref<100001x64xf32, #tpu.memory_space<hbm>> -> memref<100001x64xf32, #tpu.memory_space<hbm>>
      tpu.wait_indirect_dma semaphore(%arg15 : memref<!tpu.dma_semaphore, #tpu.memory_space<semaphore_mem>>) src(%dma_wait3A_204 : memref<100001x64xf32, #tpu.memory_space<hbm>>) dst(%dma_wait3A_198 : memref<250x64xf32, #tpu.memory_space<vmem>>)
      %add3A_205 = arith.constant 2 : i32
      %add3A_206 = arith.addi %add3A_169, %add3A_205 : i32
      %lt3A_207 = arith.constant 256 : i32
      %lt3A_208 = arith.cmpi slt, %add3A_206, %lt3A_207 : i32
      %convert_element_type3A_209 = arith.extui %lt3A_208 : i1 to i32
      %cond3A_210 = arith.constant 0 : i32
      %cond3A_211 = arith.cmpi ne, %convert_element_type3A_209, %cond3A_210 : i32
      scf.if %cond3A_211 {
        %add3A_233 = arith.constant 2 : i32
        %add3A_234 = arith.addi %add3A_169, %add3A_233 : i32
        %add3A_235 = arith.addi %mul3A_2, %add3A_234 : i32
        %mul3A_236 = arith.constant 2 : i32
        %mul3A_237 = arith.muli %add3A_235, %mul3A_236 : i32
        %dma_start3A_238 = arith.constant 1 : i32
        %dma_start3A_239 = arith.constant 0 : i32
        %dma_start3A_240 = arith.constant 0 : i32
        %dma_start3A_241 = tpu.memref_slice %arg8[%dma_start3A_238, %dma_start3A_239, %dma_start3A_240] : memref<2x2x250xi32, #tpu.memory_space<vmem>> -> memref<1x2x250xi32, #tpu.memory_space<vmem>>
        %dma_start3A_242 = tpu.memref_squeeze %dma_start3A_241 : memref<1x2x250xi32, #tpu.memory_space<vmem>> -> memref<2x250xi32, #tpu.memory_space<vmem>>
        %dma_start3A_243 = arith.constant 0 : i32
        %dma_start3A_244 = tpu.memref_slice %arg2[%mul3A_237, %dma_start3A_243] : memref<16384x250xi32, #tpu.memory_space<hbm>> -> memref<2x250xi32, #tpu.memory_space<hbm>>
        %dma_start3A_245 = arith.constant 0 : i32
        %dma_start3A_246 = arith.constant 0 : i32
        %dma_start3A_247 = tpu.memref_slice %arg8[%dma_start3A_238, %dma_start3A_245, %dma_start3A_246] : memref<2x2x250xi32, #tpu.memory_space<vmem>> -> memref<1x2x250xi32, #tpu.memory_space<vmem>>
        %dma_start3A_248 = tpu.memref_squeeze %dma_start3A_247 : memref<1x2x250xi32, #tpu.memory_space<vmem>> -> memref<2x250xi32, #tpu.memory_space<vmem>>
        %dma_start3A_249 = arith.constant 0 : i32
        %dma_start3A_250 = tpu.memref_slice %arg2[%mul3A_237, %dma_start3A_249] : memref<16384x250xi32, #tpu.memory_space<hbm>> -> memref<2x250xi32, #tpu.memory_space<hbm>>
        tpu.enqueue_dma source(%dma_start3A_250 : memref<2x250xi32, #tpu.memory_space<hbm>>) target(%dma_start3A_248 : memref<2x250xi32, #tpu.memory_space<vmem>>) target_semaphore(%arg17 : memref<!tpu.dma_semaphore, #tpu.memory_space<semaphore_mem>>)
      } else {
      }
      %parallel_loop3A_212 = arith.constant 0 : i32
      %parallel_loop3A_213 = arith.constant 100 : i32
      %parallel_loop3A_214 = arith.constant 1 : i32
      scf.for %parallel_loop3A_233 = %parallel_loop3A_212 to %parallel_loop3A_213 step %parallel_loop3A_214  : i32 {
        %parallel_loop3A_234 = arith.constant 50 : i32
        %parallel_loop3A_235 = arith.divsi %parallel_loop3A_233, %parallel_loop3A_234 : i32
        %parallel_loop3A_236 = arith.constant 50 : i32
        %parallel_loop3A_237 = arith.remsi %parallel_loop3A_233, %parallel_loop3A_236 : i32
        %parallel_loop3A_238 = arith.constant 5 : i32
        %parallel_loop3A_239 = arith.muli %parallel_loop3A_237, %parallel_loop3A_238 : i32
        %parallel_loop3A_240 = arith.constant 64 : i32
        %parallel_loop3A_241 = arith.muli %parallel_loop3A_233, %parallel_loop3A_240 : i32
        %parallel_loop3A_242 = arith.constant 1 : i32
        %parallel_loop3A_243 = arith.index_cast %parallel_loop3A_242 : i32 to index
        %parallel_loop3A_244 = arith.index_cast %parallel_loop3A_235 : i32 to index
        %parallel_loop3A_245 = arith.index_cast %parallel_loop3A_239 : i32 to index
        %parallel_loop3A_246 = arith.constant 0 : index
        %parallel_loop3A_247 = tpu.vector_load %arg9[%parallel_loop3A_243, %parallel_loop3A_244, %parallel_loop3A_245, %parallel_loop3A_246] {strides = array<i32>} : memref<2x2x250x64xf32, #tpu.memory_space<vmem>>, vector<1x1x1x16xf32>,
        %parallel_loop3A_248 = vector.shape_cast %parallel_loop3A_247 : vector<1x1x1x16xf32> to vector<16xf32>
        %parallel_loop3A_249 = arith.constant 1 : i32
        %parallel_loop3A_250 = arith.addi %parallel_loop3A_239, %parallel_loop3A_249 : i32
        %parallel_loop3A_251 = arith.constant 1 : i32
        %parallel_loop3A_252 = arith.index_cast %parallel_loop3A_251 : i32 to index
        %parallel_loop3A_253 = arith.index_cast %parallel_loop3A_235 : i32 to index
        %parallel_loop3A_254 = arith.index_cast %parallel_loop3A_250 : i32 to index
        %parallel_loop3A_255 = arith.constant 0 : index
        %parallel_loop3A_256 = tpu.vector_load %arg9[%parallel_loop3A_252, %parallel_loop3A_253, %parallel_loop3A_254, %parallel_loop3A_255] {strides = array<i32>} : memref<2x2x250x64xf32, #tpu.memory_space<vmem>>, vector<1x1x1x16xf32>,
        %parallel_loop3A_257 = vector.shape_cast %parallel_loop3A_256 : vector<1x1x1x16xf32> to vector<16xf32>
        %parallel_loop3A_258 = arith.addf %parallel_loop3A_248, %parallel_loop3A_257 : vector<16xf32>
        %parallel_loop3A_259 = arith.constant 2 : i32
        %parallel_loop3A_260 = arith.addi %parallel_loop3A_239, %parallel_loop3A_259 : i32
        %parallel_loop3A_261 = arith.constant 1 : i32
        %parallel_loop3A_262 = arith.index_cast %parallel_loop3A_261 : i32 to index
        %parallel_loop3A_263 = arith.index_cast %parallel_loop3A_235 : i32 to index
        %parallel_loop3A_264 = arith.index_cast %parallel_loop3A_260 : i32 to index
        %parallel_loop3A_265 = arith.constant 0 : index
        %parallel_loop3A_266 = tpu.vector_load %arg9[%parallel_loop3A_262, %parallel_loop3A_263, %parallel_loop3A_264, %parallel_loop3A_265] {strides = array<i32>} : memref<2x2x250x64xf32, #tpu.memory_space<vmem>>, vector<1x1x1x16xf32>,
        %parallel_loop3A_267 = vector.shape_cast %parallel_loop3A_266 : vector<1x1x1x16xf32> to vector<16xf32>
        %parallel_loop3A_268 = arith.addf %parallel_loop3A_258, %parallel_loop3A_267 : vector<16xf32>
        %parallel_loop3A_269 = arith.constant 3 : i32
        %parallel_loop3A_270 = arith.addi %parallel_loop3A_239, %parallel_loop3A_269 : i32
        %parallel_loop3A_271 = arith.constant 1 : i32
        %parallel_loop3A_272 = arith.index_cast %parallel_loop3A_271 : i32 to index
        %parallel_loop3A_273 = arith.index_cast %parallel_loop3A_235 : i32 to index
        %parallel_loop3A_274 = arith.index_cast %parallel_loop3A_270 : i32 to index
        %parallel_loop3A_275 = arith.constant 0 : index
        %parallel_loop3A_276 = tpu.vector_load %arg9[%parallel_loop3A_272, %parallel_loop3A_273, %parallel_loop3A_274, %parallel_loop3A_275] {strides = array<i32>} : memref<2x2x250x64xf32, #tpu.memory_space<vmem>>, vector<1x1x1x16xf32>,
        %parallel_loop3A_277 = vector.shape_cast %parallel_loop3A_276 : vector<1x1x1x16xf32> to vector<16xf32>
        %parallel_loop3A_278 = arith.addf %parallel_loop3A_268, %parallel_loop3A_277 : vector<16xf32>
        %parallel_loop3A_279 = arith.constant 4 : i32
        %parallel_loop3A_280 = arith.addi %parallel_loop3A_239, %parallel_loop3A_279 : i32
        %parallel_loop3A_281 = arith.constant 1 : i32
        %parallel_loop3A_282 = arith.index_cast %parallel_loop3A_281 : i32 to index
        %parallel_loop3A_283 = arith.index_cast %parallel_loop3A_235 : i32 to index
        %parallel_loop3A_284 = arith.index_cast %parallel_loop3A_280 : i32 to index
        %parallel_loop3A_285 = arith.constant 0 : index
        %parallel_loop3A_286 = tpu.vector_load %arg9[%parallel_loop3A_282, %parallel_loop3A_283, %parallel_loop3A_284, %parallel_loop3A_285] {strides = array<i32>} : memref<2x2x250x64xf32, #tpu.memory_space<vmem>>, vector<1x1x1x16xf32>,
        %parallel_loop3A_287 = vector.shape_cast %parallel_loop3A_286 : vector<1x1x1x16xf32> to vector<16xf32>
        %parallel_loop3A_288 = arith.addf %parallel_loop3A_278, %parallel_loop3A_287 : vector<16xf32>
        %parallel_loop3A_289 = vector.broadcast %scan3A : f32 to vector<16xf32>
        %parallel_loop3A_290 = arith.mulf %parallel_loop3A_288, %parallel_loop3A_289 : vector<16xf32>
        %parallel_loop3A_291 = arith.index_cast %parallel_loop3A_237 : i32 to index
        %parallel_loop3A_292 = arith.constant 0 : index
        %parallel_loop3A_293 = tpu.vector_load %arg11[%parallel_loop3A_291, %parallel_loop3A_292] {strides = array<i32>} : memref<100x64xf32, #tpu.memory_space<vmem>>, vector<1x16xf32>,
        %parallel_loop3A_294 = vector.shape_cast %parallel_loop3A_293 : vector<1x16xf32> to vector<16xf32>
        %parallel_loop3A_295 = arith.addf %parallel_loop3A_290, %parallel_loop3A_294 : vector<16xf32>
        %parallel_loop3A_296 = arith.constant 1 : i32
        %parallel_loop3A_297 = arith.index_cast %parallel_loop3A_296 : i32 to index
        %parallel_loop3A_298 = arith.index_cast %parallel_loop3A_235 : i32 to index
        %parallel_loop3A_299 = arith.index_cast %parallel_loop3A_239 : i32 to index
        %parallel_loop3A_300 = arith.constant 16 : index
        %parallel_loop3A_301 = tpu.vector_load %arg9[%parallel_loop3A_297, %parallel_loop3A_298, %parallel_loop3A_299, %parallel_loop3A_300] {strides = array<i32>} : memref<2x2x250x64xf32, #tpu.memory_space<vmem>>, vector<1x1x1x16xf32>,
        %parallel_loop3A_302 = vector.shape_cast %parallel_loop3A_301 : vector<1x1x1x16xf32> to vector<16xf32>
        %parallel_loop3A_303 = arith.constant 1 : i32
        %parallel_loop3A_304 = arith.addi %parallel_loop3A_239, %parallel_loop3A_303 : i32
        %parallel_loop3A_305 = arith.constant 1 : i32
        %parallel_loop3A_306 = arith.index_cast %parallel_loop3A_305 : i32 to index
        %parallel_loop3A_307 = arith.index_cast %parallel_loop3A_235 : i32 to index
        %parallel_loop3A_308 = arith.index_cast %parallel_loop3A_304 : i32 to index
        %parallel_loop3A_309 = arith.constant 16 : index
        %parallel_loop3A_310 = tpu.vector_load %arg9[%parallel_loop3A_306, %parallel_loop3A_307, %parallel_loop3A_308, %parallel_loop3A_309] {strides = array<i32>} : memref<2x2x250x64xf32, #tpu.memory_space<vmem>>, vector<1x1x1x16xf32>,
        %parallel_loop3A_311 = vector.shape_cast %parallel_loop3A_310 : vector<1x1x1x16xf32> to vector<16xf32>
        %parallel_loop3A_312 = arith.addf %parallel_loop3A_302, %parallel_loop3A_311 : vector<16xf32>
        %parallel_loop3A_313 = arith.constant 2 : i32
        %parallel_loop3A_314 = arith.addi %parallel_loop3A_239, %parallel_loop3A_313 : i32
        %parallel_loop3A_315 = arith.constant 1 : i32
        %parallel_loop3A_316 = arith.index_cast %parallel_loop3A_315 : i32 to index
        %parallel_loop3A_317 = arith.index_cast %parallel_loop3A_235 : i32 to index
        %parallel_loop3A_318 = arith.index_cast %parallel_loop3A_314 : i32 to index
        %parallel_loop3A_319 = arith.constant 16 : index
        %parallel_loop3A_320 = tpu.vector_load %arg9[%parallel_loop3A_316, %parallel_loop3A_317, %parallel_loop3A_318, %parallel_loop3A_319] {strides = array<i32>} : memref<2x2x250x64xf32, #tpu.memory_space<vmem>>, vector<1x1x1x16xf32>,
        %parallel_loop3A_321 = vector.shape_cast %parallel_loop3A_320 : vector<1x1x1x16xf32> to vector<16xf32>
        %parallel_loop3A_322 = arith.addf %parallel_loop3A_312, %parallel_loop3A_321 : vector<16xf32>
        %parallel_loop3A_323 = arith.constant 3 : i32
        %parallel_loop3A_324 = arith.addi %parallel_loop3A_239, %parallel_loop3A_323 : i32
        %parallel_loop3A_325 = arith.constant 1 : i32
        %parallel_loop3A_326 = arith.index_cast %parallel_loop3A_325 : i32 to index
        %parallel_loop3A_327 = arith.index_cast %parallel_loop3A_235 : i32 to index
        %parallel_loop3A_328 = arith.index_cast %parallel_loop3A_324 : i32 to index
        %parallel_loop3A_329 = arith.constant 16 : index
        %parallel_loop3A_330 = tpu.vector_load %arg9[%parallel_loop3A_326, %parallel_loop3A_327, %parallel_loop3A_328, %parallel_loop3A_329] {strides = array<i32>} : memref<2x2x250x64xf32, #tpu.memory_space<vmem>>, vector<1x1x1x16xf32>,
        %parallel_loop3A_331 = vector.shape_cast %parallel_loop3A_330 : vector<1x1x1x16xf32> to vector<16xf32>
        %parallel_loop3A_332 = arith.addf %parallel_loop3A_322, %parallel_loop3A_331 : vector<16xf32>
        %parallel_loop3A_333 = arith.constant 4 : i32
        %parallel_loop3A_334 = arith.addi %parallel_loop3A_239, %parallel_loop3A_333 : i32
        %parallel_loop3A_335 = arith.constant 1 : i32
        %parallel_loop3A_336 = arith.index_cast %parallel_loop3A_335 : i32 to index
        %parallel_loop3A_337 = arith.index_cast %parallel_loop3A_235 : i32 to index
        %parallel_loop3A_338 = arith.index_cast %parallel_loop3A_334 : i32 to index
        %parallel_loop3A_339 = arith.constant 16 : index
        %parallel_loop3A_340 = tpu.vector_load %arg9[%parallel_loop3A_336, %parallel_loop3A_337, %parallel_loop3A_338, %parallel_loop3A_339] {strides = array<i32>} : memref<2x2x250x64xf32, #tpu.memory_space<vmem>>, vector<1x1x1x16xf32>,
        %parallel_loop3A_341 = vector.shape_cast %parallel_loop3A_340 : vector<1x1x1x16xf32> to vector<16xf32>
        %parallel_loop3A_342 = arith.addf %parallel_loop3A_332, %parallel_loop3A_341 : vector<16xf32>
        %parallel_loop3A_343 = vector.broadcast %scan3A : f32 to vector<16xf32>
        %parallel_loop3A_344 = arith.mulf %parallel_loop3A_342, %parallel_loop3A_343 : vector<16xf32>
        %parallel_loop3A_345 = arith.index_cast %parallel_loop3A_237 : i32 to index
        %parallel_loop3A_346 = arith.constant 16 : index
        %parallel_loop3A_347 = tpu.vector_load %arg11[%parallel_loop3A_345, %parallel_loop3A_346] {strides = array<i32>} : memref<100x64xf32, #tpu.memory_space<vmem>>, vector<1x16xf32>,
        %parallel_loop3A_348 = vector.shape_cast %parallel_loop3A_347 : vector<1x16xf32> to vector<16xf32>
        %parallel_loop3A_349 = arith.addf %parallel_loop3A_344, %parallel_loop3A_348 : vector<16xf32>
        %parallel_loop3A_350 = arith.constant 1 : i32
        %parallel_loop3A_351 = arith.index_cast %parallel_loop3A_350 : i32 to index
        %parallel_loop3A_352 = arith.index_cast %parallel_loop3A_235 : i32 to index
        %parallel_loop3A_353 = arith.index_cast %parallel_loop3A_239 : i32 to index
        %parallel_loop3A_354 = arith.constant 32 : index
        %parallel_loop3A_355 = tpu.vector_load %arg9[%parallel_loop3A_351, %parallel_loop3A_352, %parallel_loop3A_353, %parallel_loop3A_354] {strides = array<i32>} : memref<2x2x250x64xf32, #tpu.memory_space<vmem>>, vector<1x1x1x16xf32>,
        %parallel_loop3A_356 = vector.shape_cast %parallel_loop3A_355 : vector<1x1x1x16xf32> to vector<16xf32>
        %parallel_loop3A_357 = arith.constant 1 : i32
        %parallel_loop3A_358 = arith.addi %parallel_loop3A_239, %parallel_loop3A_357 : i32
        %parallel_loop3A_359 = arith.constant 1 : i32
        %parallel_loop3A_360 = arith.index_cast %parallel_loop3A_359 : i32 to index
        %parallel_loop3A_361 = arith.index_cast %parallel_loop3A_235 : i32 to index
        %parallel_loop3A_362 = arith.index_cast %parallel_loop3A_358 : i32 to index
        %parallel_loop3A_363 = arith.constant 32 : index
        %parallel_loop3A_364 = tpu.vector_load %arg9[%parallel_loop3A_360, %parallel_loop3A_361, %parallel_loop3A_362, %parallel_loop3A_363] {strides = array<i32>} : memref<2x2x250x64xf32, #tpu.memory_space<vmem>>, vector<1x1x1x16xf32>,
        %parallel_loop3A_365 = vector.shape_cast %parallel_loop3A_364 : vector<1x1x1x16xf32> to vector<16xf32>
        %parallel_loop3A_366 = arith.addf %parallel_loop3A_356, %parallel_loop3A_365 : vector<16xf32>
        %parallel_loop3A_367 = arith.constant 2 : i32
        %parallel_loop3A_368 = arith.addi %parallel_loop3A_239, %parallel_loop3A_367 : i32
        %parallel_loop3A_369 = arith.constant 1 : i32
        %parallel_loop3A_370 = arith.index_cast %parallel_loop3A_369 : i32 to index
        %parallel_loop3A_371 = arith.index_cast %parallel_loop3A_235 : i32 to index
        %parallel_loop3A_372 = arith.index_cast %parallel_loop3A_368 : i32 to index
        %parallel_loop3A_373 = arith.constant 32 : index
        %parallel_loop3A_374 = tpu.vector_load %arg9[%parallel_loop3A_370, %parallel_loop3A_371, %parallel_loop3A_372, %parallel_loop3A_373] {strides = array<i32>} : memref<2x2x250x64xf32, #tpu.memory_space<vmem>>, vector<1x1x1x16xf32>,
        %parallel_loop3A_375 = vector.shape_cast %parallel_loop3A_374 : vector<1x1x1x16xf32> to vector<16xf32>
        %parallel_loop3A_376 = arith.addf %parallel_loop3A_366, %parallel_loop3A_375 : vector<16xf32>
        %parallel_loop3A_377 = arith.constant 3 : i32
        %parallel_loop3A_378 = arith.addi %parallel_loop3A_239, %parallel_loop3A_377 : i32
        %parallel_loop3A_379 = arith.constant 1 : i32
        %parallel_loop3A_380 = arith.index_cast %parallel_loop3A_379 : i32 to index
        %parallel_loop3A_381 = arith.index_cast %parallel_loop3A_235 : i32 to index
        %parallel_loop3A_382 = arith.index_cast %parallel_loop3A_378 : i32 to index
        %parallel_loop3A_383 = arith.constant 32 : index
        %parallel_loop3A_384 = tpu.vector_load %arg9[%parallel_loop3A_380, %parallel_loop3A_381, %parallel_loop3A_382, %parallel_loop3A_383] {strides = array<i32>} : memref<2x2x250x64xf32, #tpu.memory_space<vmem>>, vector<1x1x1x16xf32>,
        %parallel_loop3A_385 = vector.shape_cast %parallel_loop3A_384 : vector<1x1x1x16xf32> to vector<16xf32>
        %parallel_loop3A_386 = arith.addf %parallel_loop3A_376, %parallel_loop3A_385 : vector<16xf32>
        %parallel_loop3A_387 = arith.constant 4 : i32
        %parallel_loop3A_388 = arith.addi %parallel_loop3A_239, %parallel_loop3A_387 : i32
        %parallel_loop3A_389 = arith.constant 1 : i32
        %parallel_loop3A_390 = arith.index_cast %parallel_loop3A_389 : i32 to index
        %parallel_loop3A_391 = arith.index_cast %parallel_loop3A_235 : i32 to index
        %parallel_loop3A_392 = arith.index_cast %parallel_loop3A_388 : i32 to index
        %parallel_loop3A_393 = arith.constant 32 : index
        %parallel_loop3A_394 = tpu.vector_load %arg9[%parallel_loop3A_390, %parallel_loop3A_391, %parallel_loop3A_392, %parallel_loop3A_393] {strides = array<i32>} : memref<2x2x250x64xf32, #tpu.memory_space<vmem>>, vector<1x1x1x16xf32>,
        %parallel_loop3A_395 = vector.shape_cast %parallel_loop3A_394 : vector<1x1x1x16xf32> to vector<16xf32>
        %parallel_loop3A_396 = arith.addf %parallel_loop3A_386, %parallel_loop3A_395 : vector<16xf32>
        %parallel_loop3A_397 = vector.broadcast %scan3A : f32 to vector<16xf32>
        %parallel_loop3A_398 = arith.mulf %parallel_loop3A_396, %parallel_loop3A_397 : vector<16xf32>
        %parallel_loop3A_399 = arith.index_cast %parallel_loop3A_237 : i32 to index
        %parallel_loop3A_400 = arith.constant 32 : index
        %parallel_loop3A_401 = tpu.vector_load %arg11[%parallel_loop3A_399, %parallel_loop3A_400] {strides = array<i32>} : memref<100x64xf32, #tpu.memory_space<vmem>>, vector<1x16xf32>,
        %parallel_loop3A_402 = vector.shape_cast %parallel_loop3A_401 : vector<1x16xf32> to vector<16xf32>
        %parallel_loop3A_403 = arith.addf %parallel_loop3A_398, %parallel_loop3A_402 : vector<16xf32>
        %parallel_loop3A_404 = arith.constant 1 : i32
        %parallel_loop3A_405 = arith.index_cast %parallel_loop3A_404 : i32 to index
        %parallel_loop3A_406 = arith.index_cast %parallel_loop3A_235 : i32 to index
        %parallel_loop3A_407 = arith.index_cast %parallel_loop3A_239 : i32 to index
        %parallel_loop3A_408 = arith.constant 48 : index
        %parallel_loop3A_409 = tpu.vector_load %arg9[%parallel_loop3A_405, %parallel_loop3A_406, %parallel_loop3A_407, %parallel_loop3A_408] {strides = array<i32>} : memref<2x2x250x64xf32, #tpu.memory_space<vmem>>, vector<1x1x1x16xf32>,
        %parallel_loop3A_410 = vector.shape_cast %parallel_loop3A_409 : vector<1x1x1x16xf32> to vector<16xf32>
        %parallel_loop3A_411 = arith.constant 1 : i32
        %parallel_loop3A_412 = arith.addi %parallel_loop3A_239, %parallel_loop3A_411 : i32
        %parallel_loop3A_413 = arith.constant 1 : i32
        %parallel_loop3A_414 = arith.index_cast %parallel_loop3A_413 : i32 to index
        %parallel_loop3A_415 = arith.index_cast %parallel_loop3A_235 : i32 to index
        %parallel_loop3A_416 = arith.index_cast %parallel_loop3A_412 : i32 to index
        %parallel_loop3A_417 = arith.constant 48 : index
        %parallel_loop3A_418 = tpu.vector_load %arg9[%parallel_loop3A_414, %parallel_loop3A_415, %parallel_loop3A_416, %parallel_loop3A_417] {strides = array<i32>} : memref<2x2x250x64xf32, #tpu.memory_space<vmem>>, vector<1x1x1x16xf32>,
        %parallel_loop3A_419 = vector.shape_cast %parallel_loop3A_418 : vector<1x1x1x16xf32> to vector<16xf32>
        %parallel_loop3A_420 = arith.addf %parallel_loop3A_410, %parallel_loop3A_419 : vector<16xf32>
        %parallel_loop3A_421 = arith.constant 2 : i32
        %parallel_loop3A_422 = arith.addi %parallel_loop3A_239, %parallel_loop3A_421 : i32
        %parallel_loop3A_423 = arith.constant 1 : i32
        %parallel_loop3A_424 = arith.index_cast %parallel_loop3A_423 : i32 to index
        %parallel_loop3A_425 = arith.index_cast %parallel_loop3A_235 : i32 to index
        %parallel_loop3A_426 = arith.index_cast %parallel_loop3A_422 : i32 to index
        %parallel_loop3A_427 = arith.constant 48 : index
        %parallel_loop3A_428 = tpu.vector_load %arg9[%parallel_loop3A_424, %parallel_loop3A_425, %parallel_loop3A_426, %parallel_loop3A_427] {strides = array<i32>} : memref<2x2x250x64xf32, #tpu.memory_space<vmem>>, vector<1x1x1x16xf32>,
        %parallel_loop3A_429 = vector.shape_cast %parallel_loop3A_428 : vector<1x1x1x16xf32> to vector<16xf32>
        %parallel_loop3A_430 = arith.addf %parallel_loop3A_420, %parallel_loop3A_429 : vector<16xf32>
        %parallel_loop3A_431 = arith.constant 3 : i32
        %parallel_loop3A_432 = arith.addi %parallel_loop3A_239, %parallel_loop3A_431 : i32
        %parallel_loop3A_433 = arith.constant 1 : i32
        %parallel_loop3A_434 = arith.index_cast %parallel_loop3A_433 : i32 to index
        %parallel_loop3A_435 = arith.index_cast %parallel_loop3A_235 : i32 to index
        %parallel_loop3A_436 = arith.index_cast %parallel_loop3A_432 : i32 to index
        %parallel_loop3A_437 = arith.constant 48 : index
        %parallel_loop3A_438 = tpu.vector_load %arg9[%parallel_loop3A_434, %parallel_loop3A_435, %parallel_loop3A_436, %parallel_loop3A_437] {strides = array<i32>} : memref<2x2x250x64xf32, #tpu.memory_space<vmem>>, vector<1x1x1x16xf32>,
        %parallel_loop3A_439 = vector.shape_cast %parallel_loop3A_438 : vector<1x1x1x16xf32> to vector<16xf32>
        %parallel_loop3A_440 = arith.addf %parallel_loop3A_430, %parallel_loop3A_439 : vector<16xf32>
        %parallel_loop3A_441 = arith.constant 4 : i32
        %parallel_loop3A_442 = arith.addi %parallel_loop3A_239, %parallel_loop3A_441 : i32
        %parallel_loop3A_443 = arith.constant 1 : i32
        %parallel_loop3A_444 = arith.index_cast %parallel_loop3A_443 : i32 to index
        %parallel_loop3A_445 = arith.index_cast %parallel_loop3A_235 : i32 to index
        %parallel_loop3A_446 = arith.index_cast %parallel_loop3A_442 : i32 to index
        %parallel_loop3A_447 = arith.constant 48 : index
        %parallel_loop3A_448 = tpu.vector_load %arg9[%parallel_loop3A_444, %parallel_loop3A_445, %parallel_loop3A_446, %parallel_loop3A_447] {strides = array<i32>} : memref<2x2x250x64xf32, #tpu.memory_space<vmem>>, vector<1x1x1x16xf32>,
        %parallel_loop3A_449 = vector.shape_cast %parallel_loop3A_448 : vector<1x1x1x16xf32> to vector<16xf32>
        %parallel_loop3A_450 = arith.addf %parallel_loop3A_440, %parallel_loop3A_449 : vector<16xf32>
        %parallel_loop3A_451 = vector.broadcast %scan3A : f32 to vector<16xf32>
        %parallel_loop3A_452 = arith.mulf %parallel_loop3A_450, %parallel_loop3A_451 : vector<16xf32>
        %parallel_loop3A_453 = arith.index_cast %parallel_loop3A_237 : i32 to index
        %parallel_loop3A_454 = arith.constant 48 : index
        %parallel_loop3A_455 = tpu.vector_load %arg11[%parallel_loop3A_453, %parallel_loop3A_454] {strides = array<i32>} : memref<100x64xf32, #tpu.memory_space<vmem>>, vector<1x16xf32>,
        %parallel_loop3A_456 = vector.shape_cast %parallel_loop3A_455 : vector<1x16xf32> to vector<16xf32>
        %parallel_loop3A_457 = arith.addf %parallel_loop3A_452, %parallel_loop3A_456 : vector<16xf32>
        %parallel_loop3A_458 = arith.addf %parallel_loop3A_295, %parallel_loop3A_349 : vector<16xf32>
        %parallel_loop3A_459 = arith.addf %parallel_loop3A_403, %parallel_loop3A_457 : vector<16xf32>
        %parallel_loop3A_460 = arith.addf %parallel_loop3A_458, %parallel_loop3A_459 : vector<16xf32>
        %parallel_loop3A_461 = arith.mulf %parallel_loop3A_295, %parallel_loop3A_295 : vector<16xf32>
        %parallel_loop3A_462 = arith.mulf %parallel_loop3A_349, %parallel_loop3A_349 : vector<16xf32>
        %parallel_loop3A_463 = arith.addf %parallel_loop3A_461, %parallel_loop3A_462 : vector<16xf32>
        %parallel_loop3A_464 = arith.mulf %parallel_loop3A_403, %parallel_loop3A_403 : vector<16xf32>
        %parallel_loop3A_465 = arith.mulf %parallel_loop3A_457, %parallel_loop3A_457 : vector<16xf32>
        %parallel_loop3A_466 = arith.addf %parallel_loop3A_464, %parallel_loop3A_465 : vector<16xf32>
        %parallel_loop3A_467 = arith.addf %parallel_loop3A_463, %parallel_loop3A_466 : vector<16xf32>
        %parallel_loop3A_468 = vector.shape_cast %xor3A_27 : vector<16xi32> to vector<16x1xi32>
        %parallel_loop3A_469 = vector.shape_cast %parallel_loop3A_468 : vector<16x1xi32> to vector<16xi32>
        %parallel_loop3A_470 = tpu.dynamic_gather %parallel_loop3A_460[%parallel_loop3A_469] in [0] : vector<16xf32>, vector<16xi32> -> vector<16xf32>
        %parallel_loop3A_471 = arith.addf %parallel_loop3A_460, %parallel_loop3A_470 : vector<16xf32>
        %parallel_loop3A_472 = vector.shape_cast %xor3A_30 : vector<16xi32> to vector<16x1xi32>
        %parallel_loop3A_473 = vector.shape_cast %parallel_loop3A_472 : vector<16x1xi32> to vector<16xi32>
        %parallel_loop3A_474 = tpu.dynamic_gather %parallel_loop3A_471[%parallel_loop3A_473] in [0] : vector<16xf32>, vector<16xi32> -> vector<16xf32>
        %parallel_loop3A_475 = arith.addf %parallel_loop3A_471, %parallel_loop3A_474 : vector<16xf32>
        %parallel_loop3A_476 = vector.shape_cast %xor3A_33 : vector<16xi32> to vector<16x1xi32>
        %parallel_loop3A_477 = vector.shape_cast %parallel_loop3A_476 : vector<16x1xi32> to vector<16xi32>
        %parallel_loop3A_478 = tpu.dynamic_gather %parallel_loop3A_475[%parallel_loop3A_477] in [0] : vector<16xf32>, vector<16xi32> -> vector<16xf32>
        %parallel_loop3A_479 = arith.addf %parallel_loop3A_475, %parallel_loop3A_478 : vector<16xf32>
        %parallel_loop3A_480 = vector.shape_cast %xor3A_36 : vector<16xi32> to vector<16x1xi32>
        %parallel_loop3A_481 = vector.shape_cast %parallel_loop3A_480 : vector<16x1xi32> to vector<16xi32>
        %parallel_loop3A_482 = tpu.dynamic_gather %parallel_loop3A_479[%parallel_loop3A_481] in [0] : vector<16xf32>, vector<16xi32> -> vector<16xf32>
        %parallel_loop3A_483 = arith.addf %parallel_loop3A_479, %parallel_loop3A_482 : vector<16xf32>
        %parallel_loop3A_484 = vector.broadcast %scan3A_85 : f32 to vector<16xf32>
        %parallel_loop3A_485 = arith.mulf %parallel_loop3A_483, %parallel_loop3A_484 : vector<16xf32>
        %parallel_loop3A_486 = vector.shape_cast %xor3A_27 : vector<16xi32> to vector<16x1xi32>
        %parallel_loop3A_487 = vector.shape_cast %parallel_loop3A_486 : vector<16x1xi32> to vector<16xi32>
        %parallel_loop3A_488 = tpu.dynamic_gather %parallel_loop3A_467[%parallel_loop3A_487] in [0] : vector<16xf32>, vector<16xi32> -> vector<16xf32>
        %parallel_loop3A_489 = arith.addf %parallel_loop3A_467, %parallel_loop3A_488 : vector<16xf32>
        %parallel_loop3A_490 = vector.shape_cast %xor3A_30 : vector<16xi32> to vector<16x1xi32>
        %parallel_loop3A_491 = vector.shape_cast %parallel_loop3A_490 : vector<16x1xi32> to vector<16xi32>
        %parallel_loop3A_492 = tpu.dynamic_gather %parallel_loop3A_489[%parallel_loop3A_491] in [0] : vector<16xf32>, vector<16xi32> -> vector<16xf32>
        %parallel_loop3A_493 = arith.addf %parallel_loop3A_489, %parallel_loop3A_492 : vector<16xf32>
        %parallel_loop3A_494 = vector.shape_cast %xor3A_33 : vector<16xi32> to vector<16x1xi32>
        %parallel_loop3A_495 = vector.shape_cast %parallel_loop3A_494 : vector<16x1xi32> to vector<16xi32>
        %parallel_loop3A_496 = tpu.dynamic_gather %parallel_loop3A_493[%parallel_loop3A_495] in [0] : vector<16xf32>, vector<16xi32> -> vector<16xf32>
        %parallel_loop3A_497 = arith.addf %parallel_loop3A_493, %parallel_loop3A_496 : vector<16xf32>
        %parallel_loop3A_498 = vector.shape_cast %xor3A_36 : vector<16xi32> to vector<16x1xi32>
        %parallel_loop3A_499 = vector.shape_cast %parallel_loop3A_498 : vector<16x1xi32> to vector<16xi32>
        %parallel_loop3A_500 = tpu.dynamic_gather %parallel_loop3A_497[%parallel_loop3A_499] in [0] : vector<16xf32>, vector<16xi32> -> vector<16xf32>
        %parallel_loop3A_501 = arith.addf %parallel_loop3A_497, %parallel_loop3A_500 : vector<16xf32>
        %parallel_loop3A_502 = vector.broadcast %scan3A_85 : f32 to vector<16xf32>
        %parallel_loop3A_503 = arith.mulf %parallel_loop3A_501, %parallel_loop3A_502 : vector<16xf32>
        %parallel_loop3A_504 = arith.mulf %parallel_loop3A_485, %parallel_loop3A_485 : vector<16xf32>
        %parallel_loop3A_505 = arith.subf %parallel_loop3A_503, %parallel_loop3A_504 : vector<16xf32>
        %parallel_loop3A_506 = arith.constant 9.99999974E-6 : f32
        %parallel_loop3A_507 = vector.broadcast %parallel_loop3A_506 : f32 to vector<16xf32>
        %parallel_loop3A_508 = arith.addf %parallel_loop3A_505, %parallel_loop3A_507 : vector<16xf32>
        %parallel_loop3A_509 = tpu.bitcast %parallel_loop3A_508 : vector<16xf32> -> vector<16xi32>
        %parallel_loop3A_510 = arith.constant 1 : i32
        %parallel_loop3A_511 = vector.broadcast %parallel_loop3A_510 : i32 to vector<16xi32>
        %parallel_loop3A_512 = arith.shrui %parallel_loop3A_509, %parallel_loop3A_511 : vector<16xi32>
        %parallel_loop3A_513 = arith.constant 1597463007 : i32
        %parallel_loop3A_514 = vector.broadcast %parallel_loop3A_513 : i32 to vector<16xi32>
        %parallel_loop3A_515 = arith.subi %parallel_loop3A_514, %parallel_loop3A_512 : vector<16xi32>
        %parallel_loop3A_516 = tpu.bitcast %parallel_loop3A_515 : vector<16xi32> -> vector<16xf32>
        %parallel_loop3A_517 = arith.constant 5.000000e-01 : f32
        %parallel_loop3A_518 = vector.broadcast %parallel_loop3A_517 : f32 to vector<16xf32>
        %parallel_loop3A_519 = arith.mulf %parallel_loop3A_518, %parallel_loop3A_508 : vector<16xf32>
        %parallel_loop3A_520 = arith.mulf %parallel_loop3A_519, %parallel_loop3A_516 : vector<16xf32>
        %parallel_loop3A_521 = arith.mulf %parallel_loop3A_520, %parallel_loop3A_516 : vector<16xf32>
        %parallel_loop3A_522 = arith.constant 1.500000e+00 : f32
        %parallel_loop3A_523 = vector.broadcast %parallel_loop3A_522 : f32 to vector<16xf32>
        %parallel_loop3A_524 = arith.subf %parallel_loop3A_523, %parallel_loop3A_521 : vector<16xf32>
        %parallel_loop3A_525 = arith.mulf %parallel_loop3A_516, %parallel_loop3A_524 : vector<16xf32>
        %parallel_loop3A_526 = arith.constant 5.000000e-01 : f32
        %parallel_loop3A_527 = vector.broadcast %parallel_loop3A_526 : f32 to vector<16xf32>
        %parallel_loop3A_528 = arith.mulf %parallel_loop3A_527, %parallel_loop3A_508 : vector<16xf32>
        %parallel_loop3A_529 = arith.mulf %parallel_loop3A_528, %parallel_loop3A_525 : vector<16xf32>
        %parallel_loop3A_530 = arith.mulf %parallel_loop3A_529, %parallel_loop3A_525 : vector<16xf32>
        %parallel_loop3A_531 = arith.constant 1.500000e+00 : f32
        %parallel_loop3A_532 = vector.broadcast %parallel_loop3A_531 : f32 to vector<16xf32>
        %parallel_loop3A_533 = arith.subf %parallel_loop3A_532, %parallel_loop3A_530 : vector<16xf32>
        %parallel_loop3A_534 = arith.mulf %parallel_loop3A_525, %parallel_loop3A_533 : vector<16xf32>
        %parallel_loop3A_535 = arith.subf %parallel_loop3A_295, %parallel_loop3A_485 : vector<16xf32>
        %parallel_loop3A_536 = arith.mulf %parallel_loop3A_535, %parallel_loop3A_534 : vector<16xf32>
        %parallel_loop3A_537 = arith.mulf %parallel_loop3A_536, %get3A_4 : vector<16xf32>
        %parallel_loop3A_538 = arith.addf %parallel_loop3A_537, %get3A_16 : vector<16xf32>
        %parallel_loop3A_539 = arith.constant 0 : i32
        %parallel_loop3A_540 = arith.addi %parallel_loop3A_241, %parallel_loop3A_539 : i32
        %parallel_loop3A_541 = arith.constant 1 : i32
        %parallel_loop3A_542 = arith.index_cast %parallel_loop3A_541 : i32 to index
        %parallel_loop3A_543 = arith.index_cast %parallel_loop3A_540 : i32 to index
        %parallel_loop3A_544 = tpu.vector_load %arg10[%parallel_loop3A_542, %parallel_loop3A_543] {strides = array<i32>} : memref<2x6400xf32, #tpu.memory_space<vmem>>, vector<1x16xf32>,
        %parallel_loop3A_545 = vector.shape_cast %parallel_loop3A_544 : vector<1x16xf32> to vector<16xf32>
        %parallel_loop3A_546 = vector.shape_cast %parallel_loop3A_538 : vector<16xf32> to vector<1x16xf32>
        tpu.vector_store %arg10[%parallel_loop3A_542, %parallel_loop3A_543], %parallel_loop3A_546 {strides = array<i32>} : memref<2x6400xf32, #tpu.memory_space<vmem>>, vector<1x16xf32>,
        %parallel_loop3A_547 = arith.subf %parallel_loop3A_349, %parallel_loop3A_485 : vector<16xf32>
        %parallel_loop3A_548 = arith.mulf %parallel_loop3A_547, %parallel_loop3A_534 : vector<16xf32>
        %parallel_loop3A_549 = arith.mulf %parallel_loop3A_548, %get3A_7 : vector<16xf32>
        %parallel_loop3A_550 = arith.addf %parallel_loop3A_549, %get3A_19 : vector<16xf32>
        %parallel_loop3A_551 = arith.constant 16 : i32
        %parallel_loop3A_552 = arith.addi %parallel_loop3A_241, %parallel_loop3A_551 : i32
        %parallel_loop3A_553 = arith.constant 1 : i32
        %parallel_loop3A_554 = arith.index_cast %parallel_loop3A_553 : i32 to index
        %parallel_loop3A_555 = arith.index_cast %parallel_loop3A_552 : i32 to index
        %parallel_loop3A_556 = tpu.vector_load %arg10[%parallel_loop3A_554, %parallel_loop3A_555] {strides = array<i32>} : memref<2x6400xf32, #tpu.memory_space<vmem>>, vector<1x16xf32>,
        %parallel_loop3A_557 = vector.shape_cast %parallel_loop3A_556 : vector<1x16xf32> to vector<16xf32>
        %parallel_loop3A_558 = vector.shape_cast %parallel_loop3A_550 : vector<16xf32> to vector<1x16xf32>
        tpu.vector_store %arg10[%parallel_loop3A_554, %parallel_loop3A_555], %parallel_loop3A_558 {strides = array<i32>} : memref<2x6400xf32, #tpu.memory_space<vmem>>, vector<1x16xf32>,
        %parallel_loop3A_559 = arith.subf %parallel_loop3A_403, %parallel_loop3A_485 : vector<16xf32>
        %parallel_loop3A_560 = arith.mulf %parallel_loop3A_559, %parallel_loop3A_534 : vector<16xf32>
        %parallel_loop3A_561 = arith.mulf %parallel_loop3A_560, %get3A_10 : vector<16xf32>
        %parallel_loop3A_562 = arith.addf %parallel_loop3A_561, %get3A_22 : vector<16xf32>
        %parallel_loop3A_563 = arith.constant 32 : i32
        %parallel_loop3A_564 = arith.addi %parallel_loop3A_241, %parallel_loop3A_563 : i32
        %parallel_loop3A_565 = arith.constant 1 : i32
        %parallel_loop3A_566 = arith.index_cast %parallel_loop3A_565 : i32 to index
        %parallel_loop3A_567 = arith.index_cast %parallel_loop3A_564 : i32 to index
        %parallel_loop3A_568 = tpu.vector_load %arg10[%parallel_loop3A_566, %parallel_loop3A_567] {strides = array<i32>} : memref<2x6400xf32, #tpu.memory_space<vmem>>, vector<1x16xf32>,
        %parallel_loop3A_569 = vector.shape_cast %parallel_loop3A_568 : vector<1x16xf32> to vector<16xf32>
        %parallel_loop3A_570 = vector.shape_cast %parallel_loop3A_562 : vector<16xf32> to vector<1x16xf32>
        tpu.vector_store %arg10[%parallel_loop3A_566, %parallel_loop3A_567], %parallel_loop3A_570 {strides = array<i32>} : memref<2x6400xf32, #tpu.memory_space<vmem>>, vector<1x16xf32>,
        %parallel_loop3A_571 = arith.subf %parallel_loop3A_457, %parallel_loop3A_485 : vector<16xf32>
        %parallel_loop3A_572 = arith.mulf %parallel_loop3A_571, %parallel_loop3A_534 : vector<16xf32>
        %parallel_loop3A_573 = arith.mulf %parallel_loop3A_572, %get3A_13 : vector<16xf32>
        %parallel_loop3A_574 = arith.addf %parallel_loop3A_573, %get3A_25 : vector<16xf32>
        %parallel_loop3A_575 = arith.constant 48 : i32
        %parallel_loop3A_576 = arith.addi %parallel_loop3A_241, %parallel_loop3A_575 : i32
        %parallel_loop3A_577 = arith.constant 1 : i32
        %parallel_loop3A_578 = arith.index_cast %parallel_loop3A_577 : i32 to index
        %parallel_loop3A_579 = arith.index_cast %parallel_loop3A_576 : i32 to index
        %parallel_loop3A_580 = tpu.vector_load %arg10[%parallel_loop3A_578, %parallel_loop3A_579] {strides = array<i32>} : memref<2x6400xf32, #tpu.memory_space<vmem>>, vector<1x16xf32>,
        %parallel_loop3A_581 = vector.shape_cast %parallel_loop3A_580 : vector<1x16xf32> to vector<16xf32>
        %parallel_loop3A_582 = vector.shape_cast %parallel_loop3A_574 : vector<16xf32> to vector<1x16xf32>
        tpu.vector_store %arg10[%parallel_loop3A_578, %parallel_loop3A_579], %parallel_loop3A_582 {strides = array<i32>} : memref<2x6400xf32, #tpu.memory_space<vmem>>, vector<1x16xf32>,
      } {sc.loop_unroll_factor = 4 : i64, sc.parallel_access}
      %gt3A_215 = arith.constant 0 : i32
      %gt3A_216 = arith.cmpi sgt, %add3A_169, %gt3A_215 : i32
      %convert_element_type3A_217 = arith.extui %gt3A_216 : i1 to i32
      %cond3A_218 = arith.constant 0 : i32
      %cond3A_219 = arith.cmpi ne, %convert_element_type3A_217, %cond3A_218 : i32
      scf.if %cond3A_219 {
        %sub3A = arith.constant 1 : i32
        %sub3A_233 = arith.subi %add3A_169, %sub3A : i32
        %add3A_234 = arith.addi %mul3A_2, %sub3A_233 : i32
        %mul3A_235 = arith.constant 6400 : i32
        %mul3A_236 = arith.muli %add3A_234, %mul3A_235 : i32
        %dma_wait3A_237 = arith.constant 0 : i32
        %dma_wait3A_238 = arith.constant 0 : i32
        %dma_wait3A_239 = tpu.memref_slice %arg10[%dma_wait3A_237, %dma_wait3A_238] : memref<2x6400xf32, #tpu.memory_space<vmem>> -> memref<1x6400xf32, #tpu.memory_space<vmem>>
        %dma_wait3A_240 = tpu.memref_squeeze %dma_wait3A_239 : memref<1x6400xf32, #tpu.memory_space<vmem>> -> memref<6400xf32, #tpu.memory_space<vmem>>
        %dma_wait3A_241 = tpu.memref_slice %arg7[%mul3A_236] : memref<52428800xf32, #tpu.memory_space<hbm>> -> memref<6400xf32, #tpu.memory_space<hbm>>
        %dma_wait3A_242 = tpu.memref_slice %arg7[%mul3A_236] : memref<52428800xf32, #tpu.memory_space<hbm>> -> memref<6400xf32, #tpu.memory_space<hbm>>
        %dma_wait3A_243 = arith.constant 0 : i32
        %dma_wait3A_244 = tpu.memref_slice %arg10[%dma_wait3A_237, %dma_wait3A_243] : memref<2x6400xf32, #tpu.memory_space<vmem>> -> memref<1x6400xf32, #tpu.memory_space<vmem>>
        %dma_wait3A_245 = tpu.memref_squeeze %dma_wait3A_244 : memref<1x6400xf32, #tpu.memory_space<vmem>> -> memref<6400xf32, #tpu.memory_space<vmem>>
        tpu.wait_dma2 semaphore(%arg18 : memref<!tpu.dma_semaphore, #tpu.memory_space<semaphore_mem>>) src(%dma_wait3A_245 : memref<6400xf32, #tpu.memory_space<vmem>>) dst(%dma_wait3A_242 : memref<6400xf32, #tpu.memory_space<hbm>>)
      } else {
      }
      %add3A_220 = arith.addi %mul3A_2, %add3A_169 : i32
      %mul3A_221 = arith.constant 6400 : i32
      %mul3A_222 = arith.muli %add3A_220, %mul3A_221 : i32
      %dma_start3A_223 = arith.constant 1 : i32
      %dma_start3A_224 = arith.constant 0 : i32
      %dma_start3A_225 = tpu.memref_slice %arg10[%dma_start3A_223, %dma_start3A_224] : memref<2x6400xf32, #tpu.memory_space<vmem>> -> memref<1x6400xf32, #tpu.memory_space<vmem>>
      %dma_start3A_226 = tpu.memref_squeeze %dma_start3A_225 : memref<1x6400xf32, #tpu.memory_space<vmem>> -> memref<6400xf32, #tpu.memory_space<vmem>>
      %dma_start3A_227 = tpu.memref_slice %arg7[%mul3A_222] : memref<52428800xf32, #tpu.memory_space<hbm>> -> memref<6400xf32, #tpu.memory_space<hbm>>
      %dma_start3A_228 = tpu.memref_slice %arg7[%mul3A_222] : memref<52428800xf32, #tpu.memory_space<hbm>> -> memref<6400xf32, #tpu.memory_space<hbm>>
      %dma_start3A_229 = arith.constant 0 : i32
      %dma_start3A_230 = tpu.memref_slice %arg10[%dma_start3A_223, %dma_start3A_229] : memref<2x6400xf32, #tpu.memory_space<vmem>> -> memref<1x6400xf32, #tpu.memory_space<vmem>>
      %dma_start3A_231 = tpu.memref_squeeze %dma_start3A_230 : memref<1x6400xf32, #tpu.memory_space<vmem>> -> memref<6400xf32, #tpu.memory_space<vmem>>
      tpu.enqueue_dma source(%dma_start3A_231 : memref<6400xf32, #tpu.memory_space<vmem>>) target(%dma_start3A_228 : memref<6400xf32, #tpu.memory_space<hbm>>) target_semaphore(%arg18 : memref<!tpu.dma_semaphore, #tpu.memory_space<semaphore_mem>>)
      %scan3A_232 = arith.constant 0 : i32
      scf.yield %scan3A_232 : i32
    }
    %scan3A_92 = arith.constant 128 : i32
    %add3A_93 = arith.constant 255 : i32
    %add3A_94 = arith.addi %mul3A_2, %add3A_93 : i32
    %mul3A_95 = arith.constant 6400 : i32
    %mul3A_96 = arith.muli %add3A_94, %mul3A_95 : i32
    %dma_wait3A = arith.constant 1 : i32
    %dma_wait3A_97 = arith.constant 0 : i32
    %dma_wait3A_98 = tpu.memref_slice %arg10[%dma_wait3A, %dma_wait3A_97] : memref<2x6400xf32, #tpu.memory_space<vmem>> -> memref<1x6400xf32, #tpu.memory_space<vmem>>
    %dma_wait3A_99 = tpu.memref_squeeze %dma_wait3A_98 : memref<1x6400xf32, #tpu.memory_space<vmem>> -> memref<6400xf32, #tpu.memory_space<vmem>>
    %dma_wait3A_100 = tpu.memref_slice %arg7[%mul3A_96] : memref<52428800xf32, #tpu.memory_space<hbm>> -> memref<6400xf32, #tpu.memory_space<hbm>>
    %dma_wait3A_101 = tpu.memref_slice %arg7[%mul3A_96] : memref<52428800xf32, #tpu.memory_space<hbm>> -> memref<6400xf32, #tpu.memory_space<hbm>>
    %dma_wait3A_102 = arith.constant 0 : i32
    %dma_wait3A_103 = tpu.memref_slice %arg10[%dma_wait3A, %dma_wait3A_102] : memref<2x6400xf32, #tpu.memory_space<vmem>> -> memref<1x6400xf32, #tpu.memory_space<vmem>>
    %dma_wait3A_104 = tpu.memref_squeeze %dma_wait3A_103 : memref<1x6400xf32, #tpu.memory_space<vmem>> -> memref<6400xf32, #tpu.memory_space<vmem>>
    tpu.wait_dma2 semaphore(%arg18 : memref<!tpu.dma_semaphore, #tpu.memory_space<semaphore_mem>>) src(%dma_wait3A_104 : memref<6400xf32, #tpu.memory_space<vmem>>) dst(%dma_wait3A_101 : memref<6400xf32, #tpu.memory_space<hbm>>)
    return
  }
}

</mosaic_0001>

<sc_bundles>
// kernel: kernel.3.cloned.1.call-start
scs
__scs_entry_jumppad:
0x0: {  	(pc) =	sbr.rel $0x88, $3  }
0x1: {  	(tag) =	ssettag $0x0;
	lr =	simm.s32 $0x1  }
0x2: {  	[smem:$0x3F9C] =	sst lr;
	_ =	strace $0xD0000000  }
0x3: {  	_ = 	snop  }
0x4: {  	_ = 	snop  }
0x5: {  	_ = 	snop  }
0x6: {  	_ = 	snop  }
0x7: {  	_ = 	snop  }
__scs_overlays_trampoline_lowered:
0x8: {  	[smem:$0x3FAB] =	sst s0  }
0x9: {  	[smem:$0x3FAC] =	sst s1  }
0xa: {  	[smem:$0x3FAD] =	sst s2  }
0xb: {  	[smem:$0x3FAE] =	sst s3  }
0xc: {  	[smem:$0x3FAF] =	sst s4  }
0xd: {  	[smem:$0x3FB0] =	sst s5  }
0xe: {  	[smem:$0x3FB1] =	sst s6  }
0xf: {  	[smem:$0x3FB2] =	sst s7  }
0x10: {  	[smem:$0x3FB3] =	sst s8  }
0x11: {  	[smem:$0x3FB4] =	sst s9;
	s0 =	simm.s32 @!p0 $0x0  }
0x12: {  	s1 =	sld [smem:$0x3F9A];
	s0 =	simm.s32 @p0 $0x1  }
0x13: {  	[smem:$0x3FB5] =	sst s0;
	s0 =	simm.s32 @!p1 $0x0  }
0x14: {  	s2 =	sld [smem:$0x3F99];
	s0 =	simm.s32 @p1 $0x1  }
0x15: {  	[smem:$0x3FB6] =	sst s0;
	s0 =	simm.s32 @!p2 $0x0  }
0x16: {  	s3 =	sld [smem:$0x3FDB];
	s0 =	simm.s32 @p2 $0x1  }
0x17: {  	s4 =	simm.s32 $0x1BF5;
	[smem:$0x3FB8] =	sst s0  }
0x18: {  	s0 =	sld [smem:$0x3F9B];
	_ =	swait.ge [sflag:s4], $0x0  }
0x19: {  	s7 =	sld [smem:$0x3F9C]  }
0x1a: {  	s8 =	sadd.s32 $0xFFFFE003, lr  }
0x1b: {  	s9 =	sadd.s32 $0xFFFFFEF7, lr;
	s5 =	simm.s32 $0xFFFFFFFF;
	p2 =	slt.u32 s8, $0xFFFFF086  }
0x1c: {  	p1 =	slt.u32 s9, $0xF7A;
	s5 =	simm.s32 @!p2 $0x0  }
0x1d: {  	s5 =	simm.s32 @p1 $0x1;
	p0 =	seq.s32 s7, s2  }
0x1e: {  	s7 =	smul.u32 @!p0 $0xF7A, s2;
	p2 =	seq.s32 @!p0 s5, $0x0  }
0x1f: {  	s9 =	smul.u32 $0xF7A, s1;
	s8 =	simm.s32 @!p0 $0x1BF5;
	p2 =	por !p2, p0  }
0x20: {  	[sflag:s8] =	ssyncset.s32 @!p0 $0xFFFFF086;
	s6 =	sadd.s32 @!p0 s3, s7;
	s7 =	simm.s32 @!p0 $0x108  }
0x21: {  	s3 =	sadd.s32 s3, s9;
	s6 =	sadd.s32 @!p0 $0x88, s6;
	s7 =	simm.s32 @p2 $0x1082  }
0x22: {  	[simem:s7], [sflag:s8] =	dma.local @!p0 [hbm:s6], $0xF7A  }
0x23: {  	s9 =	sor.u32 $0xD0000000, s2;
	s6 =	simm.s32 $0x108;
	_ =	swait.ge @!p0 [sflag:s8], $0x0  }
0x24: {  	s3 =	sadd.s32 $0x88, s3;
	s6 =	simm.s32 @!p1 $0x1082;
	[sflag:s4] =	ssyncset.s32 $0xFFFFF086  }
0x25: {  	[simem:s6], [sflag:s4] =	dma.local [hbm:s3], $0xF7A  }
0x26: {  	[smem:$0x3F9C] =	sst s1;
	(tag) =	ssettag s2;
	_ =	strace s9  }
0x27: {  	s1 =	sld [smem:$0x3FAC]  }
0x28: {  	s2 =	sld [smem:$0x3FAD]  }
0x29: {  	s4 =	sld [smem:$0x3FAF]  }
0x2a: {  	p0 =	seq.s32 s5, $0x0;
	s5 =	sld [smem:$0x3FB0]  }
0x2b: {  	s6 =	sld [smem:$0x3FB1]  }
0x2c: {  	s7 =	sld [smem:$0x3FB2]  }
0x2d: {  	s3 =	simm.s32 $0x108;
	s8 =	sld [smem:$0x3FB3]  }
0x2e: {  	s3 =	simm.s32 @!p0 $0x1082;
	s9 =	sld [smem:$0x3FB4]  }
0x2f: {  	lr =	sadd.s32 s0, s3;
	s0 =	sld [smem:$0x3FAB]  }
0x30: {  	s3 =	sld [smem:$0x3FAE]  }
0x31: {  	[smem:$0x3FB7] =	sst s10  }
0x32: {  	s10 =	sld [smem:$0x3FB5];
	_ =	sdelay $0x3  }
0x33: {  	p0 =	seq.s32 s10, $0x1;
	s10 =	sld [smem:$0x3FB7];
	_ =	sdelay $0x3  }
0x34: {  	[smem:$0x3FB7] =	sst s10  }
0x35: {  	s10 =	sld [smem:$0x3FB6];
	_ =	sdelay $0x3  }
0x36: {  	p1 =	seq.s32 s10, $0x1;
	s10 =	sld [smem:$0x3FB7];
	_ =	sdelay $0x3  }
0x37: {  	[smem:$0x3FB7] =	sst s10  }
0x38: {  	s10 =	sld [smem:$0x3FB8]  }
0x39: {  	_ = 	snop;
	(pc) =	sbr.ind lr, $3  }
0x3a: {  	_ = 	snop  }
0x3b: {  	_ = 	snop  }
0x3c: {  	p2 =	seq.s32 s10, $0x1;
	s10 =	sld [smem:$0x3FB7]  }
0x3d: {  	_ =	shalt  }
0x3e: {  	_ =	shalt  }
0x3f: {  	_ =	shalt  }
0x40: {  	_ =	shalt  }
0x41: {  	_ =	shalt  }
0x42: {  	_ =	shalt  }
0x43: {  	_ =	shalt  }
0x44: {  	_ =	shalt  }
0x45: {  	_ =	shalt  }
0x46: {  	_ =	shalt  }
0x47: {  	_ =	shalt  }
0x48: {  	_ =	shalt  }
0x49: {  	_ =	shalt  }
0x4a: {  	_ =	shalt  }
0x4b: {  	_ =	shalt  }
0x4c: {  	_ =	shalt  }
0x4d: {  	_ =	shalt  }
0x4e: {  	_ =	shalt  }
0x4f: {  	_ =	shalt  }
0x50: {  	_ =	shalt  }
0x51: {  	_ =	shalt  }
0x52: {  	_ =	shalt  }
0x53: {  	_ =	shalt  }
0x54: {  	_ =	shalt  }
0x55: {  	_ =	shalt  }
0x56: {  	_ =	shalt  }
0x57: {  	_ =	shalt  }
0x58: {  	_ =	shalt  }
0x59: {  	_ =	shalt  }
0x5a: {  	_ =	shalt  }
0x5b: {  	_ =	shalt  }
0x5c: {  	_ =	shalt  }
0x5d: {  	_ =	shalt  }
0x5e: {  	_ =	shalt  }
0x5f: {  	_ =	shalt  }
0x60: {  	_ =	shalt  }
0x61: {  	_ =	shalt  }
0x62: {  	_ =	shalt  }
0x63: {  	_ =	shalt  }
0x64: {  	_ =	shalt  }
0x65: {  	_ =	shalt  }
0x66: {  	_ =	shalt  }
0x67: {  	_ =	shalt  }
0x68: {  	_ =	shalt  }
0x69: {  	_ =	shalt  }
0x6a: {  	_ =	shalt  }
0x6b: {  	_ =	shalt  }
0x6c: {  	_ =	shalt  }
0x6d: {  	_ =	shalt  }
0x6e: {  	_ =	shalt  }
0x6f: {  	_ =	shalt  }
0x70: {  	_ =	shalt  }
0x71: {  	_ =	shalt  }
0x72: {  	_ =	shalt  }
0x73: {  	_ =	shalt  }
0x74: {  	_ =	shalt  }
0x75: {  	_ =	shalt  }
0x76: {  	_ =	shalt  }
0x77: {  	_ =	shalt  }
0x78: {  	_ =	shalt  }
0x79: {  	_ =	shalt  }
0x7a: {  	_ =	shalt  }
0x7b: {  	_ =	shalt  }
0x7c: {  	_ =	shalt  }
0x7d: {  	_ =	shalt  }
0x7e: {  	_ =	shalt  }
0x7f: {  	_ =	shalt  }
0x80: {  	_ =	shalt  }
0x81: {  	_ =	shalt  }
0x82: {  	_ =	shalt  }
0x83: {  	_ =	shalt  }
0x84: {  	_ =	shalt  }
0x85: {  	_ =	shalt  }
0x86: {  	_ =	shalt  }
0x87: {  	_ =	shalt  }
.Lfunc_end0:
.L_simem_size_0:
called_computation.1_lowered:
.L_overlay_start_0:
0x88: {  	s2 =	sld [smem:$0x3FD9]  }
0x89: {  	s3 =	sld [smem:$0x3FFE];
	_ =	sdelay $0x1  }
0x8a: {  	s1 =	srdreg.scid  }
0x8b: {  	s0 =	sand.u32 $0x1, s1  }
0x8c: {  	s17 =	sshll.u32 s0, $0xA;
	s2 =	sadd.s32 s3, s2  }
0x8d: {  	s2 =	sadd.s32 s2, s17  }
0x8e: {  	[smem:$0x3FC3] =	sst s2  }
0x8f: {  	_ = 	snop  }
0x90: {  	s2 =	sld [smem:$0x3FC6]  }
0x91: {  	s18 =	sld [smem:$0x3FC5]  }
0x92: {  	s4 =	sld [smem:$0x3FD0];
	(tm) =	ssettm $0x1  }
0x93: {  	s5 =	sld [smem:$0x3FFB];
	_ =	sdelay $0x3  }
0x94: {  	_ =	strace s5  }
0x95: {  	s5 =	sld [smem:$0x3FFC];
	_ =	sdelay $0x3  }
0x96: {  	_ =	strace s5  }
0x97: {  	s5 =	sld [smem:$0x3FFD];
	_ =	sdelay $0x3  }
0x98: {  	_ =	strace s5  }
0x99: {  	_ =	strace $0x8FFFFFFF  }
0x9a: {  	s19 =	sld [smem:$0x3FDB];
	_ =	sdelay $0x1  }
0x9b: {  	s6 =	simm.s32 $_scs_section_size  }
0x9c: {  	s7 =	simm.s32 $_size__tile_overlayer_lowered;
	s8 =	simm.s32 $_tile_overlayer_lowered  }
0x9d: {  	s22 =	simm.s32 $0x1BFF;
	s21 =	sshll.u32 s8, $0x1;
	s5 =	sadd.s32 s6, s19  }
0x9e: {  	s9 =	simm.s32 $0x0;
	s20 =	sshll.u32 s7, $0x1;
	s7 =	sadd.s32 s21, s5  }
0x9f: {  	[timem:s9], [sflag:s22] =	dma.local [hbm:s7], s20  }
0xa0: {  	_ =	swait.ge [sflag:s22], s20  }
0xa1: {  	s6 =	ssub.s32 $0x0, s20;
	[sflag:s22] =	ssyncset.done $0x0  }
0xa2: {  	[sflag:s22] =	ssyncadd.s32 s6;
	_ =	sdelay $0x1  }
0xa3: {  	s23 =	simm.s32 $0x1B8B  }
0xa4: {  	_ =	swait.ge [sflag:s23], $0x1  }
0xa5: {  	[sflag:s23] =	ssyncset.done $0x0  }
0xa6: {  	s25 =	simm.s32 $0x1B8E;
	s24 =	sld [smem:$0x3FFE];
	[sflag:s23] =	ssyncadd.s32 $0xFFFFFFFF  }
0xa7: {  	s26 =	simm.s32 $execute0_lowered;
	[smem:$0x3FD2] =	sst s25  }
0xa8: {  	s7 =	sshll.u32 s26, $0x1;
	_ =	strace $0x80000046;
	[dreg:$0x1] =	wrdreg $0xFFFFFFFF  }
0xa9: {  	s28 =	simm.s32 $_size_execute0_lowered;
	s5 =	sadd.s32 s5, s7;
	[dreg:$0x0] =	wrdreg $0x0  }
0xaa: {  	s7 =	sshll.u32 s28, $0x1;
	[dreg:$0x2] =	wrdreg s5  }
0xab: {  	[dreg:$0x3] =	wrdreg s7  }
0xac: {  	[dreg:$0x4] =	wrdreg $0xC0  }
0xad: {  	_ =	task [dreg:s9], $0x5FFFF  }
0xae: {  	[dreg:$0x1] =	wrdreg $0xFFFFFFFF  }
0xaf: {  	[dreg:$0x0] =	wrdreg $0x60  }
0xb0: {  	[dreg:$0x2] =	wrdreg s24  }
0xb1: {  	[dreg:$0x3] =	wrdreg s2  }
0xb2: {  	[dreg:$0x4] =	wrdreg s18  }
0xb3: {  	[dreg:$0x5] =	wrdreg s4  }
0xb4: {  	[dreg:$0x6] =	wrdreg $0x9  }
0xb5: {  	_ =	task.clear_ibuf [dreg:s9], $0x7FFFF;
	_ =	strace $0x90000046  }
0xb6: {  	s29 =	simm.s32 $0x9;
	_ =	strace $0x80000048  }
0xb7: {  	_ =	swait.ge [sflag:s29], $0x1  }
0xb8: {  	[sflag:s29] =	ssyncadd.s32 $0xFFFFFFFF  }
0xb9: {  	_ =	strace $0x90000048  }
0xba: {  	_ =	sfence  }
0xbb: {  	s30 =	sld [smem:$0x0];
	_ =	sdelay $0x2  }
0xbc: {  	s31 =	sshll.u32 s1, $0xD;
	s1 =	sshrl.u32 s1, $0x2  }
0xbd: {  	s3 =	sand.u32 $0x4000, s31;
	s1 =	sadd.s32 s1, s30  }
0xbe: {  	s0 =	sor.u32 s3, s0;
	s1 =	sshll.u32 s1, $0x11  }
0xbf: {  	s0 =	sor.u32 s1, s0  }
0xc0: {  	s0 =	sadd.s32 $0x8F2B, s0  }
0xc1: {  	[sflag:s0] =	ssyncadd.remote.s32 $0x1  }
0xc2: {  	_ =	sfence.sel $0xFFFF  }
0xc3: {  	[dreg:$0x0] =	wrdreg $0xFFFFFFFF;
	(pc) =	sbr.abs _section_cstart, $3  }
0xc4: {  	[dreg:$0x1] =	wrdreg $0xFFFFFFFF  }
0xc5: {  	_ =	task.clear_ibuf [dreg:s9], $0x2FFFF;
	_ =	strace $0x9FFFFFFF  }
0xc6: {  	(tm) =	ssettm $0x7FFFFFFF  }
0xc7: {  	_ =	shalt  }
tec
execute0_lowered:
.L_overlay_start_1:
0x0: {  	(tag) =	ssettag $0x1  }
0x1: {  	s0 =	rddreg [dreg:$0x0];
	v0 =	vimm.s32 $0xFEDCBA98  }
0x2: {  	s4 =	rddreg [dreg:$0x3];
	s5 =	simm.s32 $0x0;
	s1 =	srdreg.scid;
	v1 =	vimm.s32 $0x76543210;
	v2 =	vimm.s32 $0xBA98FEDC;
	v3 =	vimm.s32 $0x32107654  }
0x3: {  	s2 =	stileid.u32;
	v4 =	vimm.s32 $0xDCFE98BA;
	v5 =	vimm.s32 $0x54761032;
	s16 =	simm.s32 $0x6;
	s19 =	simm.s32 $0xFA  }
0x4: {  	v6 =	vimm.s32 $0xEFCDAB89;
	v7 =	vimm.s32 $0x67452301;
	s23 =	simm.s32 $0x200;
	s24 =	simm.s32 $0x4;
	s28 =	simm.s32 $0xBF80  }
0x5: {  	s29 =	simm.s32 $0x1;
	s30 =	simm.s32 $0xFE00;
	s31 =	simm.s32 $0x5;
	v0 =	vunpack.c.l.s4.s8 v0;
	v1 =	vunpack.c.l.s4.s8 v1;
	v2 =	vunpack.c.l.s4.s8 v2  }
0x6: {  	[smem:$0x7FF] =	sst s5;
	s1 =	sand.u32 $0x1, s1;
	s2 =	sshll.u32 s2, $0x1;
	v3 =	vunpack.c.l.s4.s8 v3;
	v4 =	vunpack.c.l.s4.s8 v4;
	v5 =	vunpack.c.l.s4.s8 v5  }
0x7: {  	s6 =	sadd.s32 $0x2800, s0;
	s7 =	sadd.s32 $0x82800, s0;
	s0 =	sadd.s32 $0x2400, s0;
	v6 =	vunpack.c.l.s4.s8 v6;
	v7 =	vunpack.c.l.s4.s8 v7;
	v0 =	vunpack.c.0.s8.s32 v0  }
0x8: {  	_ =	strace $0x80000047;
	s2 =	sor.u32 s1, s2;
	s1 =	ssub.s32 $0x2, s1;
	v2 =	vunpack.c.0.s8.s32 v2;
	v3 =	vunpack.c.0.s8.s32 v3;
	v4 =	vunpack.c.0.s8.s32 v4  }
0x9: {  	[dreg:$0x5] =	wrdreg s0;
	s3 =	sshll.u32 s2, $0xE;
	s25 =	sshrl.u32 s1, $0x1;
	v5 =	vunpack.c.0.s8.s32 v5;
	v6 =	vunpack.c.0.s8.s32 v6;
	v7 =	vunpack.c.0.s8.s32 v7  }
0xa: {  	s10 =	sshll.u32 s2, $0x8;
	v1 =	vunpack.c.0.s8.s32 v1;
	s9 =	sadd.s32 s6, s3;
	s0 =	ssub.s32 s1, s25;
	v2 =	vcombine.low v3, v2  }
0xb: {  	s12 =	sor.u32 $0x2, s10;
	s13 =	sor.u32 $0x3, s10;
	s25 =	simm.s32 $0x8100;
	v3 =	vcombine.low v5, v4;
	v4 =	vcombine.low v7, v6;
	v0 =	vand.u32 $0xF, v0  }
0xc: {  	s3 =	simm.s32 $0x0;
	s26 =	sadd.s32 $0x40, s9;
	s14 =	smax.u32 s0, $0x1;
	v0 =	vcombine.low v0, v1  }
0xd: {  	s0 =	simm.s32 $0x11700;
	[dreg:$0x6] =	wrdreg s26;
	s26 =	simm.s32 $0x300;
	v1 =	vand.u32 $0xF, v2;
	v2 =	vand.u32 $0xF, v3;
	v3 =	vand.u32 $0xF, v4  }
.LBB2_1:
0xe: {  	s1 =	rddreg [dreg:$0x5];
	s2 =	simm.s32 $0x13000  }
0xf: {  	[tilespmem:s2], [sflag:$0x6] =	stream.linear.gather [hbm4b:s1+s5], $0x1900, $0x38;
	[tilespmem:$0x14980] =	vst v63  }
0x10: {  	_ =	swait.ge [sflag:s16], $0x1900  }
0x11: {  	[sflag:s16] =	ssyncset.done $0x0  }
0x12: {  	[sflag:s16] =	ssyncadd.s32 $0xFFFFE700  }
0x13: {  	s11 =	simm.s32 $0x14900;
	s8 =	rddreg [dreg:$0x1]  }
0x14: {  	[tilespmem:s11], [sflag:$0x6] =	stream.linear.gather [hbm4b:s8+s5], $0x40, $0x38;
	[tilespmem:$0x14980] =	vst v63  }
0x15: {  	_ =	swait.ge [sflag:s16], $0x40  }
0x16: {  	[sflag:s16] =	ssyncset.done $0x0  }
0x17: {  	[sflag:s16] =	ssyncadd.s32 $0xFFFFFFC0  }
0x18: {  	s17 =	simm.s32 $0x14940;
	s15 =	rddreg [dreg:$0x2]  }
0x19: {  	[tilespmem:s17], [sflag:$0x6] =	stream.linear.gather [hbm4b:s15+s5], $0x40, $0x38;
	[tilespmem:$0x14980] =	vst v63  }
0x1a: {  	_ =	swait.ge [sflag:s16], $0x40  }
0x1b: {  	[sflag:s16] =	ssyncset.done $0x0  }
0x1c: {  	[sflag:s16] =	ssyncadd.s32 $0xFFFFFFC0  }
0x1d: {  	v4 =	vld [tilespmem:$0x14900]  }
0x1e: {  	v5 =	vld [tilespmem:$0x14910]  }
0x1f: {  	v6 =	vld [tilespmem:$0x14920]  }
0x20: {  	v7 =	vld [tilespmem:$0x14930]  }
0x21: {  	v8 =	vld [tilespmem:$0x14940]  }
0x22: {  	v9 =	vld [tilespmem:$0x14950]  }
0x23: {  	v10 =	vld [tilespmem:$0x14960]  }
0x24: {  	v11 =	vld [tilespmem:$0x14970];
	[tilespmem:s5], [sflag:$0x6] =	stream.linear.gather [hbm4b:s9+s5], $0x200, $0x38  }
0x25: {  	_ =	swait.ge [sflag:s16], $0x200  }
0x26: {  	[sflag:s16] =	ssyncset.done $0x0  }
0x27: {  	s18 =	simm.s32 $0x400;
	[sflag:s16] =	ssyncadd.s32 $0xFFFFFE00  }
0x28: {  	[tilespmem:s18], [sflag:$0x1] =	stream.indirect.gather [hbm4b:s7+s19], $0x40, s5, s19, $0xb8;
	[tilespmem:$0x14980] =	vst v63  }
0x29: {  	s20 =	simm.s32 $0x100;
	s21 =	simm.s32 $0x4280  }
0x2a: {  	[tilespmem:s21], [sflag:$0x1] =	stream.indirect.gather [hbm4b:s7+s19], $0x40, s20, s19, $0xb8;
	[tilespmem:$0x14980] =	vst v63  }
0x2b: {  	s1 =	simm.s32 $0x0;
	s22 =	rddreg [dreg:$0x6]  }
0x2c: {  	[tilespmem:s23], [sflag:$0x4] =	stream.linear.gather [hbm4b:s22+s5], $0x200, $0x38;
	[tilespmem:$0x14980] =	vst v63  }
.LBB2_2:
0x2d: {  	_ =	swait.ge [sflag:s24], $0x200  }
0x2e: {  	[sflag:s24] =	ssyncset.done $0x0  }
0x2f: {  	[sflag:s24] =	ssyncadd.s32 $0xFFFFFE00  }
0x30: {  	[tilespmem:s25], [sflag:$0x2] =	stream.indirect.gather [hbm4b:s7+s19], $0x40, s23, s19, $0xb8;
	[tilespmem:$0x14980] =	vst v63  }
0x31: {  	_ = 	snop  }
0x32: {  	[tilespmem:s28], [sflag:$0x2] =	stream.indirect.gather [hbm4b:s7+s19], $0x40, s26, s19, $0xb8;
	[tilespmem:$0x14980] =	vst v63  }
0x33: {  	_ =	swait.ge [sflag:s29], $0x3E80  }
0x34: {  	s15 =	sshll.u32 s1, $0x1;
	p0 =	seq.s32 s1, $0x7F;
	[sflag:s29] =	ssyncset.done $0x0  }
0x35: {  	s2 =	sadd.s32 @!p0 s15, s12;
	[sflag:s29] =	ssyncadd.s32 $0xFFFFC180  }
0x36: {  	s11 =	simm.s32 $0x2;
	s2 =	sshll.u32 @!p0 s2, $0x6;
	_ =	swait.ge [sflag:s29], $0x3E80  }
0x37: {  	s17 =	simm.s32 $0xFFFFFFD0;
	s2 =	sand.u32 @!p0 $0x1FFFFF80, s2;
	[sflag:s29] =	ssyncset.done $0x0  }
0x38: {  	s8 =	simm.s32 @!p0 $0x0;
	s2 =	sadd.s32 @!p0 s6, s2;
	[sflag:s29] =	ssyncadd.s32 $0xFFFFC180  }
0x39: {  	[tilespmem:s8], [sflag:$0x3] =	stream.linear.gather @!p0 [hbm4b:s2+s8], $0x200, $0x38;
	[tilespmem:$0x14980] =	vst v63  }
0x3a: {  	s8 =	smin.u32 s11, s17  }
0x3b: {  	s2 =	smul.u32 $0x500, s8;
	s8 =	sshll.u32 s8, $0x8  }
0x3c: {  	s8 =	sshra.s32 s8, $0x2  }
0x3d: {  	v14 =	vld [tilespmem:s8+$0x13000]  }
0x3e: {  	p1 =	por $0x0, $0x0;
	s17 =	simm.s32 $0x3E80;
	v15 =	vld [tilespmem:s8+$0x13010]  }
0x3f: {  	s17 =	simm.s32 @!p1 $0x0;
	s2 =	sshra.s32 s2, $0x2;
	v16 =	vld [tilespmem:s8+$0x13020]  }
0x40: {  	v20 =	vld [tilespmem:s8+$0x13030];
	s2 =	sadd.s32 s2, s17  }
0x41: {  	v12 =	vld [tilespmem:s2+$0x400]  }
0x42: {  	v13 =	vld [tilespmem:s2+$0x440]  }
0x43: {  	v17 =	vld [tilespmem:s2+$0x500]  }
0x44: {  	v18 =	vld [tilespmem:s2+$0x4C0]  }
0x45: {  	v19 =	vld [tilespmem:s2+$0x4D0]  }
0x46: {  	v21 =	vld [tilespmem:s2+$0x480]  }
0x47: {  	v22 =	vld [tilespmem:s2+$0x490]  }
0x48: {  	v23 =	vld [tilespmem:s2+$0x4A0]  }
0x49: {  	v24 =	vld [tilespmem:s2+$0x410]  }
0x4a: {  	v25 =	vld [tilespmem:s2+$0x450]  }
0x4b: {  	s18 =	simm.s32 $0x3;
	s20 =	simm.s32 $0xFFFFFFD1;
	v26 =	vld [tilespmem:s2+$0x420]  }
0x4c: {  	s8 =	smin.u32 s18, s20;
	v27 =	vld [tilespmem:s2+$0x460]  }
0x4d: {  	s17 =	smul.u32 $0x500, s8;
	v28 =	vld [tilespmem:s2+$0x430]  }
0x4e: {  	p1 =	por $0x0, $0x0;
	s18 =	simm.s32 $0x3E80;
	v29 =	vld [tilespmem:s2+$0x470]  }
0x4f: {  	s18 =	simm.s32 @!p1 $0x0;
	v38 =	vld [tilespmem:s2+$0x4B0];
	s17 =	sshra.s32 s17, $0x2  }
0x50: {  	v45 =	vld [tilespmem:s2+$0x530];
	s17 =	sadd.s32 s17, s18  }
0x51: {  	v30 =	vld [tilespmem:s17+$0x400]  }
0x52: {  	v31 =	vld [tilespmem:s17+$0x440]  }
0x53: {  	v32 =	vld [tilespmem:s17+$0x410]  }
0x54: {  	v33 =	vld [tilespmem:s17+$0x450]  }
0x55: {  	v34 =	vld [tilespmem:s17+$0x420]  }
0x56: {  	v35 =	vld [tilespmem:s17+$0x460]  }
0x57: {  	v36 =	vld [tilespmem:s17+$0x430]  }
0x58: {  	v37 =	vld [tilespmem:s17+$0x470]  }
0x59: {  	v39 =	vld [tilespmem:s17+$0x480]  }
0x5a: {  	v40 =	vld [tilespmem:s17+$0x490]  }
0x5b: {  	v41 =	vld [tilespmem:s17+$0x4A0]  }
0x5c: {  	v42 =	vld [tilespmem:s17+$0x4B0]  }
0x5d: {  	v63 =	vld [tilespmem:s17+$0x4D0];
	v12 =	vadd.f32 v13, v12;
	v24 =	vadd.f32 v25, v24  }
0x5e: {  	v44 =	vld [tilespmem:s17+$0x4F0];
	v25 =	vadd.f32 v27, v26;
	v27 =	vadd.f32 v29, v28  }
0x5f: {  	v13 =	vld [tilespmem:s2+$0x4E0];
	v12 =	vadd.f32 v21, v12;
	v22 =	vadd.f32 v22, v24  }
0x60: {  	v26 =	vld [tilespmem:s2+$0x4F0];
	v23 =	vadd.f32 v23, v25;
	v25 =	vadd.f32 v38, v27  }
0x61: {  	v29 =	vld [tilespmem:s17+$0x4C0];
	v28 =	vadd.f32 v31, v30;
	v30 =	vadd.f32 v33, v32  }
0x62: {  	v21 =	vld [tilespmem:s17+$0x4E0];
	v31 =	vadd.f32 v35, v34;
	v43 =	vadd.f32 v37, v36  }
0x63: {  	v24 =	vld [tilespmem:s2+$0x510];
	v12 =	vadd.f32 v18, v12;
	v19 =	vadd.f32 v19, v22  }
0x64: {  	v22 =	vld [tilespmem:s17+$0x500];
	v27 =	vadd.f32 v39, v28;
	v30 =	vadd.f32 v40, v30  }
0x65: {  	v28 =	vld [tilespmem:s2+$0x520];
	v31 =	vadd.f32 v41, v31;
	v18 =	vadd.f32 v42, v43  }
0x66: {  	v13 =	vadd.f32 v13, v23;
	v23 =	vadd.f32 v26, v25;
	v26 =	vld [tilespmem:s17+$0x510]  }
0x67: {  	s21 =	sshll.u32 s8, $0x8;
	v12 =	vadd.f32 v17, v12;
	v25 =	vadd.f32 v29, v27;
	v29 =	vld [tilespmem:s17+$0x520]  }
0x68: {  	s2 =	sshra.s32 s21, $0x2;
	v27 =	vadd.f32 v63, v30;
	v17 =	vadd.f32 v44, v18;
	v18 =	vld [tilespmem:s17+$0x530]  }
0x69: {  	v21 =	vadd.f32 v21, v31;
	v19 =	vadd.f32 v24, v19;
	v24 =	vld [tilespmem:s2+$0x13000]  }
0x6a: {  	v23 =	vadd.f32 v45, v23;
	v12 =	vmul.f32 $2.000000030e-01, v12;
	v22 =	vadd.f32 v22, v25;
	v25 =	vld [tilespmem:s2+$0x13010]  }
0x6b: {  	v13 =	vadd.f32 v28, v13;
	v28 =	vmul.f32 $2.000000030e-01, v19;
	v19 =	vadd.f32 v26, v27;
	v26 =	vld [tilespmem:s2+$0x13020]  }
0x6c: {  	v23 =	vmul.f32 $2.000000030e-01, v23;
	v27 =	vld [tilespmem:s2+$0x13030];
	v22 =	vmul.f32 $2.000000030e-01, v22;
	v21 =	vadd.f32 v29, v21  }
0x6d: {  	v13 =	vmul.f32 $2.000000030e-01, v13;
	v29 =	vmul.f32 $2.000000030e-01, v19;
	v30 =	vadd.f32 v18, v17  }
0x6e: {  	v19 =	vadd.f32 v12, v14;
	v18 =	vadd.f32 v28, v15;
	v12 =	vmul.f32 $2.000000030e-01, v21  }
0x6f: {  	p1 =	por $0x1, $0x1;
	s2 =	simm.s32 $0x1;
	v17 =	vadd.f32 v13, v16;
	v16 =	vadd.f32 v23, v20;
	v20 =	vmul.f32 $2.000000030e-01, v30  }
0x70: {  	s2 =	simm.s32 @!p1 $0xFFFFFFCF;
	v15 =	vadd.f32 v22, v24;
	v14 =	vadd.f32 v29, v25  }
0x71: {  	s2 =	sadd.s32 $0x0, s2;
	v21 =	vmul.f32 v19, v19;
	v13 =	vadd.f32 v12, v26;
	v12 =	vadd.f32 v20, v27  }
0x72: {  	s22 =	smul.u32 $0x500, s2;
	v22 =	vmul.f32 v18, v18;
	v20 =	vadd.f32 v18, v19;
	v23 =	vadd.f32 v16, v17  }
0x73: {  	s8 =	simm.s32 $0x4280;
	p1 =	por $0x0, $0x0;
	s21 =	sshll.u32 s2, $0x8;
	v24 =	vmul.f32 v17, v17;
	v25 =	vmul.f32 v16, v16;
	v26 =	vadd.f32 v14, v15  }
0x74: {  	s8 =	simm.s32 @!p1 $0x400;
	s17 =	sshra.s32 s22, $0x2;
	s22 =	sshra.s32 s21, $0x2;
	v27 =	vmul.f32 v15, v15;
	v28 =	vmul.f32 v14, v14;
	v21 =	vadd.f32 v22, v21  }
0x75: {  	s17 =	sadd.s32 s17, s8;
	v45 =	vld [tilespmem:s22+$0x13000];
	v29 =	vadd.f32 v12, v13;
	v30 =	vmul.f32 v13, v13;
	v31 =	vmul.f32 v12, v12  }
0x76: {  	v46 =	vld [tilespmem:s17+$0x0];
	v22 =	vadd.f32 v25, v24;
	v24 =	vadd.f32 v28, v27  }
0x77: {  	v49 =	vld [tilespmem:s17+$0x40];
	v20 =	vadd.f32 v23, v20;
	v25 =	vadd.f32 v31, v30  }
0x78: {  	v52 =	vld [tilespmem:s17+$0x20];
	v23 =	vadd.f32 v29, v26  }
0x79: {  	v55 =	vld [tilespmem:s17+$0x60];
	v21 =	vadd.f32 v22, v21;
	v22 =	vadd.f32 v25, v24;
	v24 =	vperm.xlane v20, v0  }
0x7a: {  	v56 =	vld [tilespmem:s17+$0x30];
	v27 =	vperm.xlane v23, v0  }
0x7b: {  	v57 =	vld [tilespmem:s17+$0x70];
	v29 =	vperm.xlane v21, v0;
	v20 =	vadd.f32 v20, v24  }
0x7c: {  	v60 =	vld [tilespmem:s17+$0xA0];
	v30 =	vperm.xlane v22, v0;
	v23 =	vadd.f32 v23, v27  }
0x7d: {  	v43 =	vld [tilespmem:s17+$0xB0];
	v21 =	vadd.f32 v29, v21;
	v29 =	vperm.xlane v20, v1  }
0x7e: {  	v63 =	vld [tilespmem:s17+$0xE0];
	v22 =	vadd.f32 v30, v22;
	v30 =	vperm.xlane v23, v1  }
0x7f: {  	v32 =	vadd.f32 v49, v46;
	v47 =	vperm.xlane v21, v1;
	v20 =	vadd.f32 v20, v29;
	v29 =	vld [tilespmem:s17+$0x10]  }
0x80: {  	v42 =	vadd.f32 v55, v52;
	v48 =	vperm.xlane v22, v1;
	v23 =	vadd.f32 v23, v30;
	v30 =	vld [tilespmem:s17+$0x50]  }
0x81: {  	v33 =	vadd.f32 v57, v56;
	v24 =	vld [tilespmem:s17+$0x80];
	v21 =	vadd.f32 v47, v21  }
0x82: {  	v27 =	vld [tilespmem:s17+$0x90];
	v22 =	vadd.f32 v48, v22;
	v50 =	vperm.xlane v20, v2;
	v51 =	vperm.xlane v23, v2  }
0x83: {  	v44 =	vld [tilespmem:s17+$0x120];
	v35 =	vadd.f32 v60, v42;
	v33 =	vadd.f32 v43, v33;
	v53 =	vperm.xlane v21, v2  }
0x84: {  	v31 =	vld [tilespmem:s17+$0xD0];
	v54 =	vperm.xlane v22, v2;
	v20 =	vadd.f32 v20, v50;
	v23 =	vadd.f32 v23, v51  }
0x85: {  	s11 =	simm.s32 $0x0;
	s20 =	simm.s32 $0xFFFFFFCE;
	v28 =	vld [tilespmem:s17+$0xC0];
	v21 =	vadd.f32 v53, v21;
	v29 =	vadd.f32 v30, v29  }
0x86: {  	s20 =	smin.u32 s11, s20;
	v25 =	vld [tilespmem:s17+$0x110];
	v22 =	vadd.f32 v54, v22;
	v58 =	vperm.xlane v20, v3;
	v59 =	vperm.xlane v23, v3  }
0x87: {  	s11 =	smul.u32 $0x500, s20;
	v32 =	vadd.f32 v24, v32;
	v30 =	vld [tilespmem:s17+$0xF0];
	v61 =	vperm.xlane v21, v3;
	v27 =	vadd.f32 v27, v29  }
0x88: {  	v26 =	vld [tilespmem:s17+$0x100];
	v62 =	vperm.xlane v22, v3;
	v20 =	vadd.f32 v20, v58;
	v23 =	vadd.f32 v23, v59  }
0x89: {  	v29 =	vld [tilespmem:s17+$0x130];
	s17 =	sshra.s32 s11, $0x2;
	v21 =	vadd.f32 v61, v21;
	v27 =	vadd.f32 v31, v27  }
0x8a: {  	v46 =	vld [tilespmem:s22+$0x13020];
	s8 =	sadd.s32 s17, s8;
	v31 =	vadd.f32 v63, v35;
	v22 =	vadd.f32 v62, v22  }
0x8b: {  	v49 =	vld [tilespmem:s8+$0x10];
	v24 =	vmul.f32 $1.562500000e-02, v20;
	v20 =	vmul.f32 $1.562500000e-02, v23;
	v23 =	vadd.f32 v28, v32  }
0x8c: {  	v50 =	vld [tilespmem:s8+$0x50];
	v30 =	vadd.f32 v30, v33;
	v25 =	vadd.f32 v25, v27  }
0x8d: {  	v51 =	vld [tilespmem:s8+$0x30];
	v31 =	vadd.f32 v44, v31;
	v23 =	vadd.f32 v26, v23  }
0x8e: {  	v55 =	vld [tilespmem:s8+$0x70];
	v21 =	vmul.f32 $1.562500000e-02, v21;
	v29 =	vadd.f32 v29, v30;
	v19 =	vsub.f32 v19, v24  }
0x8f: {  	v28 =	vld [tilespmem:s22+$0x13010];
	v47 =	vmul.f32 v24, v24;
	v17 =	vsub.f32 v17, v24;
	v16 =	vsub.f32 v16, v24  }
0x90: {  	v48 =	vld [tilespmem:s8+$0x40];
	v22 =	vmul.f32 $1.562500000e-02, v22;
	v15 =	vsub.f32 v15, v20;
	v14 =	vsub.f32 v14, v20  }
0x91: {  	v27 =	vld [tilespmem:s8+$0x0];
	v30 =	vmul.f32 v20, v20;
	v13 =	vsub.f32 v13, v20;
	v12 =	vsub.f32 v12, v20  }
0x92: {  	v26 =	vld [tilespmem:s22+$0x13030];
	v25 =	vmul.f32 $2.000000030e-01, v25;
	v31 =	vmul.f32 $2.000000030e-01, v31;
	v21 =	vsub.f32 v21, v47  }
0x93: {  	v59 =	vld [tilespmem:s8+$0x90];
	v23 =	vmul.f32 $2.000000030e-01, v23;
	v30 =	vsub.f32 v22, v30;
	v33 =	vadd.f32 v50, v49  }
0x94: {  	v62 =	vld [tilespmem:s8+$0xB0];
	v32 =	vadd.f32 v55, v51;
	v25 =	vadd.f32 v25, v28  }
0x95: {  	v29 =	vmul.f32 $2.000000030e-01, v29;
	v31 =	vadd.f32 v31, v46;
	v23 =	vadd.f32 v23, v45  }
0x96: {  	v28 =	vld [tilespmem:s8+$0x20];
	v21 =	vadd.f32 $9.999999740e-06, v21;
	v27 =	vadd.f32 v48, v27  }
0x97: {  	v30 =	vadd.f32 $9.999999740e-06, v30;
	v22 =	vadd.f32 v29, v26;
	v26 =	vld [tilespmem:s8+$0x60]  }
0x98: {  	v58 =	vld [tilespmem:s8+$0x80];
	v33 =	vadd.f32 v59, v33;
	v54 =	vmul.f32 v25, v25;
	v56 =	vmul.f32 v31, v31  }
0x99: {  	v32 =	vadd.f32 v62, v32;
	v53 =	vmul.f32 v23, v23;
	v57 =	vmul.f32 v22, v22  }
0x9a: {  	v46 =	vld [tilespmem:s8+$0xD0];
	v29 =	vadd.f32 v25, v23;
	v52 =	vadd.f32 v22, v31  }
0x9b: {  	v45 =	vld [tilespmem:s8+$0xC0];
	v44 =	vshrl.u32 v21, $0x1;
	v60 =	vadd.f32 v54, v53;
	v61 =	vadd.f32 v57, v56  }
0x9c: {  	v35 =	vmul.f32 $5.000000000e-01, v21;
	v29 =	vadd.f32 v52, v29;
	v26 =	vadd.f32 v26, v28;
	v28 =	vld [tilespmem:s8+$0xA0]  }
0x9d: {  	v21 =	vshrl.u32 v30, $0x1;
	v27 =	vadd.f32 v58, v27;
	v36 =	vadd.f32 v61, v60  }
0x9e: {  	v50 =	vld [tilespmem:s8+$0x100];
	v30 =	vmul.f32 $5.000000000e-01, v30;
	v39 =	vsub.s32 $0x5F3759DF, v44;
	v63 =	vperm.xlane v29, v0  }
0x9f: {  	v21 =	vsub.s32 $0x5F3759DF, v21;
	v33 =	vadd.f32 v46, v33;
	v47 =	vperm.xlane v36, v0  }
0xa0: {  	v51 =	vmul.f32 v39, v35;
	v27 =	vadd.f32 v45, v27;
	v52 =	vld [tilespmem:s8+$0x110];
	v29 =	vadd.f32 v29, v63  }
0xa1: {  	v55 =	vmul.f32 v21, v30;
	v26 =	vadd.f32 v28, v26;
	v28 =	vld [tilespmem:s8+$0xF0];
	v36 =	vadd.f32 v47, v36  }
0xa2: {  	v48 =	vld [tilespmem:s8+$0xE0];
	v46 =	vsub.f32 v18, v24;
	v38 =	vmul.f32 v39, v51;
	v49 =	vperm.xlane v29, v1  }
0xa3: {  	s2 =	sshll.u32 s20, $0x8;
	v56 =	vld [tilespmem:s8+$0x130];
	v59 =	vmul.f32 v21, v55;
	v27 =	vadd.f32 v50, v27;
	v53 =	vperm.xlane v36, v1  }
0xa4: {  	s2 =	sshra.s32 s2, $0x2;
	v54 =	vld [tilespmem:s8+$0x120];
	v58 =	vsub.f32 $1.500000000e+00, v38;
	v29 =	vadd.f32 v29, v49  }
0xa5: {  	v57 =	vld [tilespmem:s2+$0x13000];
	v38 =	vsub.f32 $1.500000000e+00, v59;
	v27 =	vmul.f32 $2.000000030e-01, v27;
	v36 =	vadd.f32 v53, v36  }
0xa6: {  	v60 =	vld [tilespmem:s2+$0x13010];
	v33 =	vadd.f32 v52, v33;
	v44 =	vperm.xlane v29, v2;
	v28 =	vadd.f32 v28, v32  }
0xa7: {  	v63 =	vld [tilespmem:s2+$0x13030];
	v38 =	vmul.f32 v21, v38;
	v26 =	vadd.f32 v48, v26;
	v61 =	vperm.xlane v36, v2  }
0xa8: {  	v62 =	vld [tilespmem:s2+$0x13020];
	v33 =	vmul.f32 $2.000000030e-01, v33;
	v29 =	vadd.f32 v29, v44;
	v28 =	vadd.f32 v56, v28  }
0xa9: {  	s20 =	simm.s32 $0x6;
	s21 =	simm.s32 $0xFFFFFFD4;
	v30 =	vmul.f32 v38, v30;
	v26 =	vadd.f32 v54, v26;
	v36 =	vadd.f32 v61, v36  }
0xaa: {  	v27 =	vadd.f32 v27, v57;
	s8 =	smin.u32 s20, s21;
	v45 =	vperm.xlane v29, v3;
	v28 =	vmul.f32 $2.000000030e-01, v28  }
0xab: {  	s2 =	smul.u32 $0x500, s8;
	v33 =	vadd.f32 v33, v60;
	v26 =	vmul.f32 $2.000000030e-01, v26;
	v48 =	vperm.xlane v36, v3  }
0xac: {  	p1 =	por $0x0, $0x0;
	s17 =	simm.s32 $0x3E80;
	s8 =	sshll.u32 s8, $0x8;
	v30 =	vmul.f32 v30, v38;
	v29 =	vadd.f32 v29, v45;
	v28 =	vadd.f32 v28, v63  }
0xad: {  	s17 =	simm.s32 @!p1 $0x0;
	v50 =	vmul.f32 v27, v27;
	s8 =	sshra.s32 s8, $0x2;
	s2 =	sshra.s32 s2, $0x2;
	v34 =	vadd.f32 v48, v36;
	v36 =	vadd.f32 v26, v62  }
0xae: {  	v21 =	vld [tilespmem:s8+$0x13000];
	s2 =	sadd.s32 s2, s17;
	v52 =	vmul.f32 v33, v33;
	v32 =	vmul.f32 v39, v58;
	v30 =	vsub.f32 $1.500000000e+00, v30  }
0xaf: {  	v57 =	vld [tilespmem:s2+$0x400];
	v29 =	vmul.f32 $1.562500000e-02, v29;
	v26 =	vadd.f32 v33, v27;
	v51 =	vadd.f32 v28, v36  }
0xb0: {  	v59 =	vld [tilespmem:s2+$0x440];
	v55 =	vadd.f32 v52, v50;
	v54 =	vmul.f32 v28, v28;
	v53 =	vmul.f32 v36, v36  }
0xb1: {  	v18 =	vld [tilespmem:s2+$0x500];
	v34 =	vmul.f32 $1.562500000e-02, v34;
	v49 =	vmul.f32 v29, v29;
	v26 =	vadd.f32 v51, v26  }
0xb2: {  	v35 =	vmul.f32 v32, v35;
	v50 =	vld [tilespmem:s2+$0x450];
	v30 =	vmul.f32 v30, v38;
	v56 =	vadd.f32 v54, v53  }
0xb3: {  	v63 =	vld [tilespmem:s2+$0x460];
	v41 =	vsub.f32 v23, v29;
	v34 =	vsub.f32 v34, v49;
	v23 =	vperm.xlane v26, v0  }
0xb4: {  	v35 =	vmul.f32 v35, v32;
	v15 =	vmul.f32 v30, v15;
	v62 =	vld [tilespmem:s2+$0x410];
	v37 =	vadd.f32 v56, v55  }
0xb5: {  	v14 =	vmul.f32 v30, v14;
	v49 =	vld [tilespmem:s2+$0x4C0];
	v34 =	vadd.f32 $9.999999740e-06, v34;
	v26 =	vadd.f32 v26, v23  }
0xb6: {  	v13 =	vmul.f32 v30, v13;
	v43 =	vsub.f32 v25, v29;
	v51 =	vld [tilespmem:s2+$0x430];
	v25 =	vperm.xlane v37, v0  }
0xb7: {  	v56 =	vld [tilespmem:s2+$0x420];
	v58 =	vshrl.u32 v34, $0x1;
	v34 =	vmul.f32 $5.000000000e-01, v34;
	v61 =	vperm.xlane v26, v1  }
0xb8: {  	v35 =	vsub.f32 $1.500000000e+00, v35;
	v23 =	vld [tilespmem:s8+$0x13010];
	v40 =	vsub.s32 $0x5F3759DF, v58;
	v37 =	vadd.f32 v25, v37  }
0xb9: {  	s11 =	simm.s32 $0xFFFFFFD5;
	s22 =	simm.s32 $0x7;
	v12 =	vmul.f32 v30, v12;
	v60 =	vmul.f32 v40, v34;
	v25 =	vld [tilespmem:s8+$0x13020];
	v45 =	vadd.f32 v26, v61  }
0xba: {  	v39 =	vadd.f32 v59, v57;
	v32 =	vmul.f32 v35, v32;
	v26 =	vld [tilespmem:s8+$0x13030];
	v47 =	vperm.xlane v37, v1;
	s8 =	smin.u32 s22, s11  }
0xbb: {  	v31 =	vsub.f32 v31, v29;
	v54 =	vld [tilespmem:s2+$0x470];
	v44 =	vmul.f32 v40, v60;
	s17 =	smul.u32 $0x500, s8;
	v48 =	vperm.xlane v45, v2  }
0xbc: {  	s18 =	simm.s32 $0x3E80;
	p1 =	por $0x0, $0x0;
	v19 =	vmul.f32 v32, v19;
	v38 =	vadd.f32 v63, v56;
	v63 =	vld [tilespmem:s2+$0x4A0];
	v37 =	vadd.f32 v47, v37  }
0xbd: {  	s18 =	simm.s32 @!p1 $0x0;
	v35 =	vmul.f32 v32, v46;
	v44 =	vsub.f32 $1.500000000e+00, v44;
	s17 =	sshra.s32 s17, $0x2;
	v24 =	vadd.f32 v45, v48;
	v45 =	vld [tilespmem:s2+$0x480]  }
0xbe: {  	v17 =	vmul.f32 v32, v17;
	v47 =	vperm.xlane v37, v2;
	s17 =	sadd.s32 s17, s18;
	v48 =	vadd.f32 v50, v62;
	v62 =	vld [tilespmem:s2+$0x490]  }
0xbf: {  	v22 =	vsub.f32 v22, v29;
	v19 =	vmul.f32 v19, v4;
	v40 =	vmul.f32 v40, v44;
	v60 =	vld [tilespmem:s17+$0x420]  }
0xc0: {  	v35 =	vmul.f32 v35, v5;
	v20 =	vld [tilespmem:s17+$0x460];
	v55 =	vperm.xlane v24, v3;
	v37 =	vadd.f32 v47, v37  }
0xc1: {  	v16 =	vmul.f32 v32, v16;
	v52 =	vadd.f32 v19, v8;
	v61 =	vld [tilespmem:s17+$0x430];
	v34 =	vmul.f32 v40, v34  }
0xc2: {  	v35 =	vadd.f32 v35, v9;
	v30 =	vld [tilespmem:s17+$0x470];
	v24 =	vadd.f32 v24, v55;
	v47 =	vperm.xlane v37, v3  }
0xc3: {  	v53 =	vld [tilespmem:s2+$0x4F0];
	v32 =	vadd.f32 v54, v51;
	v19 =	vadd.f32 v63, v38;
	v34 =	vmul.f32 v34, v40  }
0xc4: {  	v57 =	vld [tilespmem:s17+$0x440];
	v39 =	vadd.f32 v45, v39;
	v24 =	vmul.f32 $1.562500000e-02, v24;
	v37 =	vadd.f32 v47, v37  }
0xc5: {  	v17 =	vmul.f32 v17, v6;
	v58 =	vld [tilespmem:s17+$0x410];
	v48 =	vadd.f32 v62, v48;
	v34 =	vsub.f32 $1.500000000e+00, v34  }
0xc6: {  	v55 =	vld [tilespmem:s17+$0x400];
	v20 =	vadd.f32 v20, v60;
	v29 =	vmul.f32 v24, v24;
	v37 =	vmul.f32 $1.562500000e-02, v37  }
0xc7: {  	v15 =	vmul.f32 v15, v4;
	v59 =	vld [tilespmem:s17+$0x450];
	v30 =	vadd.f32 v30, v61;
	v47 =	vadd.f32 v17, v10  }
0xc8: {  	v13 =	vmul.f32 v13, v6;
	v63 =	vld [tilespmem:s2+$0x4E0];
	v39 =	vadd.f32 v49, v39;
	v29 =	vsub.f32 v37, v29  }
0xc9: {  	v60 =	vld [tilespmem:s17+$0x490];
	v34 =	vmul.f32 v34, v40;
	v27 =	vsub.f32 v27, v24;
	v33 =	vsub.f32 v33, v24  }
0xca: {  	v16 =	vmul.f32 v16, v7;
	v61 =	vld [tilespmem:s17+$0x4A0];
	v36 =	vsub.f32 v36, v24;
	v29 =	vadd.f32 $9.999999740e-06, v29  }
0xcb: {  	v54 =	vld [tilespmem:s17+$0x4C0];
	v24 =	vsub.f32 v28, v24;
	v40 =	vadd.f32 v57, v55;
	v28 =	vmul.f32 v34, v41  }
0xcc: {  	v62 =	vld [tilespmem:s17+$0x4B0];
	v41 =	vadd.f32 v59, v58;
	v56 =	vshrl.u32 v29, $0x1;
	v29 =	vmul.f32 $5.000000000e-01, v29  }
0xcd: {  	v57 =	vld [tilespmem:s2+$0x4B0];
	v22 =	vmul.f32 v34, v22;
	v43 =	vmul.f32 v34, v43;
	v51 =	vsub.s32 $0x5F3759DF, v56  }
0xce: {  	v31 =	vmul.f32 v34, v31;
	v58 =	vld [tilespmem:s17+$0x480];
	v17 =	vadd.f32 v60, v41;
	v59 =	vmul.f32 v51, v29  }
0xcf: {  	v22 =	vmul.f32 v22, v7;
	v41 =	vadd.f32 v16, v11;
	v16 =	vadd.f32 v61, v20;
	v20 =	vld [tilespmem:s17+$0x4E0]  }
0xd0: {  	v60 =	vadd.f32 v13, v10;
	v13 =	vadd.f32 v63, v19;
	v19 =	vld [tilespmem:s2+$0x530];
	v34 =	vmul.f32 v51, v59  }
0xd1: {  	v14 =	vmul.f32 v14, v5;
	v18 =	vadd.f32 v18, v39;
	v61 =	vld [tilespmem:s17+$0x500];
	v22 =	vadd.f32 v22, v11  }
0xd2: {  	v28 =	vmul.f32 v28, v4;
	v32 =	vadd.f32 v57, v32;
	v59 =	vld [tilespmem:s17+$0x4F0];
	v34 =	vsub.f32 $1.500000000e+00, v34  }
0xd3: {  	v12 =	vmul.f32 v12, v7;
	v57 =	vadd.f32 v15, v8;
	v15 =	vadd.f32 v62, v30;
	v30 =	vld [tilespmem:s2+$0x520]  }
0xd4: {  	v28 =	vadd.f32 v28, v8;
	v16 =	vadd.f32 v20, v16;
	v20 =	vld [tilespmem:s17+$0x530];
	v34 =	vmul.f32 v51, v34  }
0xd5: {  	v44 =	vld [tilespmem:s2+$0x4D0];
	v62 =	vadd.f32 v12, v11;
	v40 =	vadd.f32 v58, v40  }
0xd6: {  	s18 =	sshll.u32 s8, $0x8;
	v55 =	vld [tilespmem:s17+$0x4D0];
	v58 =	vadd.f32 v14, v9;
	v32 =	vadd.f32 v53, v32;
	v29 =	vmul.f32 v34, v29  }
0xd7: {  	v18 =	vmul.f32 $2.000000030e-01, v18;
	v56 =	vld [tilespmem:s2+$0x510];
	s2 =	sshra.s32 s18, $0x2;
	v12 =	vadd.f32 v54, v40;
	v15 =	vadd.f32 v59, v15  }
0xd8: {  	v19 =	vadd.f32 v19, v32;
	v13 =	vadd.f32 v30, v13;
	v30 =	vld [tilespmem:s2+$0x13000];
	v14 =	vmul.f32 v29, v34  }
0xd9: {  	v43 =	vmul.f32 v43, v5;
	v12 =	vadd.f32 v61, v12;
	v51 =	vld [tilespmem:s2+$0x13030];
	v15 =	vadd.f32 v20, v15  }
0xda: {  	v63 =	vld [tilespmem:s17+$0x510];
	v46 =	vmul.f32 $2.000000030e-01, v19;
	v29 =	vadd.f32 v44, v48;
	v14 =	vsub.f32 $1.500000000e+00, v14  }
0xdb: {  	v19 =	vadd.f32 v18, v21;
	v12 =	vmul.f32 $2.000000030e-01, v12;
	v21 =	vmul.f32 $2.000000030e-01, v15  }
0xdc: {  	v29 =	vadd.f32 v56, v29;
	v34 =	vmul.f32 v14, v34;
	v14 =	vadd.f32 v55, v17;
	v17 =	vld [tilespmem:s17+$0x520]  }
0xdd: {  	v31 =	vmul.f32 v31, v6;
	v43 =	vadd.f32 v43, v9;
	v15 =	vadd.f32 v12, v30  }
0xde: {  	v13 =	vmul.f32 $2.000000030e-01, v13;
	v44 =	vld [tilespmem:s2+$0x13010];
	v12 =	vadd.f32 v21, v51;
	v29 =	vmul.f32 $2.000000030e-01, v29  }
0xdf: {  	v21 =	vmul.f32 v19, v19;
	v30 =	vmul.f32 v15, v15;
	v14 =	vadd.f32 v63, v14  }
0xe0: {  	v45 =	vld [tilespmem:s2+$0x13020];
	s17 =	simm.s32 $0xFE80;
	v55 =	vmul.f32 v12, v12;
	v27 =	vmul.f32 v34, v27;
	v18 =	vadd.f32 v29, v23  }
0xe1: {  	[tilespmem:s17+$0xFFFFFFF0] =	vst v22;
	v22 =	vmul.f32 v34, v24;
	v14 =	vmul.f32 $2.000000030e-01, v14;
	v16 =	vadd.f32 v17, v16  }
0xe2: {  	v31 =	vadd.f32 v31, v10;
	v24 =	vmul.f32 v18, v18;
	v27 =	vmul.f32 v27, v4  }
0xe3: {  	v17 =	vadd.f32 v13, v25;
	v14 =	vadd.f32 v14, v44;
	v20 =	vmul.f32 $2.000000030e-01, v16  }
0xe4: {  	p1 =	por $0x1, $0x1;
	s2 =	simm.s32 $0x1;
	[tilespmem:s17+$0xFFFFFFC0] =	vst v28;
	v33 =	vmul.f32 v34, v33;
	v21 =	vadd.f32 v24, v21;
	v16 =	vadd.f32 v46, v26  }
0xe5: {  	s2 =	simm.s32 @!p1 $0xFFFFFFCF;
	[tilespmem:s17+$0xFFFFFFD0] =	vst v43;
	v27 =	vadd.f32 v27, v8;
	v26 =	vmul.f32 v17, v17;
	v13 =	vadd.f32 v20, v45  }
0xe6: {  	s22 =	sadd.s32 $0x4, s2;
	[tilespmem:s17+$0xFFFFFFE0] =	vst v31;
	v29 =	vadd.f32 v14, v15;
	v31 =	vmul.f32 v14, v14;
	v28 =	vmul.f32 v16, v16  }
0xe7: {  	s2 =	smul.u32 $0x500, s22;
	[tilespmem:s17+$0x0] =	vst v52;
	v20 =	vadd.f32 v18, v19;
	v25 =	vadd.f32 v16, v17;
	v54 =	vmul.f32 v13, v13  }
0xe8: {  	s18 =	simm.s32 $0x4280;
	p1 =	por $0x0, $0x0;
	[tilespmem:s17+$0x10] =	vst v35;
	v23 =	vmul.f32 v34, v36;
	v53 =	vadd.f32 v12, v13;
	v24 =	vadd.f32 v28, v26  }
0xe9: {  	s18 =	simm.s32 @!p1 $0x400;
	[tilespmem:s17+$0x20] =	vst v47;
	s2 =	sshra.s32 s2, $0x2;
	v56 =	vmul.f32 v22, v7;
	v28 =	vadd.f32 v31, v30;
	v30 =	vadd.f32 v55, v54  }
0xea: {  	[tilespmem:s17+$0x40] =	vst v57;
	s8 =	sadd.s32 s2, s18;
	v26 =	vmul.f32 v33, v5;
	v20 =	vadd.f32 v25, v20;
	v29 =	vadd.f32 v53, v29  }
0xeb: {  	[tilespmem:s17+$0x70] =	vst v62;
	v22 =	vld [tilespmem:s8+$0x100];
	v31 =	vmul.f32 v23, v6;
	v21 =	vadd.f32 v24, v21;
	v30 =	vadd.f32 v30, v28  }
0xec: {  	v62 =	vadd.f32 v56, v11;
	[tilespmem:s17+$0xFFFFFF80] =	vst v27;
	v27 =	vld [tilespmem:s8+$0x40];
	v28 =	vperm.xlane v20, v0;
	v57 =	vperm.xlane v29, v0  }
0xed: {  	s20 =	simm.s32 $0x4;
	s21 =	simm.s32 $0xFFFFFFD2;
	[tilespmem:s17+$0x50] =	vst v58;
	v23 =	vld [tilespmem:s8+$0x110];
	v26 =	vadd.f32 v26, v9;
	v58 =	vperm.xlane v21, v0;
	v59 =	vperm.xlane v30, v0  }
0xee: {  	s20 =	smin.u32 s20, s21;
	[tilespmem:s17+$0x60] =	vst v60;
	v25 =	vld [tilespmem:s8+$0xD0];
	v60 =	vadd.f32 v20, v28;
	v61 =	vadd.f32 v29, v57  }
0xef: {  	[tilespmem:s17+$0x30] =	vst v41;
	s2 =	smul.u32 $0x500, s20;
	v24 =	vld [tilespmem:s8+$0xC0];
	v28 =	vadd.f32 v58, v21;
	v29 =	vadd.f32 v59, v30  }
0xf0: {  	v31 =	vadd.f32 v31, v10;
	[tilespmem:s17+$0xFFFFFF90] =	vst v26;
	v26 =	vld [tilespmem:s8+$0x0];
	v30 =	vperm.xlane v60, v1;
	v63 =	vperm.xlane v61, v1  }
0xf1: {  	s11 =	sshra.s32 s2, $0x2;
	[tilespmem:s17+$0xFFFFFFB0] =	vst v62;
	v20 =	vld [tilespmem:s8+$0x80];
	v32 =	vperm.xlane v28, v1;
	v33 =	vperm.xlane v29, v1  }
0xf2: {  	s2 =	sshllo.u32 s1, $0x1;
	s21 =	sadd.s32 s11, s18;
	s18 =	simm.s32 $0x8;
	[tilespmem:s17+$0xFFFFFFA0] =	vst v31;
	v21 =	vld [tilespmem:s8+$0x90];
	v30 =	vadd.f32 v60, v30;
	v31 =	vadd.f32 v61, v63  }
.LBB2_3:
0xf3: {  	p1 =	slt.u32 s18, $0x60;
	v34 =	vld [tilespmem:s8+$0x10];
	v28 =	vadd.f32 v32, v28;
	v29 =	vadd.f32 v33, v29  }
0xf4: {  	v32 =	vld [tilespmem:s8+$0x50];
	v33 =	vperm.xlane v30, v2;
	v35 =	vperm.xlane v31, v2  }
0xf5: {  	v36 =	vld [tilespmem:s8+$0x20];
	v37 =	vperm.xlane v28, v2;
	v38 =	vperm.xlane v29, v2  }
0xf6: {  	v39 =	vld [tilespmem:s8+$0x60];
	v30 =	vadd.f32 v30, v33;
	v31 =	vadd.f32 v31, v35  }
0xf7: {  	v33 =	vld [tilespmem:s8+$0x30];
	v28 =	vadd.f32 v37, v28;
	v29 =	vadd.f32 v38, v29  }
0xf8: {  	v35 =	vld [tilespmem:s8+$0x70];
	v37 =	vperm.xlane v30, v3;
	v38 =	vperm.xlane v31, v3  }
0xf9: {  	v40 =	vld [tilespmem:s8+$0xA0];
	v41 =	vperm.xlane v28, v3;
	v42 =	vperm.xlane v29, v3  }
0xfa: {  	v43 =	vld [tilespmem:s8+$0xB0];
	v30 =	vadd.f32 v30, v37;
	v31 =	vadd.f32 v31, v38  }
0xfb: {  	v37 =	vld [tilespmem:s8+$0xE0];
	v28 =	vadd.f32 v41, v28;
	v29 =	vadd.f32 v42, v29  }
0xfc: {  	v26 =	vadd.f32 v27, v26;
	v27 =	vadd.f32 v32, v34;
	v32 =	vld [tilespmem:s8+$0xF0]  }
0xfd: {  	s22 =	sshll.u32 s22, $0x8;
	v34 =	vadd.f32 v39, v36;
	v36 =	vld [tilespmem:s8+$0x120];
	v33 =	vadd.f32 v35, v33  }
0xfe: {  	s22 =	sshra.s32 s22, $0x2;
	v26 =	vadd.f32 v20, v26;
	v27 =	vadd.f32 v21, v27;
	v21 =	vmul.f32 $1.562500000e-02, v30;
	v35 =	vld [tilespmem:s8+$0x130]  }
0xff: {  	v20 =	vmul.f32 $1.562500000e-02, v31;
	v34 =	vadd.f32 v40, v34;
	v30 =	vld [tilespmem:s22+$0x13000];
	v33 =	vadd.f32 v43, v33  }
0x100: {  	v24 =	vadd.f32 v24, v26;
	v25 =	vadd.f32 v25, v27;
	v27 =	vmul.f32 $1.562500000e-02, v28;
	v26 =	vld [tilespmem:s22+$0x13010]  }
0x101: {  	v28 =	vadd.f32 v37, v34;
	v31 =	vld [tilespmem:s22+$0x13020];
	v32 =	vadd.f32 v32, v33;
	v33 =	vmul.f32 v21, v21  }
0x102: {  	v22 =	vadd.f32 v22, v24;
	v24 =	vmul.f32 $1.562500000e-02, v29;
	v23 =	vadd.f32 v23, v25;
	v34 =	vld [tilespmem:s22+$0x13030]  }
0x103: {  	v25 =	vadd.f32 v36, v28;
	v29 =	vld [tilespmem:s21+$0x0];
	v28 =	vadd.f32 v35, v32;
	v32 =	vmul.f32 v20, v20  }
0x104: {  	v22 =	vmul.f32 $2.000000030e-01, v22;
	v23 =	vmul.f32 $2.000000030e-01, v23;
	v27 =	vsub.f32 v27, v33;
	v35 =	vld [tilespmem:s21+$0x40]  }
0x105: {  	v36 =	vmul.f32 $2.000000030e-01, v25;
	v33 =	vld [tilespmem:s21+$0x10];
	v28 =	vmul.f32 $2.000000030e-01, v28;
	v32 =	vsub.f32 v24, v32  }
0x106: {  	v25 =	vadd.f32 v22, v30;
	v24 =	vadd.f32 v23, v26;
	v37 =	vld [tilespmem:s21+$0x50]  }
0x107: {  	v23 =	vadd.f32 v36, v31;
	v26 =	vld [tilespmem:s21+$0x20];
	v22 =	vadd.f32 v28, v34  }
0x108: {  	v27 =	vadd.f32 $9.999999740e-06, v27;
	v30 =	vadd.f32 v24, v25;
	v28 =	vld [tilespmem:s21+$0x60]  }
0x109: {  	v36 =	vmul.f32 v25, v25;
	v38 =	vmul.f32 v24, v24;
	v31 =	vld [tilespmem:s21+$0x30];
	v34 =	vadd.f32 v22, v23  }
0x10a: {  	v39 =	vmul.f32 v23, v23;
	v29 =	vadd.f32 v35, v29;
	v40 =	vmul.f32 v22, v22;
	v35 =	vld [tilespmem:s21+$0x70]  }
0x10b: {  	v41 =	vld [tilespmem:s21+$0x80];
	v33 =	vadd.f32 v37, v33;
	v30 =	vadd.f32 v34, v30  }
0x10c: {  	v36 =	vadd.f32 v38, v36;
	v37 =	vadd.f32 v40, v39;
	v34 =	vld [tilespmem:s21+$0x90]  }
0x10d: {  	v32 =	vadd.f32 $9.999999740e-06, v32;
	v26 =	vadd.f32 v28, v26;
	v28 =	vld [tilespmem:s21+$0xA0]  }
0x10e: {  	v39 =	vshrl.u32 v27, $0x1;
	v36 =	vadd.f32 v37, v36;
	v37 =	vperm.xlane v30, v0;
	v38 =	vld [tilespmem:s21+$0xB0]  }
0x10f: {  	v27 =	vmul.f32 $5.000000000e-01, v27;
	v40 =	vld [tilespmem:s21+$0xC0];
	v31 =	vadd.f32 v35, v31;
	v35 =	vshrl.u32 v32, $0x1  }
0x110: {  	v30 =	vadd.f32 v30, v37;
	v37 =	vperm.xlane v36, v0;
	v29 =	vadd.f32 v41, v29;
	v41 =	vld [tilespmem:s21+$0xD0]  }
0x111: {  	v39 =	vsub.s32 $0x5F3759DF, v39;
	v32 =	vmul.f32 $5.000000000e-01, v32;
	v33 =	vadd.f32 v34, v33;
	v34 =	vld [tilespmem:s21+$0xE0]  }
0x112: {  	v42 =	vperm.xlane v30, v1;
	v36 =	vadd.f32 v37, v36;
	v26 =	vadd.f32 v28, v26;
	v28 =	vld [tilespmem:s21+$0xF0]  }
0x113: {  	v35 =	vsub.s32 $0x5F3759DF, v35;
	v37 =	vld [tilespmem:s21+$0x100];
	v31 =	vadd.f32 v38, v31;
	v38 =	vmul.f32 v39, v27  }
0x114: {  	v30 =	vadd.f32 v30, v42;
	v42 =	vperm.xlane v36, v1;
	v29 =	vadd.f32 v40, v29;
	v40 =	vld [tilespmem:s21+$0x110]  }
0x115: {  	s8 =	sshll.u32 s20, $0x8;
	v43 =	vmul.f32 v35, v32;
	v33 =	vadd.f32 v41, v33;
	v41 =	vld [tilespmem:s21+$0x120];
	v38 =	vmul.f32 v39, v38  }
0x116: {  	s8 =	sshra.s32 s8, $0x2;
	v44 =	vperm.xlane v30, v2;
	v36 =	vadd.f32 v42, v36;
	v26 =	vadd.f32 v34, v26;
	v34 =	vld [tilespmem:s21+$0x130]  }
0x117: {  	v42 =	vld [tilespmem:s8+$0x13000];
	v28 =	vadd.f32 v28, v31;
	v31 =	vsub.f32 $1.500000000e+00, v38;
	v38 =	vmul.f32 v35, v43  }
0x118: {  	v30 =	vadd.f32 v30, v44;
	v43 =	vperm.xlane v36, v2;
	v29 =	vadd.f32 v37, v29;
	v37 =	vld [tilespmem:s8+$0x13010]  }
0x119: {  	v33 =	vadd.f32 v40, v33;
	v40 =	vld [tilespmem:s8+$0x13020];
	v38 =	vsub.f32 $1.500000000e+00, v38  }
0x11a: {  	v44 =	vperm.xlane v30, v3;
	v36 =	vadd.f32 v43, v36;
	v26 =	vadd.f32 v41, v26;
	v41 =	vld [tilespmem:s8+$0x13030]  }
0x11b: {  	v29 =	vmul.f32 $2.000000030e-01, v29;
	v33 =	vmul.f32 $2.000000030e-01, v33;
	v28 =	vadd.f32 v34, v28  }
0x11c: {  	s20 =	sadd.s32 $0x2, s18;
	s8 =	sadd.s32 $0xFFFFFFD0, s18;
	v30 =	vadd.f32 v30, v44;
	v34 =	vperm.xlane v36, v3;
	v26 =	vmul.f32 $2.000000030e-01, v26  }
0x11d: {  	s8 =	smin.u32 s20, s8;
	v29 =	vadd.f32 v29, v42;
	v33 =	vadd.f32 v33, v37;
	v28 =	vmul.f32 $2.000000030e-01, v28  }
0x11e: {  	s21 =	smul.u32 $0x500, s8;
	v30 =	vmul.f32 $1.562500000e-02, v30;
	v37 =	vadd.f32 v26, v40;
	v26 =	vadd.f32 v34, v36  }
0x11f: {  	p2 =	sgt.u32 s20, $0x31;
	s20 =	simm.s32 $0x3E80;
	v36 =	vmul.f32 v29, v29;
	v28 =	vadd.f32 v28, v41;
	v34 =	vadd.f32 v33, v29  }
0x120: {  	s20 =	simm.s32 @!p2 $0x0;
	s21 =	sshra.s32 s21, $0x2;
	v40 =	vmul.f32 v30, v30;
	v41 =	vsub.f32 v25, v30;
	v26 =	vmul.f32 $1.562500000e-02, v26  }
0x121: {  	s20 =	sadd.s32 s21, s20;
	v42 =	vmul.f32 v33, v33;
	v43 =	vmul.f32 v37, v37;
	v25 =	vadd.f32 v28, v37  }
0x122: {  	v45 =	vmul.f32 v28, v28;
	v44 =	vld [tilespmem:s20+$0x400];
	v26 =	vsub.f32 v26, v40;
	v40 =	vsub.f32 v24, v30  }
0x123: {  	v24 =	vld [tilespmem:s20+$0x440];
	v25 =	vadd.f32 v25, v34;
	v34 =	vadd.f32 v42, v36  }
0x124: {  	v36 =	vadd.f32 v45, v43;
	v26 =	vadd.f32 $9.999999740e-06, v26  }
0x125: {  	v31 =	vmul.f32 v39, v31;
	v43 =	vsub.f32 v23, v30;
	v42 =	vperm.xlane v25, v0  }
0x126: {  	v34 =	vadd.f32 v36, v34;
	v23 =	vshrl.u32 v26, $0x1;
	v26 =	vmul.f32 $5.000000000e-01, v26  }
0x127: {  	v35 =	vmul.f32 v35, v38;
	v25 =	vadd.f32 v25, v42;
	v36 =	vsub.s32 $0x5F3759DF, v23  }
0x128: {  	v23 =	vadd.f32 v24, v44;
	v24 =	vperm.xlane v34, v0;
	v38 =	vmul.f32 v36, v26  }
0x129: {  	v19 =	vsub.f32 v19, v21;
	v27 =	vmul.f32 v31, v27;
	v39 =	vperm.xlane v25, v1  }
0x12a: {  	v24 =	vadd.f32 v24, v34;
	v34 =	vmul.f32 v36, v38;
	v38 =	vsub.f32 v18, v21  }
0x12b: {  	s8 =	sshll.u32 s8, $0x8;
	v18 =	vmul.f32 v27, v31;
	v27 =	vmul.f32 v35, v32;
	v25 =	vadd.f32 v25, v39  }
0x12c: {  	s8 =	sshra.s32 s8, $0x2;
	v39 =	vsub.f32 v17, v21;
	v32 =	vperm.xlane v24, v1;
	v34 =	vsub.f32 $1.500000000e+00, v34  }
0x12d: {  	v44 =	vsub.f32 $1.500000000e+00, v18;
	v27 =	vmul.f32 v27, v35;
	v17 =	vld [tilespmem:s8+$0x13000];
	v42 =	vperm.xlane v25, v2  }
0x12e: {  	v18 =	vld [tilespmem:s8+$0x13010];
	v24 =	vadd.f32 v32, v24;
	v32 =	vmul.f32 v36, v34;
	v34 =	vsub.f32 v16, v21  }
0x12f: {  	v31 =	vmul.f32 v44, v31;
	v27 =	vsub.f32 $1.500000000e+00, v27;
	v16 =	vld [tilespmem:s8+$0x13020];
	v25 =	vadd.f32 v25, v42  }
0x130: {  	v42 =	vsub.f32 v15, v20;
	v21 =	vld [tilespmem:s8+$0x13030];
	v36 =	vperm.xlane v24, v2;
	v26 =	vmul.f32 v32, v26  }
0x131: {  	v27 =	vmul.f32 v27, v35;
	v35 =	vsub.f32 v14, v20;
	v15 =	vld [tilespmem:s20+$0x500];
	v44 =	vperm.xlane v25, v3  }
0x132: {  	v45 =	vmul.f32 v31, v19;
	v14 =	vld [tilespmem:s20+$0x4C0];
	v24 =	vadd.f32 v36, v24;
	v36 =	vmul.f32 v26, v32  }
0x133: {  	v38 =	vmul.f32 v31, v38;
	v39 =	vmul.f32 v31, v39;
	v19 =	vld [tilespmem:s20+$0x4D0];
	v25 =	vadd.f32 v25, v44  }
0x134: {  	v31 =	vmul.f32 v31, v34;
	v26 =	vld [tilespmem:s20+$0x480];
	v44 =	vperm.xlane v24, v3;
	v36 =	vsub.f32 $1.500000000e+00, v36  }
0x135: {  	v46 =	vsub.f32 v13, v20;
	v42 =	vmul.f32 v27, v42;
	v34 =	vld [tilespmem:s20+$0x490];
	v25 =	vmul.f32 $1.562500000e-02, v25  }
0x136: {  	v30 =	vsub.f32 v22, v30;
	v47 =	vld [tilespmem:s20+$0x4A0];
	v24 =	vadd.f32 v44, v24;
	v32 =	vmul.f32 v36, v32  }
0x137: {  	s21 =	sadd.s32 $0xFFFFFFD1, s18;
	s8 =	sadd.s32 $0x3, s18;
	v36 =	vld [tilespmem:s20+$0x410];
	v44 =	vmul.f32 v25, v25;
	v13 =	vsub.f32 v29, v25;
	v22 =	vsub.f32 v33, v25  }
0x138: {  	s21 =	smin.u32 s8, s21;
	v29 =	vld [tilespmem:s20+$0x450];
	v33 =	vmul.f32 $1.562500000e-02, v24;
	v24 =	vsub.f32 v37, v25;
	v30 =	vmul.f32 v32, v30  }
0x139: {  	s22 =	smul.u32 $0x500, s21;
	v25 =	vsub.f32 v28, v25;
	v28 =	vmul.f32 v32, v41;
	v40 =	vmul.f32 v32, v40;
	v37 =	vld [tilespmem:s20+$0x420]  }
0x13a: {  	p2 =	sgt.u32 s8, $0x31;
	s8 =	simm.s32 $0x3E80;
	v32 =	vmul.f32 v32, v43;
	v41 =	vld [tilespmem:s20+$0x460];
	v33 =	vsub.f32 v33, v44;
	v30 =	vmul.f32 v30, v7  }
0x13b: {  	v12 =	vsub.f32 v12, v20;
	s8 =	simm.s32 @!p2 $0x0;
	s22 =	sshra.s32 s22, $0x2;
	v28 =	vmul.f32 v28, v4;
	v40 =	vmul.f32 v40, v5;
	v43 =	vld [tilespmem:s20+$0x430]  }
0x13c: {  	s8 =	sadd.s32 s22, s8;
	v32 =	vmul.f32 v32, v6;
	v20 =	vld [tilespmem:s20+$0x470];
	v33 =	vadd.f32 $9.999999740e-06, v33;
	v30 =	vadd.f32 v30, v11  }
0x13d: {  	s17 =	sadd.s32 $0x100, s17;
	v45 =	vmul.f32 v45, v4;
	v28 =	vadd.f32 v28, v8;
	v40 =	vadd.f32 v40, v9;
	v44 =	vld [tilespmem:s8+$0x400]  }
0x13e: {  	v32 =	vadd.f32 v32, v10;
	v48 =	vld [tilespmem:s8+$0x440];
	v49 =	vshrl.u32 v33, $0x1;
	v33 =	vmul.f32 $5.000000000e-01, v33;
	[tilespmem:s17+$0xFFFFFFF0] =	vst v30  }
0x13f: {  	v35 =	vmul.f32 v27, v35;
	v30 =	vld [tilespmem:s8+$0x410];
	v49 =	vsub.s32 $0x5F3759DF, v49;
	[tilespmem:s17+$0xFFFFFFC0] =	vst v28;
	v28 =	vmul.f32 v38, v5  }
0x140: {  	v39 =	vmul.f32 v39, v6;
	v38 =	vld [tilespmem:s8+$0x450];
	v50 =	vmul.f32 v49, v33;
	[tilespmem:s17+$0xFFFFFFD0] =	vst v40;
	v40 =	vadd.f32 v45, v8  }
0x141: {  	v31 =	vmul.f32 v31, v7;
	v45 =	vld [tilespmem:s8+$0x420];
	[tilespmem:s17+$0xFFFFFFE0] =	vst v32;
	v28 =	vadd.f32 v28, v9;
	v32 =	vmul.f32 v27, v46  }
0x142: {  	v39 =	vadd.f32 v39, v10;
	v46 =	vld [tilespmem:s8+$0x460];
	v50 =	vmul.f32 v49, v50;
	[tilespmem:s17+$0x0] =	vst v40;
	v40 =	vmul.f32 v42, v4  }
0x143: {  	v12 =	vmul.f32 v27, v12;
	v42 =	vld [tilespmem:s8+$0x430];
	[tilespmem:s17+$0x10] =	vst v28;
	v28 =	vadd.f32 v31, v11;
	v31 =	vmul.f32 v35, v5  }
0x144: {  	v32 =	vmul.f32 v32, v6;
	v27 =	vld [tilespmem:s8+$0x470];
	v35 =	vsub.f32 $1.500000000e+00, v50;
	[tilespmem:s17+$0x20] =	vst v39;
	v39 =	vadd.f32 v40, v8  }
0x145: {  	v12 =	vmul.f32 v12, v7;
	v29 =	vadd.f32 v29, v36;
	v36 =	vld [tilespmem:s20+$0x4B0];
	[tilespmem:s17+$0x30] =	vst v28;
	v28 =	vadd.f32 v31, v9  }
0x146: {  	v31 =	vadd.f32 v41, v37;
	v32 =	vadd.f32 v32, v10;
	v37 =	vld [tilespmem:s8+$0x480];
	v35 =	vmul.f32 v49, v35;
	[tilespmem:s17+$0x40] =	vst v39  }
0x147: {  	v12 =	vadd.f32 v12, v11;
	v20 =	vadd.f32 v20, v43;
	v39 =	vld [tilespmem:s8+$0x490];
	[tilespmem:s17+$0x50] =	vst v28  }
0x148: {  	v30 =	vadd.f32 v38, v30;
	v28 =	vadd.f32 v48, v44;
	v38 =	vld [tilespmem:s8+$0x4A0];
	v33 =	vmul.f32 v35, v33;
	[tilespmem:s17+$0x60] =	vst v32  }
0x149: {  	v32 =	vadd.f32 v46, v45;
	v27 =	vadd.f32 v27, v42;
	v40 =	vld [tilespmem:s8+$0x4B0];
	[tilespmem:s17+$0x70] =	vst v12  }
0x14a: {  	v12 =	vadd.f32 v26, v23;
	v23 =	vadd.f32 v34, v29;
	v26 =	vld [tilespmem:s20+$0x4E0];
	v29 =	vmul.f32 v33, v35  }
0x14b: {  	v31 =	vadd.f32 v47, v31;
	v20 =	vadd.f32 v36, v20;
	v33 =	vld [tilespmem:s20+$0x4F0]  }
0x14c: {  	v28 =	vadd.f32 v37, v28;
	v34 =	vld [tilespmem:s8+$0x4C0];
	v29 =	vsub.f32 $1.500000000e+00, v29  }
0x14d: {  	v30 =	vadd.f32 v39, v30;
	v36 =	vld [tilespmem:s8+$0x4D0];
	v32 =	vadd.f32 v38, v32  }
0x14e: {  	v12 =	vadd.f32 v14, v12;
	v14 =	vld [tilespmem:s8+$0x4E0];
	v27 =	vadd.f32 v40, v27;
	v29 =	vmul.f32 v29, v35  }
0x14f: {  	v19 =	vadd.f32 v19, v23;
	v23 =	vld [tilespmem:s20+$0x510];
	v26 =	vadd.f32 v26, v31  }
0x150: {  	v31 =	vld [tilespmem:s20+$0x520];
	v20 =	vadd.f32 v33, v20;
	v13 =	vmul.f32 v29, v13;
	v22 =	vmul.f32 v29, v22  }
0x151: {  	v24 =	vmul.f32 v29, v24;
	v25 =	vmul.f32 v29, v25;
	v28 =	vadd.f32 v34, v28;
	v33 =	vld [tilespmem:s8+$0x4F0]  }
0x152: {  	v29 =	vld [tilespmem:s20+$0x530];
	v30 =	vadd.f32 v36, v30;
	v13 =	vmul.f32 v13, v4;
	v22 =	vmul.f32 v22, v5  }
0x153: {  	v24 =	vmul.f32 v24, v6;
	v25 =	vmul.f32 v25, v7;
	v34 =	vld [tilespmem:s8+$0x500];
	v14 =	vadd.f32 v14, v32  }
0x154: {  	v32 =	vld [tilespmem:s8+$0x510];
	v13 =	vadd.f32 v13, v8;
	v22 =	vadd.f32 v22, v9  }
0x155: {  	s20 =	sshll.u32 s21, $0x8;
	v24 =	vadd.f32 v24, v10;
	v25 =	vadd.f32 v25, v11;
	v35 =	vld [tilespmem:s8+$0x520]  }
0x156: {  	v12 =	vadd.f32 v15, v12;
	s20 =	sshra.s32 s20, $0x2;
	v15 =	vadd.f32 v33, v27;
	v27 =	vld [tilespmem:s8+$0x530];
	[tilespmem:s17+$0xFFFFFF80] =	vst v13  }
0x157: {  	v13 =	vadd.f32 v23, v19;
	v19 =	vadd.f32 v31, v26;
	v23 =	vld [tilespmem:s20+$0x13000];
	[tilespmem:s17+$0xFFFFFF90] =	vst v22  }
0x158: {  	v20 =	vadd.f32 v29, v20;
	v22 =	vadd.f32 v34, v28;
	v26 =	vld [tilespmem:s20+$0x13010];
	[tilespmem:s17+$0xFFFFFFA0] =	vst v24  }
0x159: {  	v12 =	vmul.f32 $2.000000030e-01, v12;
	v13 =	vmul.f32 $2.000000030e-01, v13;
	v24 =	vadd.f32 v32, v30;
	v28 =	vld [tilespmem:s20+$0x13020];
	[tilespmem:s17+$0xFFFFFFB0] =	vst v25  }
0x15a: {  	v25 =	vmul.f32 $2.000000030e-01, v19;
	v20 =	vmul.f32 $2.000000030e-01, v20;
	v14 =	vadd.f32 v35, v14;
	v29 =	vld [tilespmem:s20+$0x13030]  }
0x15b: {  	v22 =	vmul.f32 $2.000000030e-01, v22;
	v24 =	vmul.f32 $2.000000030e-01, v24;
	v15 =	vadd.f32 v27, v15  }
0x15c: {  	v19 =	vadd.f32 v12, v17;
	v18 =	vadd.f32 v13, v18;
	v12 =	vmul.f32 $2.000000030e-01, v14  }
0x15d: {  	v17 =	vadd.f32 v25, v16;
	v16 =	vadd.f32 v20, v21;
	v20 =	vmul.f32 $2.000000030e-01, v15  }
0x15e: {  	v15 =	vadd.f32 v22, v23;
	v14 =	vadd.f32 v24, v26  }
0x15f: {  	s8 =	sadd.s32 $0xFFFFFFCE, s18;
	v13 =	vadd.f32 v12, v28;
	v12 =	vadd.f32 v20, v29  }
0x160: {  	p2 =	slt.u32 s18, $0x32;
	s20 =	smin.u32 s18, s8;
	s8 =	simm.s32 $0x1;
	v21 =	vmul.f32 v19, v19;
	v22 =	vmul.f32 v18, v18;
	v20 =	vadd.f32 v18, v19  }
0x161: {  	s8 =	simm.s32 @!p2 $0xFFFFFFCF;
	v23 =	vadd.f32 v16, v17;
	v24 =	vmul.f32 v17, v17;
	v25 =	vmul.f32 v16, v16  }
0x162: {  	s21 =	smul.u32 $0x500, s20;
	s22 =	sadd.s32 s8, s18;
	v26 =	vadd.f32 v14, v15;
	v27 =	vmul.f32 v15, v15;
	v28 =	vmul.f32 v14, v14  }
0x163: {  	s8 =	smul.u32 $0x500, s22;
	v30 =	vmul.f32 v13, v13;
	v29 =	vadd.f32 v12, v13;
	v31 =	vmul.f32 v12, v12  }
0x164: {  	s11 =	simm.s32 $0x4280;
	p2 =	sgt.u32 s18, $0x31;
	v21 =	vadd.f32 v22, v21;
	v24 =	vadd.f32 v25, v24  }
0x165: {  	s11 =	simm.s32 @!p2 $0x400;
	s21 =	sshra.s32 s21, $0x2;
	s8 =	sshra.s32 s8, $0x2;
	v25 =	vadd.f32 v28, v27;
	v27 =	vadd.f32 v31, v30  }
0x166: {  	s21 =	sadd.s32 s21, s11;
	s8 =	sadd.s32 s8, s11;
	v20 =	vadd.f32 v23, v20;
	v26 =	vadd.f32 v29, v26  }
0x167: {  	v21 =	vadd.f32 v24, v21;
	v27 =	vadd.f32 v27, v25;
	v22 =	vld [tilespmem:s8+$0x100]  }
0x168: {  	v28 =	vperm.xlane v20, v0;
	v29 =	vperm.xlane v26, v0;
	v23 =	vld [tilespmem:s8+$0x110]  }
0x169: {  	v30 =	vperm.xlane v21, v0;
	v31 =	vperm.xlane v27, v0;
	v24 =	vld [tilespmem:s8+$0xC0]  }
.Ltmp0:
0x16a: {  	v34 =	vadd.f32 v20, v28;
	v35 =	vadd.f32 v26, v29;
	v25 =	vld [tilespmem:s8+$0xD0];
	(pc) =	sbr.rel @p1 .LBB2_3-.Ltmp0, $4  }
0x16b: {  	v28 =	vadd.f32 v30, v21;
	v29 =	vadd.f32 v31, v27;
	v20 =	vld [tilespmem:s8+$0x80]  }
0x16c: {  	v30 =	vperm.xlane v34, v1;
	v31 =	vperm.xlane v35, v1;
	v21 =	vld [tilespmem:s8+$0x90]  }
0x16d: {  	v32 =	vperm.xlane v28, v1;
	v33 =	vperm.xlane v29, v1;
	v26 =	vld [tilespmem:s8+$0x0]  }
0x16e: {  	s18 =	sadd.s32 $0x4, s18;
	v30 =	vadd.f32 v34, v30;
	v31 =	vadd.f32 v35, v31;
	v27 =	vld [tilespmem:s8+$0x40]  }
0x16f: {  	v34 =	vld [tilespmem:s8+$0x10]  }
0x170: {  	v35 =	vld [tilespmem:s8+$0x50]  }
0x171: {  	v36 =	vld [tilespmem:s8+$0x20]  }
0x172: {  	v37 =	vld [tilespmem:s8+$0x60]  }
0x173: {  	v38 =	vld [tilespmem:s8+$0x30]  }
0x174: {  	v39 =	vld [tilespmem:s8+$0x70]  }
0x175: {  	v40 =	vld [tilespmem:s8+$0xA0]  }
0x176: {  	v41 =	vld [tilespmem:s8+$0xB0]  }
0x177: {  	v42 =	vld [tilespmem:s8+$0xE0]  }
0x178: {  	v43 =	vld [tilespmem:s8+$0xF0]  }
0x179: {  	v44 =	vld [tilespmem:s8+$0x120]  }
0x17a: {  	s11 =	sshll.u32 s22, $0x8;
	v45 =	vld [tilespmem:s8+$0x130]  }
0x17b: {  	v28 =	vadd.f32 v32, v28;
	v32 =	vld [tilespmem:s21+$0x90];
	s11 =	sshra.s32 s11, $0x2;
	v46 =	vperm.xlane v30, v2  }
0x17c: {  	v47 =	vperm.xlane v31, v2;
	v48 =	vld [tilespmem:s11+$0x13000]  }
0x17d: {  	v29 =	vadd.f32 v33, v29;
	v61 =	vld [tilespmem:s11+$0x13010];
	v50 =	vperm.xlane v28, v2;
	v30 =	vadd.f32 v30, v46  }
0x17e: {  	v62 =	vld [tilespmem:s11+$0x13020];
	v31 =	vadd.f32 v31, v47;
	v26 =	vadd.f32 v27, v26  }
0x17f: {  	v63 =	vld [tilespmem:s11+$0x13030];
	v28 =	vadd.f32 v50, v28;
	v27 =	vadd.f32 v35, v34  }
0x180: {  	v46 =	vadd.f32 v37, v36;
	v47 =	vadd.f32 v39, v38;
	v37 =	vld [tilespmem:s21+$0x0];
	v52 =	vperm.xlane v30, v3  }
0x181: {  	v35 =	vld [tilespmem:s21+$0x20];
	v53 =	vperm.xlane v31, v3;
	v20 =	vadd.f32 v20, v26;
	v21 =	vadd.f32 v21, v27  }
0x182: {  	v39 =	vld [tilespmem:s21+$0x60];
	v54 =	vperm.xlane v28, v3;
	v27 =	vadd.f32 v40, v46;
	v49 =	vadd.f32 v41, v47  }
0x183: {  	v36 =	vld [tilespmem:s21+$0x10];
	v30 =	vadd.f32 v30, v52;
	v31 =	vadd.f32 v31, v53  }
0x184: {  	v26 =	vld [tilespmem:s21+$0x40];
	v20 =	vadd.f32 v24, v20;
	v28 =	vadd.f32 v54, v28  }
0x185: {  	v24 =	vld [tilespmem:s21+$0x50];
	v21 =	vadd.f32 v25, v21;
	v25 =	vadd.f32 v42, v27  }
0x186: {  	v41 =	vld [tilespmem:s21+$0x80];
	v27 =	vadd.f32 v43, v49;
	v20 =	vadd.f32 v22, v20  }
0x187: {  	v38 =	vld [tilespmem:s21+$0x70];
	v22 =	vperm.xlane v29, v2;
	v35 =	vadd.f32 v39, v35;
	v21 =	vadd.f32 v23, v21  }
0x188: {  	v46 =	vld [tilespmem:s21+$0xC0];
	v23 =	vadd.f32 v44, v25;
	v25 =	vadd.f32 v45, v27  }
0x189: {  	v27 =	vld [tilespmem:s21+$0x30];
	v26 =	vadd.f32 v26, v37;
	v20 =	vmul.f32 $2.000000030e-01, v20;
	v29 =	vadd.f32 v22, v29  }
0x18a: {  	v50 =	vld [tilespmem:s21+$0xF0];
	v21 =	vmul.f32 $2.000000030e-01, v21;
	v51 =	vmul.f32 $2.000000030e-01, v23;
	v24 =	vadd.f32 v24, v36  }
0x18b: {  	v40 =	vld [tilespmem:s21+$0xB0];
	v25 =	vmul.f32 $2.000000030e-01, v25;
	v26 =	vadd.f32 v41, v26;
	v23 =	vadd.f32 v20, v48  }
0x18c: {  	v54 =	vld [tilespmem:s21+$0x110];
	v22 =	vadd.f32 v21, v61;
	v21 =	vadd.f32 v51, v62  }
0x18d: {  	v20 =	vadd.f32 v25, v63;
	v25 =	vld [tilespmem:s21+$0xA0];
	v24 =	vadd.f32 v32, v24  }
0x18e: {  	v61 =	vld [tilespmem:s21+$0xD0];
	v26 =	vadd.f32 v46, v26;
	v57 =	vmul.f32 v23, v23;
	v27 =	vadd.f32 v38, v27  }
0x18f: {  	v51 =	vld [tilespmem:s21+$0x100];
	v55 =	vadd.f32 v22, v23;
	v56 =	vadd.f32 v20, v21;
	v58 =	vmul.f32 v22, v22  }
0x190: {  	v63 =	vld [tilespmem:s21+$0xE0];
	v59 =	vmul.f32 v21, v21;
	v60 =	vmul.f32 v20, v20;
	v27 =	vadd.f32 v40, v27  }
0x191: {  	s11 =	sshll.u32 s20, $0x8;
	v30 =	vmul.f32 $1.562500000e-02, v30;
	v62 =	vadd.f32 v56, v55;
	v49 =	vadd.f32 v58, v57;
	v55 =	vld [tilespmem:s21+$0x120]  }
0x192: {  	s8 =	sshra.s32 s11, $0x2;
	v31 =	vmul.f32 $1.562500000e-02, v31;
	v43 =	vadd.f32 v60, v59;
	v56 =	vld [tilespmem:s21+$0x130];
	v25 =	vadd.f32 v25, v35  }
0x193: {  	v57 =	vld [tilespmem:s8+$0x13000];
	v58 =	vperm.xlane v29, v3;
	v24 =	vadd.f32 v61, v24;
	v27 =	vadd.f32 v50, v27  }
0x194: {  	v26 =	vadd.f32 v51, v26;
	v52 =	vadd.f32 v43, v49;
	v53 =	vperm.xlane v62, v0  }
0x195: {  	v28 =	vmul.f32 $1.562500000e-02, v28;
	v59 =	vld [tilespmem:s8+$0x13010];
	v29 =	vadd.f32 v58, v29;
	v25 =	vadd.f32 v63, v25  }
0x196: {  	v60 =	vld [tilespmem:s8+$0x13020];
	v24 =	vadd.f32 v54, v24;
	v26 =	vmul.f32 $2.000000030e-01, v26;
	v33 =	vadd.f32 v62, v53  }
0x197: {  	v61 =	vperm.xlane v52, v0;
	v62 =	vld [tilespmem:s8+$0x13030];
	v29 =	vmul.f32 $1.562500000e-02, v29;
	v25 =	vadd.f32 v55, v25  }
0x198: {  	v27 =	vadd.f32 v56, v27;
	v24 =	vmul.f32 $2.000000030e-01, v24;
	v26 =	vadd.f32 v26, v57  }
0x199: {  	v63 =	vperm.xlane v33, v1;
	v43 =	vadd.f32 v61, v52;
	v25 =	vmul.f32 $2.000000030e-01, v25  }
0x19a: {  	v55 =	vmul.f32 v31, v31;
	v27 =	vmul.f32 $2.000000030e-01, v27;
	v24 =	vadd.f32 v24, v59  }
0x19b: {  	v33 =	vadd.f32 v33, v63;
	v37 =	vperm.xlane v43, v1;
	v25 =	vadd.f32 v25, v60  }
0x19c: {  	v45 =	vmul.f32 v26, v26;
	v27 =	vadd.f32 v27, v62;
	v35 =	vadd.f32 v24, v26  }
0x19d: {  	v47 =	vmul.f32 v24, v24;
	v44 =	vperm.xlane v33, v2;
	v32 =	vadd.f32 v37, v43  }
0x19e: {  	v46 =	vadd.f32 v27, v25;
	v48 =	vmul.f32 v25, v25;
	v49 =	vmul.f32 v27, v27  }
0x19f: {  	v36 =	vadd.f32 v47, v45;
	v33 =	vadd.f32 v33, v44;
	v50 =	vperm.xlane v32, v2  }
0x1a0: {  	v52 =	vmul.f32 v30, v30;
	v35 =	vadd.f32 v46, v35;
	v51 =	vadd.f32 v49, v48  }
0x1a1: {  	v29 =	vsub.f32 v29, v55;
	v53 =	vperm.xlane v33, v3;
	v32 =	vadd.f32 v50, v32  }
0x1a2: {  	v28 =	vsub.f32 v28, v52;
	v54 =	vperm.xlane v35, v0;
	v36 =	vadd.f32 v51, v36  }
0x1a3: {  	v29 =	vadd.f32 $9.999999740e-06, v29;
	v33 =	vadd.f32 v33, v53;
	v56 =	vperm.xlane v32, v3  }
0x1a4: {  	v28 =	vadd.f32 $9.999999740e-06, v28;
	v34 =	vadd.f32 v35, v54;
	v57 =	vperm.xlane v36, v0  }
0x1a5: {  	v62 =	vshrl.u32 v29, $0x1;
	v33 =	vmul.f32 $1.562500000e-02, v33;
	v32 =	vadd.f32 v56, v32  }
0x1a6: {  	v29 =	vmul.f32 $5.000000000e-01, v29;
	v58 =	vperm.xlane v34, v1;
	v35 =	vadd.f32 v57, v36  }
0x1a7: {  	v19 =	vsub.f32 v19, v30;
	v32 =	vmul.f32 $1.562500000e-02, v32;
	v59 =	vmul.f32 v33, v33  }
0x1a8: {  	v60 =	vshrl.u32 v28, $0x1;
	v34 =	vadd.f32 v34, v58;
	v61 =	vperm.xlane v35, v1  }
0x1a9: {  	v28 =	vmul.f32 $5.000000000e-01, v28;
	v39 =	vsub.s32 $0x5F3759DF, v62;
	v32 =	vsub.f32 v32, v59  }
0x1aa: {  	v63 =	vsub.s32 $0x5F3759DF, v60;
	v43 =	vperm.xlane v34, v2;
	v35 =	vadd.f32 v61, v35  }
0x1ab: {  	v46 =	vmul.f32 v39, v29;
	v44 =	vmul.f32 v63, v28;
	v32 =	vadd.f32 $9.999999740e-06, v32  }
0x1ac: {  	v18 =	vsub.f32 v18, v30;
	v34 =	vadd.f32 v34, v43;
	v45 =	vperm.xlane v35, v2  }
0x1ad: {  	v49 =	vmul.f32 v39, v46;
	v37 =	vmul.f32 v63, v44;
	v47 =	vshrl.u32 v32, $0x1  }
0x1ae: {  	v32 =	vmul.f32 $5.000000000e-01, v32;
	v48 =	vperm.xlane v34, v3;
	v35 =	vadd.f32 v45, v35  }
0x1af: {  	v38 =	vsub.f32 $1.500000000e+00, v49;
	v37 =	vsub.f32 $1.500000000e+00, v37;
	v50 =	vsub.s32 $0x5F3759DF, v47  }
0x1b0: {  	v41 =	vmul.f32 v50, v32;
	v34 =	vadd.f32 v34, v48;
	v51 =	vperm.xlane v35, v3  }
0x1b1: {  	v17 =	vsub.f32 v17, v30;
	v38 =	vmul.f32 v39, v38;
	v36 =	vmul.f32 v63, v37  }
0x1b2: {  	v52 =	vmul.f32 v50, v41;
	v34 =	vmul.f32 $1.562500000e-02, v34;
	v35 =	vadd.f32 v51, v35  }
0x1b3: {  	v16 =	vsub.f32 v16, v30;
	v29 =	vmul.f32 v38, v29;
	v28 =	vmul.f32 v36, v28  }
0x1b4: {  	v37 =	vsub.f32 $1.500000000e+00, v52;
	v53 =	vmul.f32 v34, v34;
	v35 =	vmul.f32 $1.562500000e-02, v35  }
0x1b5: {  	v15 =	vsub.f32 v15, v31;
	v29 =	vmul.f32 v29, v38;
	v28 =	vmul.f32 v28, v36  }
0x1b6: {  	v14 =	vsub.f32 v14, v31;
	v37 =	vmul.f32 v50, v37;
	v35 =	vsub.f32 v35, v53  }
0x1b7: {  	v29 =	vsub.f32 $1.500000000e+00, v29;
	v28 =	vsub.f32 $1.500000000e+00, v28  }
0x1b8: {  	v13 =	vsub.f32 v13, v31;
	v32 =	vmul.f32 v37, v32;
	v35 =	vadd.f32 $9.999999740e-06, v35  }
0x1b9: {  	v12 =	vsub.f32 v12, v31;
	v29 =	vmul.f32 v29, v38;
	v28 =	vmul.f32 v28, v36  }
0x1ba: {  	v30 =	vmul.f32 v32, v37;
	v54 =	vshrl.u32 v35, $0x1;
	v35 =	vmul.f32 $5.000000000e-01, v35  }
0x1bb: {  	v15 =	vmul.f32 v29, v15;
	v14 =	vmul.f32 v29, v14;
	v32 =	vsub.s32 $0x5F3759DF, v54  }
0x1bc: {  	v13 =	vmul.f32 v29, v13;
	v30 =	vsub.f32 $1.500000000e+00, v30;
	v55 =	vmul.f32 v32, v35  }
0x1bd: {  	v12 =	vmul.f32 v29, v12;
	v19 =	vmul.f32 v28, v19  }
0x1be: {  	v20 =	vsub.f32 v20, v33;
	v30 =	vmul.f32 v30, v37;
	v56 =	vmul.f32 v32, v55  }
0x1bf: {  	v23 =	vsub.f32 v23, v33;
	v18 =	vmul.f32 v28, v18;
	v17 =	vmul.f32 v28, v17  }
0x1c0: {  	v16 =	vmul.f32 v28, v16;
	v20 =	vmul.f32 v30, v20;
	v28 =	vsub.f32 $1.500000000e+00, v56  }
0x1c1: {  	v22 =	vsub.f32 v22, v33;
	v15 =	vmul.f32 v15, v4;
	v14 =	vmul.f32 v14, v5  }
0x1c2: {  	v21 =	vsub.f32 v21, v33;
	v20 =	vmul.f32 v20, v7;
	v28 =	vmul.f32 v32, v28  }
0x1c3: {  	v23 =	vmul.f32 v30, v23;
	v22 =	vmul.f32 v30, v22  }
0x1c4: {  	v21 =	vmul.f32 v30, v21;
	v20 =	vadd.f32 v20, v11;
	v30 =	vmul.f32 v28, v35  }
0x1c5: {  	s17 =	sadd.s32 $0x100, s17;
	v13 =	vmul.f32 v13, v6;
	v12 =	vmul.f32 v12, v7;
	v15 =	vadd.f32 v15, v8  }
0x1c6: {  	v19 =	vmul.f32 v19, v4;
	v14 =	vadd.f32 v14, v9;
	[tilespmem:s17+$0xFFFFFFF0] =	vst v20;
	v20 =	vmul.f32 v30, v28  }
0x1c7: {  	v18 =	vmul.f32 v18, v5;
	v26 =	vsub.f32 v26, v34;
	v13 =	vadd.f32 v13, v10;
	[tilespmem:s17+$0x40] =	vst v15  }
0x1c8: {  	v17 =	vmul.f32 v17, v6;
	v19 =	vadd.f32 v19, v8;
	[tilespmem:s17+$0x50] =	vst v14;
	v20 =	vsub.f32 $1.500000000e+00, v20  }
0x1c9: {  	v16 =	vmul.f32 v16, v7;
	v24 =	vsub.f32 v24, v34;
	v12 =	vadd.f32 v12, v11;
	[tilespmem:s17+$0x60] =	vst v13  }
0x1ca: {  	v25 =	vsub.f32 v25, v34;
	v17 =	vadd.f32 v17, v10;
	[tilespmem:s17+$0x0] =	vst v19;
	v19 =	vmul.f32 v20, v28  }
0x1cb: {  	v27 =	vsub.f32 v27, v34;
	v16 =	vadd.f32 v16, v11;
	[tilespmem:s17+$0x70] =	vst v12;
	v23 =	vmul.f32 v23, v4  }
0x1cc: {  	v18 =	vadd.f32 v18, v9;
	[tilespmem:s17+$0x20] =	vst v17;
	v22 =	vmul.f32 v22, v5;
	v17 =	vmul.f32 v19, v26  }
0x1cd: {  	[tilespmem:s17+$0x30] =	vst v16;
	v21 =	vmul.f32 v21, v6;
	v23 =	vadd.f32 v23, v8;
	v16 =	vmul.f32 v19, v24  }
0x1ce: {  	[tilespmem:s17+$0x10] =	vst v18;
	v22 =	vadd.f32 v22, v9;
	v15 =	vmul.f32 v19, v25;
	v17 =	vmul.f32 v17, v4  }
0x1cf: {  	v21 =	vadd.f32 v21, v10;
	[tilespmem:s17+$0xFFFFFFC0] =	vst v23;
	v14 =	vmul.f32 v19, v27;
	v16 =	vmul.f32 v16, v5  }
0x1d0: {  	[tilespmem:s17+$0xFFFFFFD0] =	vst v22;
	v13 =	vmul.f32 v15, v6;
	v15 =	vadd.f32 v17, v8  }
0x1d1: {  	[tilespmem:s17+$0xFFFFFFE0] =	vst v21;
	v12 =	vmul.f32 v14, v7;
	v14 =	vadd.f32 v16, v9  }
0x1d2: {  	v13 =	vadd.f32 v13, v10;
	[tilespmem:s17+$0xFFFFFF80] =	vst v15  }
0x1d3: {  	v12 =	vadd.f32 v12, v11;
	[tilespmem:s17+$0xFFFFFF90] =	vst v14  }
0x1d4: {  	p1 =	seq.s32 s1, $0x0;
	[tilespmem:s17+$0xFFFFFFA0] =	vst v13  }
0x1d5: {  	s18 =	sadd.s32 s10, s15;
	s8 =	simm.s32 @!p1 $0x5;
	[tilespmem:s17+$0xFFFFFFB0] =	vst v12  }
0x1d6: {  	s11 =	smul.u32 $0x320, s18;
	_ =	swait.ge @!p1 [sflag:s8], $0x1900  }
0x1d7: {  	[sflag:s8] =	ssyncset.done @!p1 $0x0  }
0x1d8: {  	s20 =	sadd.s32 s4, s11;
	[sflag:s8] =	ssyncadd.s32 @!p1 $0xFFFFE700;
	s8 =	simm.s32 @p0 $0x2  }
0x1d9: {  	[hbm4b:s20+s5] =	stream.linear.scatter [tilespmem:s30], [sflag:$0x5], $0x1900, $0x38;
	[tilespmem:$0x14980] =	vst v63  }
0x1da: {  	_ =	swait.ge @p0 [sflag:s8], $0x3E80  }
0x1db: {  	[sflag:s8] =	ssyncset.done @p0 $0x0  }
0x1dc: {  	[sflag:s8] =	ssyncadd.s32 @p0 $0xFFFFC180  }
0x1dd: {  	_ =	swait.ge @p0 [sflag:s8], $0x3E80  }
0x1de: {  	[sflag:s8] =	ssyncset.done @p0 $0x0  }
0x1df: {  	[sflag:s8] =	ssyncadd.s32 @p0 $0xFFFFC180;
	s8 =	simm.s32 @!p0 $0x3  }
0x1e0: {  	_ =	swait.ge @!p0 [sflag:s8], $0x200  }
0x1e1: {  	s11 =	simm.s32 @!p0 $0x0;
	[sflag:s8] =	ssyncset.done @!p0 $0x0  }
0x1e2: {  	s17 =	simm.s32 @!p0 $0x400;
	[sflag:s8] =	ssyncadd.s32 @!p0 $0xFFFFFE00;
	s8 =	simm.s32 @!p0 $0xFA  }
0x1e3: {  	[tilespmem:s17], [sflag:$0x1] =	stream.indirect.gather @!p0 [hbm4b:s7+s8], $0x40, s11, s8, $0xb8;
	[tilespmem:$0x14980] =	vst v63  }
0x1e4: {  	s18 =	simm.s32 @!p0 $0x4280;
	s17 =	simm.s32 @!p0 $0x100  }
0x1e5: {  	[tilespmem:s18], [sflag:$0x1] =	stream.indirect.gather @!p0 [hbm4b:s7+s8], $0x40, s17, s8, $0xb8;
	[tilespmem:$0x14980] =	vst v63  }
0x1e6: {  	s8 =	simm.s32 @!p0 $0x2  }
0x1e7: {  	_ =	swait.ge @!p0 [sflag:s8], $0x3E80  }
0x1e8: {  	[sflag:s8] =	ssyncset.done @!p0 $0x0  }
0x1e9: {  	s15 =	sadd.s32 @!p0 s15, s13;
	[sflag:s8] =	ssyncadd.s32 @!p0 $0xFFFFC180  }
0x1ea: {  	s22 =	simm.s32 $0xFFFFFFD0;
	s15 =	sshll.u32 @!p0 s15, $0x6;
	_ =	swait.ge @!p0 [sflag:s8], $0x3E80  }
0x1eb: {  	s15 =	sand.u32 @!p0 $0x1FFFFFC0, s15;
	s21 =	simm.s32 $0x2;
	[sflag:s8] =	ssyncset.done @!p0 $0x0  }
0x1ec: {  	[sflag:s8] =	ssyncadd.s32 @!p0 $0xFFFFC180;
	s8 =	sadd.s32 @!p0 s6, s15;
	s15 =	simm.s32 @!p0 $0x200  }
0x1ed: {  	[tilespmem:s15], [sflag:$0x4] =	stream.linear.gather @!p0 [hbm4b:s8+s11], $0x200, $0x38;
	[tilespmem:$0x14980] =	vst v63  }
0x1ee: {  	s11 =	smin.u32 s21, s22  }
0x1ef: {  	s8 =	smul.u32 $0x500, s11;
	s11 =	sshll.u32 s11, $0x8  }
0x1f0: {  	s11 =	sshra.s32 s11, $0x2  }
0x1f1: {  	v14 =	vld [tilespmem:s11+$0x13000]  }
0x1f2: {  	p0 =	por $0x0, $0x0;
	s15 =	simm.s32 $0xBB80;
	v15 =	vld [tilespmem:s11+$0x13010]  }
0x1f3: {  	s15 =	simm.s32 @!p0 $0x7D00;
	s8 =	sshra.s32 s8, $0x2;
	v16 =	vld [tilespmem:s11+$0x13020]  }
0x1f4: {  	v20 =	vld [tilespmem:s11+$0x13030];
	s8 =	sadd.s32 s8, s15  }
0x1f5: {  	v12 =	vld [tilespmem:s8+$0x400]  }
0x1f6: {  	v13 =	vld [tilespmem:s8+$0x440]  }
0x1f7: {  	v17 =	vld [tilespmem:s8+$0x500]  }
0x1f8: {  	v18 =	vld [tilespmem:s8+$0x4C0]  }
0x1f9: {  	v19 =	vld [tilespmem:s8+$0x4D0]  }
0x1fa: {  	v21 =	vld [tilespmem:s8+$0x480]  }
0x1fb: {  	v22 =	vld [tilespmem:s8+$0x490]  }
0x1fc: {  	v23 =	vld [tilespmem:s8+$0x4A0]  }
0x1fd: {  	v24 =	vld [tilespmem:s8+$0x410]  }
0x1fe: {  	v25 =	vld [tilespmem:s8+$0x450]  }
0x1ff: {  	s17 =	simm.s32 $0xFFFFFFD1;
	s15 =	simm.s32 $0x3;
	v26 =	vld [tilespmem:s8+$0x420]  }
0x200: {  	s11 =	smin.u32 s15, s17;
	v27 =	vld [tilespmem:s8+$0x460]  }
0x201: {  	v28 =	vld [tilespmem:s8+$0x430];
	s15 =	smul.u32 $0x500, s11  }
0x202: {  	p0 =	por $0x0, $0x0;
	s17 =	simm.s32 $0xBB80;
	v29 =	vld [tilespmem:s8+$0x470]  }
0x203: {  	v63 =	vld [tilespmem:s8+$0x4B0];
	s17 =	simm.s32 @!p0 $0x7D00;
	s15 =	sshra.s32 s15, $0x2  }
0x204: {  	v52 =	vld [tilespmem:s8+$0x530];
	s15 =	sadd.s32 s15, s17  }
0x205: {  	v30 =	vld [tilespmem:s15+$0x400]  }
0x206: {  	v31 =	vld [tilespmem:s15+$0x440]  }
0x207: {  	v57 =	vld [tilespmem:s15+$0x410]  }
0x208: {  	v58 =	vld [tilespmem:s15+$0x450]  }
0x209: {  	v59 =	vld [tilespmem:s15+$0x420]  }
0x20a: {  	v60 =	vld [tilespmem:s15+$0x460]  }
0x20b: {  	v61 =	vld [tilespmem:s15+$0x430]  }
0x20c: {  	v62 =	vld [tilespmem:s15+$0x470]  }
0x20d: {  	v45 =	vld [tilespmem:s15+$0x480]  }
0x20e: {  	v46 =	vld [tilespmem:s15+$0x490]  }
0x20f: {  	v47 =	vld [tilespmem:s15+$0x4A0]  }
0x210: {  	v48 =	vld [tilespmem:s15+$0x4B0]  }
0x211: {  	v12 =	vadd.f32 v13, v12;
	v13 =	vld [tilespmem:s8+$0x4E0];
	v24 =	vadd.f32 v25, v24  }
0x212: {  	v25 =	vadd.f32 v27, v26;
	v26 =	vld [tilespmem:s8+$0x4F0];
	v27 =	vadd.f32 v29, v28  }
0x213: {  	v29 =	vld [tilespmem:s15+$0x4C0];
	v12 =	vadd.f32 v21, v12;
	v22 =	vadd.f32 v22, v24  }
0x214: {  	v49 =	vld [tilespmem:s15+$0x4D0];
	v23 =	vadd.f32 v23, v25;
	v25 =	vadd.f32 v63, v27  }
0x215: {  	v51 =	vld [tilespmem:s15+$0x4F0];
	v12 =	vadd.f32 v18, v12;
	v19 =	vadd.f32 v19, v22  }
0x216: {  	v21 =	vld [tilespmem:s15+$0x4E0];
	v28 =	vadd.f32 v31, v30;
	v30 =	vadd.f32 v58, v57  }
0x217: {  	v24 =	vld [tilespmem:s8+$0x510];
	v31 =	vadd.f32 v60, v59;
	v50 =	vadd.f32 v62, v61  }
0x218: {  	v22 =	vld [tilespmem:s15+$0x500];
	v13 =	vadd.f32 v13, v23;
	v23 =	vadd.f32 v26, v25  }
0x219: {  	v26 =	vld [tilespmem:s15+$0x510];
	v12 =	vadd.f32 v17, v12;
	v27 =	vadd.f32 v45, v28  }
0x21a: {  	v28 =	vld [tilespmem:s8+$0x520];
	v30 =	vadd.f32 v46, v30;
	v18 =	vadd.f32 v48, v50  }
0x21b: {  	s18 =	sshll.u32 s11, $0x8;
	v31 =	vadd.f32 v47, v31;
	v25 =	vadd.f32 v29, v27;
	v29 =	vld [tilespmem:s15+$0x520]  }
0x21c: {  	s8 =	sshra.s32 s18, $0x2;
	v19 =	vadd.f32 v24, v19;
	v17 =	vadd.f32 v51, v18;
	v18 =	vld [tilespmem:s15+$0x530]  }
0x21d: {  	v23 =	vadd.f32 v52, v23;
	v24 =	vld [tilespmem:s8+$0x13000];
	v27 =	vadd.f32 v49, v30  }
0x21e: {  	v12 =	vmul.f32 $2.000000030e-01, v12;
	v21 =	vadd.f32 v21, v31;
	v22 =	vadd.f32 v22, v25;
	v25 =	vld [tilespmem:s8+$0x13010]  }
0x21f: {  	v13 =	vadd.f32 v28, v13;
	v28 =	vmul.f32 $2.000000030e-01, v19;
	v19 =	vadd.f32 v26, v27;
	v26 =	vld [tilespmem:s8+$0x13020]  }
0x220: {  	p0 =	por $0x1, $0x1;
	v23 =	vmul.f32 $2.000000030e-01, v23;
	v27 =	vld [tilespmem:s8+$0x13030];
	s8 =	simm.s32 $0x1;
	v22 =	vmul.f32 $2.000000030e-01, v22;
	v21 =	vadd.f32 v29, v21  }
0x221: {  	s8 =	simm.s32 @!p0 $0xFFFFFFCF;
	v13 =	vmul.f32 $2.000000030e-01, v13;
	v29 =	vmul.f32 $2.000000030e-01, v19;
	v30 =	vadd.f32 v18, v17  }
0x222: {  	v19 =	vadd.f32 v12, v14;
	v18 =	vadd.f32 v28, v15;
	s8 =	sadd.s32 $0x0, s8;
	v12 =	vmul.f32 $2.000000030e-01, v21  }
0x223: {  	s20 =	smul.u32 $0x500, s8;
	v17 =	vadd.f32 v13, v16;
	v16 =	vadd.f32 v23, v20;
	v20 =	vmul.f32 $2.000000030e-01, v30  }
0x224: {  	s15 =	simm.s32 $0xBF80;
	p0 =	por $0x0, $0x0;
	v15 =	vadd.f32 v22, v24;
	v14 =	vadd.f32 v29, v25  }
0x225: {  	s15 =	simm.s32 @!p0 $0x8100;
	v21 =	vmul.f32 v19, v19;
	s11 =	sshra.s32 s20, $0x2;
	v13 =	vadd.f32 v12, v26;
	v12 =	vadd.f32 v20, v27  }
0x226: {  	v22 =	vmul.f32 v18, v18;
	v20 =	vadd.f32 v18, v19;
	v23 =	vadd.f32 v16, v17;
	s17 =	sadd.s32 s11, s15  }
0x227: {  	v24 =	vmul.f32 v17, v17;
	v25 =	vmul.f32 v16, v16;
	v26 =	vadd.f32 v14, v15;
	v53 =	vld [tilespmem:s17+$0x0]  }
0x228: {  	v27 =	vmul.f32 v15, v15;
	v28 =	vmul.f32 v14, v14;
	v21 =	vadd.f32 v22, v21;
	v56 =	vld [tilespmem:s17+$0x40]  }
0x229: {  	v59 =	vld [tilespmem:s17+$0x20];
	v29 =	vadd.f32 v12, v13;
	v30 =	vmul.f32 v13, v13;
	v31 =	vmul.f32 v12, v12  }
0x22a: {  	v62 =	vld [tilespmem:s17+$0x60];
	v22 =	vadd.f32 v25, v24;
	v24 =	vadd.f32 v28, v27  }
0x22b: {  	v63 =	vld [tilespmem:s17+$0x30];
	v20 =	vadd.f32 v23, v20;
	v25 =	vadd.f32 v31, v30  }
0x22c: {  	v45 =	vld [tilespmem:s17+$0x70];
	v23 =	vadd.f32 v29, v26  }
0x22d: {  	v48 =	vld [tilespmem:s17+$0xA0];
	v21 =	vadd.f32 v22, v21;
	v22 =	vadd.f32 v25, v24;
	v24 =	vperm.xlane v20, v0  }
0x22e: {  	v51 =	vld [tilespmem:s17+$0xB0];
	v27 =	vperm.xlane v23, v0  }
0x22f: {  	v52 =	vld [tilespmem:s17+$0xE0];
	v29 =	vperm.xlane v21, v0;
	v20 =	vadd.f32 v20, v24  }
0x230: {  	v28 =	vld [tilespmem:s17+$0xC0];
	v30 =	vperm.xlane v22, v0;
	v23 =	vadd.f32 v23, v27  }
0x231: {  	v26 =	vld [tilespmem:s17+$0x100];
	v21 =	vadd.f32 v29, v21;
	v29 =	vperm.xlane v20, v1  }
0x232: {  	v31 =	vld [tilespmem:s17+$0xD0];
	v22 =	vadd.f32 v30, v22;
	v30 =	vperm.xlane v23, v1  }
0x233: {  	v20 =	vadd.f32 v20, v29;
	v29 =	vld [tilespmem:s17+$0x10]  }
0x234: {  	v54 =	vperm.xlane v21, v1;
	v55 =	vperm.xlane v22, v1;
	v23 =	vadd.f32 v23, v30;
	v30 =	vld [tilespmem:s17+$0x50]  }
0x235: {  	v25 =	vld [tilespmem:s17+$0x110];
	v32 =	vadd.f32 v56, v53;
	v53 =	vadd.f32 v62, v59  }
0x236: {  	s21 =	simm.s32 $0x0;
	s22 =	simm.s32 $0xFFFFFFCE;
	s8 =	sshll.u32 s8, $0x8;
	v27 =	vld [tilespmem:s17+$0x90];
	v21 =	vadd.f32 v54, v21;
	v22 =	vadd.f32 v55, v22;
	v57 =	vperm.xlane v20, v2  }
0x237: {  	s18 =	smin.u32 s21, s22;
	s21 =	sshra.s32 s8, $0x2;
	v33 =	vadd.f32 v45, v63;
	v24 =	vld [tilespmem:s17+$0x80];
	v35 =	vadd.f32 v48, v53;
	v58 =	vperm.xlane v23, v2  }
0x238: {  	v56 =	vld [tilespmem:s21+$0x13020];
	v60 =	vperm.xlane v21, v2;
	v61 =	vperm.xlane v22, v2;
	v20 =	vadd.f32 v20, v57  }
0x239: {  	s22 =	smul.u32 $0x500, s18;
	v54 =	vld [tilespmem:s17+$0x120];
	v23 =	vadd.f32 v23, v58;
	v29 =	vadd.f32 v30, v29  }
0x23a: {  	v21 =	vadd.f32 v60, v21;
	v30 =	vld [tilespmem:s17+$0xF0];
	v22 =	vadd.f32 v61, v22  }
0x23b: {  	v46 =	vperm.xlane v20, v3;
	v47 =	vperm.xlane v23, v3;
	v27 =	vadd.f32 v27, v29;
	v29 =	vld [tilespmem:s17+$0x130];
	s17 =	sshra.s32 s22, $0x2  }
0x23c: {  	v33 =	vadd.f32 v51, v33;
	v32 =	vadd.f32 v24, v32;
	v55 =	vld [tilespmem:s21+$0x13000];
	v49 =	vperm.xlane v21, v3;
	s15 =	sadd.s32 s17, s15  }
0x23d: {  	v50 =	vperm.xlane v22, v3;
	v20 =	vadd.f32 v20, v46;
	v23 =	vadd.f32 v23, v47;
	v58 =	vld [tilespmem:s15+$0x40]  }
0x23e: {  	v21 =	vadd.f32 v49, v21;
	v27 =	vadd.f32 v31, v27;
	v59 =	vld [tilespmem:s15+$0x10]  }
0x23f: {  	v31 =	vadd.f32 v52, v35;
	v60 =	vld [tilespmem:s15+$0x50];
	v22 =	vadd.f32 v50, v22;
	v24 =	vmul.f32 $1.562500000e-02, v20  }
0x240: {  	v61 =	vld [tilespmem:s15+$0x30];
	v20 =	vmul.f32 $1.562500000e-02, v23;
	v23 =	vadd.f32 v28, v32;
	v30 =	vadd.f32 v30, v33  }
0x241: {  	v45 =	vld [tilespmem:s15+$0x70];
	v21 =	vmul.f32 $1.562500000e-02, v21;
	v25 =	vadd.f32 v25, v27;
	v31 =	vadd.f32 v54, v31  }
0x242: {  	v28 =	vld [tilespmem:s21+$0x13010];
	v57 =	vmul.f32 v24, v24;
	v23 =	vadd.f32 v26, v23;
	v29 =	vadd.f32 v29, v30  }
0x243: {  	v49 =	vld [tilespmem:s15+$0x90];
	v22 =	vmul.f32 $1.562500000e-02, v22;
	v19 =	vsub.f32 v19, v24;
	v17 =	vsub.f32 v17, v24  }
0x244: {  	v27 =	vld [tilespmem:s15+$0x0];
	v30 =	vmul.f32 v20, v20;
	v15 =	vsub.f32 v15, v20;
	v14 =	vsub.f32 v14, v20  }
0x245: {  	v52 =	vld [tilespmem:s15+$0xB0];
	v25 =	vmul.f32 $2.000000030e-01, v25;
	v31 =	vmul.f32 $2.000000030e-01, v31;
	v21 =	vsub.f32 v21, v57  }
0x246: {  	v26 =	vld [tilespmem:s21+$0x13030];
	v23 =	vmul.f32 $2.000000030e-01, v23;
	v30 =	vsub.f32 v22, v30;
	v33 =	vadd.f32 v60, v59  }
0x247: {  	v32 =	vadd.f32 v45, v61;
	v25 =	vadd.f32 v25, v28  }
0x248: {  	v31 =	vadd.f32 v31, v56;
	v23 =	vadd.f32 v23, v55  }
0x249: {  	v48 =	vld [tilespmem:s15+$0x80];
	v29 =	vmul.f32 $2.000000030e-01, v29;
	v21 =	vadd.f32 $9.999999740e-06, v21;
	v27 =	vadd.f32 v58, v27  }
0x24a: {  	v30 =	vadd.f32 $9.999999740e-06, v30;
	v33 =	vadd.f32 v49, v33  }
0x24b: {  	v28 =	vld [tilespmem:s15+$0x20];
	v32 =	vadd.f32 v52, v32;
	v22 =	vadd.f32 v29, v26;
	v44 =	vmul.f32 v25, v25  }
0x24c: {  	v26 =	vld [tilespmem:s15+$0x60];
	v46 =	vmul.f32 v31, v31;
	v29 =	vadd.f32 v25, v23;
	v63 =	vmul.f32 v23, v23  }
0x24d: {  	v55 =	vld [tilespmem:s15+$0xC0];
	v54 =	vshrl.u32 v21, $0x1;
	v35 =	vmul.f32 $5.000000000e-01, v21;
	v21 =	vshrl.u32 v30, $0x1  }
0x24e: {  	v56 =	vld [tilespmem:s15+$0xD0];
	v27 =	vadd.f32 v48, v27;
	v62 =	vadd.f32 v22, v31;
	v47 =	vmul.f32 v22, v22  }
0x24f: {  	v60 =	vld [tilespmem:s15+$0x100];
	v30 =	vmul.f32 $5.000000000e-01, v30;
	v39 =	vsub.s32 $0x5F3759DF, v54;
	v50 =	vadd.f32 v44, v63  }
0x250: {  	v21 =	vsub.s32 $0x5F3759DF, v21;
	v29 =	vadd.f32 v62, v29;
	v51 =	vadd.f32 v47, v46  }
0x251: {  	s8 =	sshll.u32 s18, $0x8;
	v61 =	vmul.f32 v39, v35;
	v49 =	vmul.f32 v21, v30;
	v26 =	vadd.f32 v26, v28;
	v28 =	vld [tilespmem:s15+$0xA0]  }
0x252: {  	s8 =	sshra.s32 s8, $0x2;
	v27 =	vadd.f32 v55, v27;
	v62 =	vld [tilespmem:s15+$0x110];
	v36 =	vadd.f32 v51, v50;
	v53 =	vperm.xlane v29, v0  }
0x253: {  	v52 =	vld [tilespmem:s8+$0x13000];
	v33 =	vadd.f32 v56, v33;
	v38 =	vmul.f32 v39, v61;
	v54 =	vmul.f32 v21, v49  }
0x254: {  	v58 =	vld [tilespmem:s15+$0xE0];
	v27 =	vadd.f32 v60, v27;
	v29 =	vadd.f32 v29, v53;
	v57 =	vperm.xlane v36, v0  }
0x255: {  	v55 =	vld [tilespmem:s8+$0x13010];
	v53 =	vsub.f32 $1.500000000e+00, v38;
	v38 =	vsub.f32 $1.500000000e+00, v54  }
0x256: {  	v27 =	vmul.f32 $2.000000030e-01, v27;
	v26 =	vadd.f32 v28, v26;
	v28 =	vld [tilespmem:s15+$0xF0];
	v36 =	vadd.f32 v57, v36  }
0x257: {  	v13 =	vsub.f32 v13, v20;
	v48 =	vld [tilespmem:s15+$0x120];
	v33 =	vadd.f32 v62, v33;
	v59 =	vperm.xlane v29, v1  }
0x258: {  	v50 =	vld [tilespmem:s15+$0x130];
	v27 =	vadd.f32 v27, v52;
	v38 =	vmul.f32 v21, v38;
	v63 =	vperm.xlane v36, v1  }
0x259: {  	v33 =	vmul.f32 $2.000000030e-01, v33;
	v29 =	vadd.f32 v29, v59;
	v26 =	vadd.f32 v58, v26  }
0x25a: {  	v62 =	vmul.f32 v27, v27;
	v30 =	vmul.f32 v38, v30;
	v36 =	vadd.f32 v63, v36  }
0x25b: {  	s11 =	simm.s32 $0x6;
	v57 =	vld [tilespmem:s8+$0x13020];
	s15 =	simm.s32 $0xFFFFFFD4;
	v33 =	vadd.f32 v33, v55;
	v51 =	vperm.xlane v29, v2;
	v28 =	vadd.f32 v28, v32  }
0x25c: {  	v58 =	vld [tilespmem:s8+$0x13030];
	s8 =	smin.u32 s11, s15;
	v26 =	vadd.f32 v48, v26;
	v30 =	vmul.f32 v30, v38;
	v56 =	vperm.xlane v36, v2  }
0x25d: {  	s11 =	smul.u32 $0x500, s8;
	v48 =	vmul.f32 v33, v33;
	v29 =	vadd.f32 v29, v51;
	v28 =	vadd.f32 v50, v28  }
0x25e: {  	p0 =	por $0x0, $0x0;
	s15 =	simm.s32 $0xBB80;
	v32 =	vmul.f32 v39, v53;
	v26 =	vmul.f32 $2.000000030e-01, v26;
	v36 =	vadd.f32 v56, v36  }
0x25f: {  	v12 =	vsub.f32 v12, v20;
	s15 =	simm.s32 @!p0 $0x7D00;
	s11 =	sshra.s32 s11, $0x2;
	v59 =	vperm.xlane v29, v3;
	v28 =	vmul.f32 $2.000000030e-01, v28  }
0x260: {  	s15 =	sadd.s32 s11, s15;
	v30 =	vsub.f32 $1.500000000e+00, v30;
	v51 =	vadd.f32 v48, v62;
	v60 =	vperm.xlane v36, v3  }
0x261: {  	v39 =	vld [tilespmem:s15+$0x400];
	v29 =	vadd.f32 v29, v59;
	v28 =	vadd.f32 v28, v58  }
0x262: {  	s8 =	sshll.u32 s8, $0x8;
	v54 =	vld [tilespmem:s15+$0x440];
	v35 =	vmul.f32 v32, v35;
	v34 =	vadd.f32 v60, v36;
	v36 =	vadd.f32 v26, v57  }
0x263: {  	s8 =	sshra.s32 s8, $0x2;
	v30 =	vmul.f32 v30, v38;
	v29 =	vmul.f32 $1.562500000e-02, v29;
	v26 =	vadd.f32 v33, v27  }
0x264: {  	v21 =	vld [tilespmem:s8+$0x13000];
	v50 =	vmul.f32 v28, v28;
	v63 =	vadd.f32 v28, v36;
	v49 =	vmul.f32 v36, v36  }
0x265: {  	v62 =	vld [tilespmem:s15+$0x410];
	v59 =	vsub.f32 v18, v24;
	v34 =	vmul.f32 $1.562500000e-02, v34;
	v61 =	vmul.f32 v29, v29  }
0x266: {  	v56 =	vld [tilespmem:s15+$0x420];
	v35 =	vmul.f32 v35, v32;
	v26 =	vadd.f32 v63, v26;
	v52 =	vadd.f32 v50, v49  }
0x267: {  	v18 =	vld [tilespmem:s15+$0x500];
	v15 =	vmul.f32 v30, v15;
	v39 =	vadd.f32 v54, v39;
	v34 =	vsub.f32 v34, v61  }
0x268: {  	v54 =	vld [tilespmem:s15+$0x470];
	v41 =	vsub.f32 v23, v29;
	v23 =	vperm.xlane v26, v0;
	v37 =	vadd.f32 v52, v51  }
0x269: {  	v14 =	vmul.f32 v30, v14;
	v13 =	vmul.f32 v30, v13;
	v49 =	vld [tilespmem:s15+$0x4C0];
	v34 =	vadd.f32 $9.999999740e-06, v34  }
0x26a: {  	v43 =	vsub.f32 v25, v29;
	v50 =	vld [tilespmem:s15+$0x450];
	v26 =	vadd.f32 v26, v23;
	v25 =	vperm.xlane v37, v0  }
0x26b: {  	v35 =	vsub.f32 $1.500000000e+00, v35;
	v63 =	vld [tilespmem:s15+$0x460];
	v53 =	vshrl.u32 v34, $0x1;
	v34 =	vmul.f32 $5.000000000e-01, v34  }
0x26c: {  	v23 =	vld [tilespmem:s8+$0x13010];
	v40 =	vsub.s32 $0x5F3759DF, v53;
	v58 =	vperm.xlane v26, v1;
	v37 =	vadd.f32 v25, v37  }
0x26d: {  	s18 =	simm.s32 $0xFFFFFFD5;
	s17 =	simm.s32 $0x7;
	v16 =	vsub.f32 v16, v24;
	v32 =	vmul.f32 v35, v32;
	v57 =	vmul.f32 v40, v34;
	v25 =	vld [tilespmem:s8+$0x13020]  }
0x26e: {  	v12 =	vmul.f32 v30, v12;
	v45 =	vadd.f32 v26, v58;
	v26 =	vld [tilespmem:s8+$0x13030];
	v60 =	vperm.xlane v37, v1;
	s8 =	smin.u32 s17, s18  }
0x26f: {  	v31 =	vsub.f32 v31, v29;
	v19 =	vmul.f32 v32, v19;
	v51 =	vld [tilespmem:s15+$0x430];
	v44 =	vmul.f32 v40, v57;
	s11 =	smul.u32 $0x500, s8  }
0x270: {  	p0 =	por $0x0, $0x0;
	v48 =	vadd.f32 v50, v62;
	v62 =	vld [tilespmem:s15+$0x490];
	s17 =	simm.s32 $0xBB80;
	v61 =	vperm.xlane v45, v2;
	v37 =	vadd.f32 v60, v37  }
0x271: {  	v35 =	vmul.f32 v32, v59;
	v38 =	vadd.f32 v63, v56;
	v63 =	vld [tilespmem:s15+$0x4A0];
	s17 =	simm.s32 @!p0 $0x7D00;
	v44 =	vsub.f32 $1.500000000e+00, v44;
	s11 =	sshra.s32 s11, $0x2  }
0x272: {  	v17 =	vmul.f32 v32, v17;
	v24 =	vadd.f32 v45, v61;
	v45 =	vld [tilespmem:s15+$0x480];
	v47 =	vperm.xlane v37, v2;
	s17 =	sadd.s32 s11, s17  }
0x273: {  	v22 =	vsub.f32 v22, v29;
	v19 =	vmul.f32 v19, v4;
	v40 =	vmul.f32 v40, v44;
	v60 =	vld [tilespmem:s17+$0x420]  }
0x274: {  	v35 =	vmul.f32 v35, v5;
	v20 =	vld [tilespmem:s17+$0x460];
	v55 =	vperm.xlane v24, v3;
	v37 =	vadd.f32 v47, v37  }
0x275: {  	v16 =	vmul.f32 v32, v16;
	v52 =	vadd.f32 v19, v8;
	v61 =	vld [tilespmem:s17+$0x430];
	v34 =	vmul.f32 v40, v34  }
0x276: {  	v35 =	vadd.f32 v35, v9;
	v30 =	vld [tilespmem:s17+$0x470];
	v24 =	vadd.f32 v24, v55;
	v47 =	vperm.xlane v37, v3  }
0x277: {  	v53 =	vld [tilespmem:s15+$0x4F0];
	v32 =	vadd.f32 v54, v51;
	v48 =	vadd.f32 v62, v48;
	v34 =	vmul.f32 v34, v40  }
0x278: {  	v19 =	vadd.f32 v63, v38;
	v57 =	vld [tilespmem:s17+$0x440];
	v24 =	vmul.f32 $1.562500000e-02, v24;
	v37 =	vadd.f32 v47, v37  }
0x279: {  	v17 =	vmul.f32 v17, v6;
	v58 =	vld [tilespmem:s17+$0x410];
	v39 =	vadd.f32 v45, v39;
	v34 =	vsub.f32 $1.500000000e+00, v34  }
0x27a: {  	v55 =	vld [tilespmem:s17+$0x400];
	v20 =	vadd.f32 v20, v60;
	v29 =	vmul.f32 v24, v24;
	v37 =	vmul.f32 $1.562500000e-02, v37  }
0x27b: {  	v15 =	vmul.f32 v15, v4;
	v59 =	vld [tilespmem:s17+$0x450];
	v30 =	vadd.f32 v30, v61;
	v47 =	vadd.f32 v17, v10  }
0x27c: {  	v13 =	vmul.f32 v13, v6;
	v63 =	vld [tilespmem:s15+$0x4E0];
	v39 =	vadd.f32 v49, v39;
	v29 =	vsub.f32 v37, v29  }
0x27d: {  	v60 =	vld [tilespmem:s17+$0x490];
	v34 =	vmul.f32 v34, v40;
	v27 =	vsub.f32 v27, v24;
	v33 =	vsub.f32 v33, v24  }
0x27e: {  	v16 =	vmul.f32 v16, v7;
	v61 =	vld [tilespmem:s17+$0x4A0];
	v36 =	vsub.f32 v36, v24;
	v29 =	vadd.f32 $9.999999740e-06, v29  }
0x27f: {  	v62 =	vld [tilespmem:s17+$0x4B0];
	v24 =	vsub.f32 v28, v24;
	v40 =	vadd.f32 v57, v55;
	v28 =	vmul.f32 v34, v41  }
0x280: {  	v54 =	vld [tilespmem:s17+$0x4C0];
	v41 =	vadd.f32 v59, v58;
	v56 =	vshrl.u32 v29, $0x1;
	v29 =	vmul.f32 $5.000000000e-01, v29  }
0x281: {  	v57 =	vld [tilespmem:s15+$0x4B0];
	v22 =	vmul.f32 v34, v22;
	v43 =	vmul.f32 v34, v43;
	v51 =	vsub.s32 $0x5F3759DF, v56  }
0x282: {  	v31 =	vmul.f32 v34, v31;
	v58 =	vld [tilespmem:s17+$0x480];
	v17 =	vadd.f32 v60, v41;
	v59 =	vmul.f32 v51, v29  }
0x283: {  	v22 =	vmul.f32 v22, v7;
	v41 =	vadd.f32 v16, v11;
	v16 =	vadd.f32 v61, v20;
	v20 =	vld [tilespmem:s17+$0x4E0]  }
0x284: {  	v60 =	vadd.f32 v13, v10;
	v13 =	vadd.f32 v63, v19;
	v19 =	vld [tilespmem:s15+$0x530];
	v34 =	vmul.f32 v51, v59  }
0x285: {  	v14 =	vmul.f32 v14, v5;
	v18 =	vadd.f32 v18, v39;
	v61 =	vld [tilespmem:s17+$0x500];
	v22 =	vadd.f32 v22, v11  }
0x286: {  	v28 =	vmul.f32 v28, v4;
	v32 =	vadd.f32 v57, v32;
	v59 =	vld [tilespmem:s17+$0x4F0];
	v34 =	vsub.f32 $1.500000000e+00, v34  }
0x287: {  	v12 =	vmul.f32 v12, v7;
	v57 =	vadd.f32 v15, v8;
	v15 =	vadd.f32 v62, v30;
	v30 =	vld [tilespmem:s15+$0x520]  }
0x288: {  	v28 =	vadd.f32 v28, v8;
	v16 =	vadd.f32 v20, v16;
	v20 =	vld [tilespmem:s17+$0x530];
	v34 =	vmul.f32 v51, v34  }
0x289: {  	v44 =	vld [tilespmem:s15+$0x4D0];
	v62 =	vadd.f32 v12, v11;
	v40 =	vadd.f32 v58, v40  }
0x28a: {  	s8 =	sshll.u32 s8, $0x8;
	v55 =	vld [tilespmem:s17+$0x4D0];
	v58 =	vadd.f32 v14, v9;
	v32 =	vadd.f32 v53, v32;
	v29 =	vmul.f32 v34, v29  }
0x28b: {  	s8 =	sshra.s32 s8, $0x2;
	v18 =	vmul.f32 $2.000000030e-01, v18;
	v56 =	vld [tilespmem:s15+$0x510];
	v12 =	vadd.f32 v54, v40;
	v15 =	vadd.f32 v59, v15  }
0x28c: {  	v19 =	vadd.f32 v19, v32;
	v13 =	vadd.f32 v30, v13;
	v30 =	vld [tilespmem:s8+$0x13000];
	v14 =	vmul.f32 v29, v34  }
0x28d: {  	v43 =	vmul.f32 v43, v5;
	v12 =	vadd.f32 v61, v12;
	v51 =	vld [tilespmem:s8+$0x13030];
	v15 =	vadd.f32 v20, v15  }
0x28e: {  	v63 =	vld [tilespmem:s17+$0x510];
	v46 =	vmul.f32 $2.000000030e-01, v19;
	v29 =	vadd.f32 v44, v48;
	v14 =	vsub.f32 $1.500000000e+00, v14  }
0x28f: {  	v19 =	vadd.f32 v18, v21;
	v12 =	vmul.f32 $2.000000030e-01, v12;
	v21 =	vmul.f32 $2.000000030e-01, v15  }
0x290: {  	v29 =	vadd.f32 v56, v29;
	v34 =	vmul.f32 v14, v34;
	v14 =	vadd.f32 v55, v17;
	v17 =	vld [tilespmem:s17+$0x520]  }
0x291: {  	v31 =	vmul.f32 v31, v6;
	v43 =	vadd.f32 v43, v9;
	v15 =	vadd.f32 v12, v30  }
0x292: {  	v13 =	vmul.f32 $2.000000030e-01, v13;
	v44 =	vld [tilespmem:s8+$0x13010];
	v12 =	vadd.f32 v21, v51;
	v29 =	vmul.f32 $2.000000030e-01, v29  }
0x293: {  	v21 =	vmul.f32 v19, v19;
	v30 =	vmul.f32 v15, v15;
	v14 =	vadd.f32 v63, v14  }
0x294: {  	v45 =	vld [tilespmem:s8+$0x13020];
	s15 =	simm.s32 $0x117F0;
	v55 =	vmul.f32 v12, v12;
	v27 =	vmul.f32 v34, v27;
	v18 =	vadd.f32 v29, v23  }
0x295: {  	[tilespmem:s15+$0xFFFFFF80] =	vst v22;
	v22 =	vmul.f32 v34, v24;
	v14 =	vmul.f32 $2.000000030e-01, v14;
	v16 =	vadd.f32 v17, v16  }
0x296: {  	v31 =	vadd.f32 v31, v10;
	v24 =	vmul.f32 v18, v18;
	v27 =	vmul.f32 v27, v4  }
0x297: {  	v17 =	vadd.f32 v13, v25;
	v14 =	vadd.f32 v14, v44;
	v20 =	vmul.f32 $2.000000030e-01, v16  }
0x298: {  	p0 =	por $0x1, $0x1;
	[tilespmem:s15+$0xFFFFFF50] =	vst v28;
	s8 =	simm.s32 $0x1;
	v33 =	vmul.f32 v34, v33;
	v21 =	vadd.f32 v24, v21;
	v16 =	vadd.f32 v46, v26  }
0x299: {  	[tilespmem:s15+$0xFFFFFF60] =	vst v43;
	s8 =	simm.s32 @!p0 $0xFFFFFFCF;
	v27 =	vadd.f32 v27, v8;
	v26 =	vmul.f32 v17, v17;
	v13 =	vadd.f32 v20, v45  }
0x29a: {  	[tilespmem:s15+$0xFFFFFF70] =	vst v31;
	s21 =	sadd.s32 $0x4, s8;
	v29 =	vadd.f32 v14, v15;
	v31 =	vmul.f32 v14, v14;
	v28 =	vmul.f32 v16, v16  }
0x29b: {  	[tilespmem:s15+$0xFFFFFF90] =	vst v52;
	s8 =	smul.u32 $0x500, s21;
	v20 =	vadd.f32 v18, v19;
	v25 =	vadd.f32 v16, v17;
	v54 =	vmul.f32 v13, v13  }
0x29c: {  	s11 =	simm.s32 $0xBF80;
	[tilespmem:s15+$0xFFFFFFA0] =	vst v35;
	p0 =	por $0x0, $0x0;
	v23 =	vmul.f32 v34, v36;
	v53 =	vadd.f32 v12, v13;
	v24 =	vadd.f32 v28, v26  }
0x29d: {  	[tilespmem:s15+$0xFFFFFFB0] =	vst v47;
	s11 =	simm.s32 @!p0 $0x8100;
	s8 =	sshra.s32 s8, $0x2;
	v56 =	vmul.f32 v22, v7;
	v28 =	vadd.f32 v31, v30;
	v30 =	vadd.f32 v55, v54  }
0x29e: {  	[tilespmem:s15+$0xFFFFFFD0] =	vst v57;
	s8 =	sadd.s32 s8, s11;
	v26 =	vmul.f32 v33, v5;
	v20 =	vadd.f32 v25, v20;
	v29 =	vadd.f32 v53, v29  }
0x29f: {  	[tilespmem:s15+$0x0] =	vst v62;
	v22 =	vld [tilespmem:s8+$0x100];
	v31 =	vmul.f32 v23, v6;
	v21 =	vadd.f32 v24, v21;
	v30 =	vadd.f32 v30, v28  }
0x2a0: {  	v62 =	vadd.f32 v56, v11;
	[tilespmem:s15+$0xFFFFFF10] =	vst v27;
	v27 =	vld [tilespmem:s8+$0x40];
	v28 =	vperm.xlane v20, v0;
	v57 =	vperm.xlane v29, v0  }
0x2a1: {  	s20 =	simm.s32 $0x4;
	s22 =	simm.s32 $0xFFFFFFD2;
	[tilespmem:s15+$0xFFFFFFE0] =	vst v58;
	v23 =	vld [tilespmem:s8+$0x110];
	v26 =	vadd.f32 v26, v9;
	v58 =	vperm.xlane v21, v0;
	v59 =	vperm.xlane v30, v0  }
0x2a2: {  	s18 =	smin.u32 s20, s22;
	[tilespmem:s15+$0xFFFFFFF0] =	vst v60;
	v25 =	vld [tilespmem:s8+$0xD0];
	v60 =	vadd.f32 v20, v28;
	v61 =	vadd.f32 v29, v57  }
0x2a3: {  	[tilespmem:s15+$0xFFFFFFC0] =	vst v41;
	s17 =	smul.u32 $0x500, s18;
	v24 =	vld [tilespmem:s8+$0xC0];
	v28 =	vadd.f32 v58, v21;
	v29 =	vadd.f32 v59, v30  }
0x2a4: {  	v31 =	vadd.f32 v31, v10;
	[tilespmem:s15+$0xFFFFFF20] =	vst v26;
	v26 =	vld [tilespmem:s8+$0x0];
	v30 =	vperm.xlane v60, v1;
	v63 =	vperm.xlane v61, v1  }
0x2a5: {  	s17 =	sshra.s32 s17, $0x2;
	[tilespmem:s15+$0xFFFFFF40] =	vst v62;
	v20 =	vld [tilespmem:s8+$0x80];
	v32 =	vperm.xlane v28, v1;
	v33 =	vperm.xlane v29, v1  }
0x2a6: {  	s20 =	sadd.s32 s17, s11;
	s17 =	simm.s32 $0x8;
	[tilespmem:s15+$0xFFFFFF30] =	vst v31;
	v21 =	vld [tilespmem:s8+$0x90];
	v30 =	vadd.f32 v60, v30;
	v31 =	vadd.f32 v61, v63  }
.LBB2_5:
0x2a7: {  	p0 =	slt.u32 s17, $0x60;
	v34 =	vld [tilespmem:s8+$0x10];
	v28 =	vadd.f32 v32, v28;
	v29 =	vadd.f32 v33, v29  }
0x2a8: {  	v32 =	vld [tilespmem:s8+$0x50];
	v33 =	vperm.xlane v30, v2;
	v35 =	vperm.xlane v31, v2  }
0x2a9: {  	v36 =	vld [tilespmem:s8+$0x20];
	v37 =	vperm.xlane v28, v2;
	v38 =	vperm.xlane v29, v2  }
0x2aa: {  	v39 =	vld [tilespmem:s8+$0x60];
	v30 =	vadd.f32 v30, v33;
	v31 =	vadd.f32 v31, v35  }
0x2ab: {  	v33 =	vld [tilespmem:s8+$0x30];
	v28 =	vadd.f32 v37, v28;
	v29 =	vadd.f32 v38, v29  }
0x2ac: {  	v35 =	vld [tilespmem:s8+$0x70];
	v37 =	vperm.xlane v30, v3;
	v38 =	vperm.xlane v31, v3  }
0x2ad: {  	v40 =	vld [tilespmem:s8+$0xA0];
	v41 =	vperm.xlane v28, v3;
	v42 =	vperm.xlane v29, v3  }
0x2ae: {  	v43 =	vld [tilespmem:s8+$0xB0];
	v30 =	vadd.f32 v30, v37;
	v31 =	vadd.f32 v31, v38  }
0x2af: {  	v37 =	vld [tilespmem:s8+$0xE0];
	v28 =	vadd.f32 v41, v28;
	v29 =	vadd.f32 v42, v29  }
0x2b0: {  	v26 =	vadd.f32 v27, v26;
	v27 =	vadd.f32 v32, v34;
	v32 =	vld [tilespmem:s8+$0xF0]  }
0x2b1: {  	s11 =	sshll.u32 s21, $0x8;
	v34 =	vadd.f32 v39, v36;
	v36 =	vld [tilespmem:s8+$0x120];
	v33 =	vadd.f32 v35, v33  }
0x2b2: {  	s11 =	sshra.s32 s11, $0x2;
	v26 =	vadd.f32 v20, v26;
	v27 =	vadd.f32 v21, v27;
	v21 =	vmul.f32 $1.562500000e-02, v30;
	v35 =	vld [tilespmem:s8+$0x130]  }
0x2b3: {  	v20 =	vmul.f32 $1.562500000e-02, v31;
	v34 =	vadd.f32 v40, v34;
	v30 =	vld [tilespmem:s11+$0x13000];
	v33 =	vadd.f32 v43, v33  }
0x2b4: {  	v24 =	vadd.f32 v24, v26;
	v25 =	vadd.f32 v25, v27;
	v27 =	vmul.f32 $1.562500000e-02, v28;
	v26 =	vld [tilespmem:s11+$0x13010]  }
0x2b5: {  	v28 =	vadd.f32 v37, v34;
	v31 =	vld [tilespmem:s11+$0x13020];
	v32 =	vadd.f32 v32, v33;
	v33 =	vmul.f32 v21, v21  }
0x2b6: {  	v22 =	vadd.f32 v22, v24;
	v24 =	vmul.f32 $1.562500000e-02, v29;
	v23 =	vadd.f32 v23, v25;
	v34 =	vld [tilespmem:s11+$0x13030]  }
0x2b7: {  	v25 =	vadd.f32 v36, v28;
	v29 =	vld [tilespmem:s20+$0x0];
	v28 =	vadd.f32 v35, v32;
	v32 =	vmul.f32 v20, v20  }
0x2b8: {  	v22 =	vmul.f32 $2.000000030e-01, v22;
	v23 =	vmul.f32 $2.000000030e-01, v23;
	v27 =	vsub.f32 v27, v33;
	v35 =	vld [tilespmem:s20+$0x40]  }
0x2b9: {  	v36 =	vmul.f32 $2.000000030e-01, v25;
	v33 =	vld [tilespmem:s20+$0x10];
	v28 =	vmul.f32 $2.000000030e-01, v28;
	v32 =	vsub.f32 v24, v32  }
0x2ba: {  	v25 =	vadd.f32 v22, v30;
	v24 =	vadd.f32 v23, v26;
	v37 =	vld [tilespmem:s20+$0x50]  }
0x2bb: {  	v23 =	vadd.f32 v36, v31;
	v26 =	vld [tilespmem:s20+$0x20];
	v22 =	vadd.f32 v28, v34  }
0x2bc: {  	v27 =	vadd.f32 $9.999999740e-06, v27;
	v30 =	vadd.f32 v24, v25;
	v28 =	vld [tilespmem:s20+$0x60]  }
0x2bd: {  	v36 =	vmul.f32 v25, v25;
	v38 =	vmul.f32 v24, v24;
	v31 =	vld [tilespmem:s20+$0x30];
	v34 =	vadd.f32 v22, v23  }
0x2be: {  	v39 =	vmul.f32 v23, v23;
	v29 =	vadd.f32 v35, v29;
	v40 =	vmul.f32 v22, v22;
	v35 =	vld [tilespmem:s20+$0x70]  }
0x2bf: {  	v41 =	vld [tilespmem:s20+$0x80];
	v33 =	vadd.f32 v37, v33;
	v30 =	vadd.f32 v34, v30  }
0x2c0: {  	v36 =	vadd.f32 v38, v36;
	v37 =	vadd.f32 v40, v39;
	v34 =	vld [tilespmem:s20+$0x90]  }
0x2c1: {  	v32 =	vadd.f32 $9.999999740e-06, v32;
	v26 =	vadd.f32 v28, v26;
	v28 =	vld [tilespmem:s20+$0xA0]  }
0x2c2: {  	v39 =	vshrl.u32 v27, $0x1;
	v36 =	vadd.f32 v37, v36;
	v37 =	vperm.xlane v30, v0;
	v38 =	vld [tilespmem:s20+$0xB0]  }
0x2c3: {  	v27 =	vmul.f32 $5.000000000e-01, v27;
	v40 =	vld [tilespmem:s20+$0xC0];
	v31 =	vadd.f32 v35, v31;
	v35 =	vshrl.u32 v32, $0x1  }
0x2c4: {  	v30 =	vadd.f32 v30, v37;
	v37 =	vperm.xlane v36, v0;
	v29 =	vadd.f32 v41, v29;
	v41 =	vld [tilespmem:s20+$0xD0]  }
0x2c5: {  	v39 =	vsub.s32 $0x5F3759DF, v39;
	v32 =	vmul.f32 $5.000000000e-01, v32;
	v33 =	vadd.f32 v34, v33;
	v34 =	vld [tilespmem:s20+$0xE0]  }
0x2c6: {  	v42 =	vperm.xlane v30, v1;
	v36 =	vadd.f32 v37, v36;
	v26 =	vadd.f32 v28, v26;
	v28 =	vld [tilespmem:s20+$0xF0]  }
0x2c7: {  	v35 =	vsub.s32 $0x5F3759DF, v35;
	v37 =	vld [tilespmem:s20+$0x100];
	v31 =	vadd.f32 v38, v31;
	v38 =	vmul.f32 v39, v27  }
0x2c8: {  	v30 =	vadd.f32 v30, v42;
	v42 =	vperm.xlane v36, v1;
	v29 =	vadd.f32 v40, v29;
	v40 =	vld [tilespmem:s20+$0x110]  }
0x2c9: {  	s8 =	sshll.u32 s18, $0x8;
	v43 =	vmul.f32 v35, v32;
	v33 =	vadd.f32 v41, v33;
	v41 =	vld [tilespmem:s20+$0x120];
	v38 =	vmul.f32 v39, v38  }
0x2ca: {  	s8 =	sshra.s32 s8, $0x2;
	v44 =	vperm.xlane v30, v2;
	v36 =	vadd.f32 v42, v36;
	v26 =	vadd.f32 v34, v26;
	v34 =	vld [tilespmem:s20+$0x130]  }
0x2cb: {  	v42 =	vld [tilespmem:s8+$0x13000];
	v28 =	vadd.f32 v28, v31;
	v31 =	vsub.f32 $1.500000000e+00, v38;
	v38 =	vmul.f32 v35, v43  }
0x2cc: {  	v30 =	vadd.f32 v30, v44;
	v43 =	vperm.xlane v36, v2;
	v29 =	vadd.f32 v37, v29;
	v37 =	vld [tilespmem:s8+$0x13010]  }
0x2cd: {  	v33 =	vadd.f32 v40, v33;
	v40 =	vld [tilespmem:s8+$0x13020];
	v38 =	vsub.f32 $1.500000000e+00, v38  }
0x2ce: {  	v44 =	vperm.xlane v30, v3;
	v36 =	vadd.f32 v43, v36;
	v26 =	vadd.f32 v41, v26;
	v41 =	vld [tilespmem:s8+$0x13030]  }
0x2cf: {  	v29 =	vmul.f32 $2.000000030e-01, v29;
	v33 =	vmul.f32 $2.000000030e-01, v33;
	v28 =	vadd.f32 v34, v28  }
0x2d0: {  	s11 =	sadd.s32 $0x2, s17;
	s8 =	sadd.s32 $0xFFFFFFD0, s17;
	v30 =	vadd.f32 v30, v44;
	v34 =	vperm.xlane v36, v3;
	v26 =	vmul.f32 $2.000000030e-01, v26  }
0x2d1: {  	s8 =	smin.u32 s11, s8;
	v29 =	vadd.f32 v29, v42;
	v33 =	vadd.f32 v33, v37;
	v28 =	vmul.f32 $2.000000030e-01, v28  }
0x2d2: {  	s18 =	smul.u32 $0x500, s8;
	v30 =	vmul.f32 $1.562500000e-02, v30;
	v37 =	vadd.f32 v26, v40;
	v26 =	vadd.f32 v34, v36  }
0x2d3: {  	p1 =	sgt.u32 s11, $0x31;
	s11 =	simm.s32 $0xBB80;
	v36 =	vmul.f32 v29, v29;
	v28 =	vadd.f32 v28, v41;
	v34 =	vadd.f32 v33, v29  }
0x2d4: {  	s11 =	simm.s32 @!p1 $0x7D00;
	s18 =	sshra.s32 s18, $0x2;
	v40 =	vmul.f32 v30, v30;
	v41 =	vsub.f32 v25, v30;
	v26 =	vmul.f32 $1.562500000e-02, v26  }
0x2d5: {  	s18 =	sadd.s32 s18, s11;
	v42 =	vmul.f32 v33, v33;
	v43 =	vmul.f32 v37, v37;
	v25 =	vadd.f32 v28, v37  }
0x2d6: {  	v45 =	vmul.f32 v28, v28;
	v44 =	vld [tilespmem:s18+$0x400];
	v26 =	vsub.f32 v26, v40;
	v40 =	vsub.f32 v24, v30  }
0x2d7: {  	v24 =	vld [tilespmem:s18+$0x440];
	v25 =	vadd.f32 v25, v34;
	v34 =	vadd.f32 v42, v36  }
0x2d8: {  	v36 =	vadd.f32 v45, v43;
	v26 =	vadd.f32 $9.999999740e-06, v26  }
0x2d9: {  	v31 =	vmul.f32 v39, v31;
	v43 =	vsub.f32 v23, v30;
	v42 =	vperm.xlane v25, v0  }
0x2da: {  	v34 =	vadd.f32 v36, v34;
	v23 =	vshrl.u32 v26, $0x1;
	v26 =	vmul.f32 $5.000000000e-01, v26  }
0x2db: {  	v35 =	vmul.f32 v35, v38;
	v25 =	vadd.f32 v25, v42;
	v36 =	vsub.s32 $0x5F3759DF, v23  }
0x2dc: {  	v23 =	vadd.f32 v24, v44;
	v24 =	vperm.xlane v34, v0;
	v38 =	vmul.f32 v36, v26  }
0x2dd: {  	v19 =	vsub.f32 v19, v21;
	v27 =	vmul.f32 v31, v27;
	v39 =	vperm.xlane v25, v1  }
0x2de: {  	v24 =	vadd.f32 v24, v34;
	v34 =	vmul.f32 v36, v38;
	v38 =	vsub.f32 v18, v21  }
0x2df: {  	s8 =	sshll.u32 s8, $0x8;
	v18 =	vmul.f32 v27, v31;
	v27 =	vmul.f32 v35, v32;
	v25 =	vadd.f32 v25, v39  }
0x2e0: {  	s8 =	sshra.s32 s8, $0x2;
	v39 =	vsub.f32 v17, v21;
	v32 =	vperm.xlane v24, v1;
	v34 =	vsub.f32 $1.500000000e+00, v34  }
0x2e1: {  	v44 =	vsub.f32 $1.500000000e+00, v18;
	v27 =	vmul.f32 v27, v35;
	v17 =	vld [tilespmem:s8+$0x13000];
	v42 =	vperm.xlane v25, v2  }
0x2e2: {  	v18 =	vld [tilespmem:s8+$0x13010];
	v24 =	vadd.f32 v32, v24;
	v32 =	vmul.f32 v36, v34;
	v34 =	vsub.f32 v16, v21  }
0x2e3: {  	v31 =	vmul.f32 v44, v31;
	v27 =	vsub.f32 $1.500000000e+00, v27;
	v16 =	vld [tilespmem:s8+$0x13020];
	v25 =	vadd.f32 v25, v42  }
0x2e4: {  	v42 =	vsub.f32 v15, v20;
	v21 =	vld [tilespmem:s8+$0x13030];
	v36 =	vperm.xlane v24, v2;
	v26 =	vmul.f32 v32, v26  }
0x2e5: {  	v27 =	vmul.f32 v27, v35;
	v35 =	vsub.f32 v14, v20;
	v15 =	vld [tilespmem:s18+$0x500];
	v44 =	vperm.xlane v25, v3  }
0x2e6: {  	v45 =	vmul.f32 v31, v19;
	v14 =	vld [tilespmem:s18+$0x4C0];
	v24 =	vadd.f32 v36, v24;
	v36 =	vmul.f32 v26, v32  }
0x2e7: {  	v38 =	vmul.f32 v31, v38;
	v39 =	vmul.f32 v31, v39;
	v19 =	vld [tilespmem:s18+$0x4D0];
	v25 =	vadd.f32 v25, v44  }
0x2e8: {  	v31 =	vmul.f32 v31, v34;
	v26 =	vld [tilespmem:s18+$0x480];
	v44 =	vperm.xlane v24, v3;
	v36 =	vsub.f32 $1.500000000e+00, v36  }
0x2e9: {  	v46 =	vsub.f32 v13, v20;
	v42 =	vmul.f32 v27, v42;
	v34 =	vld [tilespmem:s18+$0x490];
	v25 =	vmul.f32 $1.562500000e-02, v25  }
0x2ea: {  	v30 =	vsub.f32 v22, v30;
	v47 =	vld [tilespmem:s18+$0x4A0];
	v24 =	vadd.f32 v44, v24;
	v32 =	vmul.f32 v36, v32  }
0x2eb: {  	s11 =	sadd.s32 $0xFFFFFFD1, s17;
	s8 =	sadd.s32 $0x3, s17;
	v36 =	vld [tilespmem:s18+$0x410];
	v44 =	vmul.f32 v25, v25;
	v13 =	vsub.f32 v29, v25;
	v22 =	vsub.f32 v33, v25  }
0x2ec: {  	s20 =	smin.u32 s8, s11;
	v29 =	vld [tilespmem:s18+$0x450];
	v33 =	vmul.f32 $1.562500000e-02, v24;
	v24 =	vsub.f32 v37, v25;
	v30 =	vmul.f32 v32, v30  }
0x2ed: {  	s11 =	smul.u32 $0x500, s20;
	v25 =	vsub.f32 v28, v25;
	v28 =	vmul.f32 v32, v41;
	v40 =	vmul.f32 v32, v40;
	v37 =	vld [tilespmem:s18+$0x420]  }
0x2ee: {  	p1 =	sgt.u32 s8, $0x31;
	s8 =	simm.s32 $0xBB80;
	v32 =	vmul.f32 v32, v43;
	v41 =	vld [tilespmem:s18+$0x460];
	v33 =	vsub.f32 v33, v44;
	v30 =	vmul.f32 v30, v7  }
0x2ef: {  	v12 =	vsub.f32 v12, v20;
	s8 =	simm.s32 @!p1 $0x7D00;
	s11 =	sshra.s32 s11, $0x2;
	v28 =	vmul.f32 v28, v4;
	v40 =	vmul.f32 v40, v5;
	v43 =	vld [tilespmem:s18+$0x430]  }
0x2f0: {  	s8 =	sadd.s32 s11, s8;
	v32 =	vmul.f32 v32, v6;
	v20 =	vld [tilespmem:s18+$0x470];
	v33 =	vadd.f32 $9.999999740e-06, v33;
	v30 =	vadd.f32 v30, v11  }
0x2f1: {  	s15 =	sadd.s32 $0x100, s15;
	v45 =	vmul.f32 v45, v4;
	v28 =	vadd.f32 v28, v8;
	v40 =	vadd.f32 v40, v9;
	v44 =	vld [tilespmem:s8+$0x400]  }
0x2f2: {  	v32 =	vadd.f32 v32, v10;
	v48 =	vld [tilespmem:s8+$0x440];
	v49 =	vshrl.u32 v33, $0x1;
	v33 =	vmul.f32 $5.000000000e-01, v33;
	[tilespmem:s15+$0xFFFFFF80] =	vst v30  }
0x2f3: {  	v35 =	vmul.f32 v27, v35;
	v30 =	vld [tilespmem:s8+$0x410];
	v49 =	vsub.s32 $0x5F3759DF, v49;
	[tilespmem:s15+$0xFFFFFF50] =	vst v28;
	v28 =	vmul.f32 v38, v5  }
0x2f4: {  	v39 =	vmul.f32 v39, v6;
	v38 =	vld [tilespmem:s8+$0x450];
	v50 =	vmul.f32 v49, v33;
	[tilespmem:s15+$0xFFFFFF60] =	vst v40;
	v40 =	vadd.f32 v45, v8  }
0x2f5: {  	v31 =	vmul.f32 v31, v7;
	v45 =	vld [tilespmem:s8+$0x420];
	[tilespmem:s15+$0xFFFFFF70] =	vst v32;
	v28 =	vadd.f32 v28, v9;
	v32 =	vmul.f32 v27, v46  }
0x2f6: {  	v39 =	vadd.f32 v39, v10;
	v46 =	vld [tilespmem:s8+$0x460];
	v50 =	vmul.f32 v49, v50;
	[tilespmem:s15+$0xFFFFFF90] =	vst v40;
	v40 =	vmul.f32 v42, v4  }
0x2f7: {  	v12 =	vmul.f32 v27, v12;
	v42 =	vld [tilespmem:s8+$0x430];
	[tilespmem:s15+$0xFFFFFFA0] =	vst v28;
	v28 =	vadd.f32 v31, v11;
	v31 =	vmul.f32 v35, v5  }
0x2f8: {  	v32 =	vmul.f32 v32, v6;
	v27 =	vld [tilespmem:s8+$0x470];
	v35 =	vsub.f32 $1.500000000e+00, v50;
	[tilespmem:s15+$0xFFFFFFB0] =	vst v39;
	v39 =	vadd.f32 v40, v8  }
0x2f9: {  	v12 =	vmul.f32 v12, v7;
	v29 =	vadd.f32 v29, v36;
	v36 =	vld [tilespmem:s18+$0x4B0];
	[tilespmem:s15+$0xFFFFFFC0] =	vst v28;
	v28 =	vadd.f32 v31, v9  }
0x2fa: {  	v31 =	vadd.f32 v41, v37;
	v32 =	vadd.f32 v32, v10;
	v37 =	vld [tilespmem:s8+$0x480];
	v35 =	vmul.f32 v49, v35;
	[tilespmem:s15+$0xFFFFFFD0] =	vst v39  }
0x2fb: {  	v12 =	vadd.f32 v12, v11;
	v20 =	vadd.f32 v20, v43;
	v39 =	vld [tilespmem:s8+$0x490];
	[tilespmem:s15+$0xFFFFFFE0] =	vst v28  }
0x2fc: {  	v30 =	vadd.f32 v38, v30;
	v28 =	vadd.f32 v48, v44;
	v38 =	vld [tilespmem:s8+$0x4A0];
	v33 =	vmul.f32 v35, v33;
	[tilespmem:s15+$0xFFFFFFF0] =	vst v32  }
0x2fd: {  	v32 =	vadd.f32 v46, v45;
	v27 =	vadd.f32 v27, v42;
	v40 =	vld [tilespmem:s8+$0x4B0];
	[tilespmem:s15+$0x0] =	vst v12  }
0x2fe: {  	v12 =	vadd.f32 v26, v23;
	v23 =	vadd.f32 v34, v29;
	v26 =	vld [tilespmem:s18+$0x4E0];
	v29 =	vmul.f32 v33, v35  }
0x2ff: {  	v31 =	vadd.f32 v47, v31;
	v20 =	vadd.f32 v36, v20;
	v33 =	vld [tilespmem:s18+$0x4F0]  }
0x300: {  	v28 =	vadd.f32 v37, v28;
	v34 =	vld [tilespmem:s8+$0x4C0];
	v29 =	vsub.f32 $1.500000000e+00, v29  }
0x301: {  	v30 =	vadd.f32 v39, v30;
	v36 =	vld [tilespmem:s8+$0x4D0];
	v32 =	vadd.f32 v38, v32  }
0x302: {  	v12 =	vadd.f32 v14, v12;
	v14 =	vld [tilespmem:s8+$0x4E0];
	v27 =	vadd.f32 v40, v27;
	v29 =	vmul.f32 v29, v35  }
0x303: {  	v19 =	vadd.f32 v19, v23;
	v23 =	vld [tilespmem:s18+$0x510];
	v26 =	vadd.f32 v26, v31  }
0x304: {  	v31 =	vld [tilespmem:s18+$0x520];
	v20 =	vadd.f32 v33, v20;
	v13 =	vmul.f32 v29, v13;
	v22 =	vmul.f32 v29, v22  }
0x305: {  	v24 =	vmul.f32 v29, v24;
	v25 =	vmul.f32 v29, v25;
	v28 =	vadd.f32 v34, v28;
	v33 =	vld [tilespmem:s8+$0x4F0]  }
0x306: {  	v29 =	vld [tilespmem:s18+$0x530];
	v30 =	vadd.f32 v36, v30;
	v13 =	vmul.f32 v13, v4;
	v22 =	vmul.f32 v22, v5  }
0x307: {  	v24 =	vmul.f32 v24, v6;
	v25 =	vmul.f32 v25, v7;
	v34 =	vld [tilespmem:s8+$0x500];
	v14 =	vadd.f32 v14, v32  }
0x308: {  	v32 =	vld [tilespmem:s8+$0x510];
	v13 =	vadd.f32 v13, v8;
	v22 =	vadd.f32 v22, v9  }
0x309: {  	s11 =	sshll.u32 s20, $0x8;
	v24 =	vadd.f32 v24, v10;
	v25 =	vadd.f32 v25, v11;
	v35 =	vld [tilespmem:s8+$0x520]  }
0x30a: {  	s11 =	sshra.s32 s11, $0x2;
	v12 =	vadd.f32 v15, v12;
	v15 =	vadd.f32 v33, v27;
	v27 =	vld [tilespmem:s8+$0x530];
	[tilespmem:s15+$0xFFFFFF10] =	vst v13  }
0x30b: {  	v13 =	vadd.f32 v23, v19;
	v19 =	vadd.f32 v31, v26;
	v23 =	vld [tilespmem:s11+$0x13000];
	[tilespmem:s15+$0xFFFFFF20] =	vst v22  }
0x30c: {  	v20 =	vadd.f32 v29, v20;
	v22 =	vadd.f32 v34, v28;
	v26 =	vld [tilespmem:s11+$0x13010];
	[tilespmem:s15+$0xFFFFFF30] =	vst v24  }
0x30d: {  	v12 =	vmul.f32 $2.000000030e-01, v12;
	v13 =	vmul.f32 $2.000000030e-01, v13;
	v24 =	vadd.f32 v32, v30;
	v28 =	vld [tilespmem:s11+$0x13020];
	[tilespmem:s15+$0xFFFFFF40] =	vst v25  }
0x30e: {  	v25 =	vmul.f32 $2.000000030e-01, v19;
	v20 =	vmul.f32 $2.000000030e-01, v20;
	v14 =	vadd.f32 v35, v14;
	v29 =	vld [tilespmem:s11+$0x13030]  }
0x30f: {  	v22 =	vmul.f32 $2.000000030e-01, v22;
	v24 =	vmul.f32 $2.000000030e-01, v24;
	v15 =	vadd.f32 v27, v15  }
0x310: {  	v19 =	vadd.f32 v12, v17;
	v18 =	vadd.f32 v13, v18;
	v12 =	vmul.f32 $2.000000030e-01, v14  }
0x311: {  	v17 =	vadd.f32 v25, v16;
	v16 =	vadd.f32 v20, v21;
	v20 =	vmul.f32 $2.000000030e-01, v15  }
0x312: {  	v15 =	vadd.f32 v22, v23;
	v14 =	vadd.f32 v24, v26  }
0x313: {  	s8 =	sadd.s32 $0xFFFFFFCE, s17;
	v13 =	vadd.f32 v12, v28;
	v12 =	vadd.f32 v20, v29  }
0x314: {  	p1 =	slt.u32 s17, $0x32;
	s18 =	smin.u32 s17, s8;
	s8 =	simm.s32 $0x1;
	v21 =	vmul.f32 v19, v19;
	v22 =	vmul.f32 v18, v18;
	v20 =	vadd.f32 v18, v19  }
0x315: {  	s8 =	simm.s32 @!p1 $0xFFFFFFCF;
	v23 =	vadd.f32 v16, v17;
	v24 =	vmul.f32 v17, v17;
	v25 =	vmul.f32 v16, v16  }
0x316: {  	s21 =	sadd.s32 s8, s17;
	s11 =	smul.u32 $0x500, s18;
	v26 =	vadd.f32 v14, v15;
	v27 =	vmul.f32 v15, v15;
	v28 =	vmul.f32 v14, v14  }
0x317: {  	s8 =	smul.u32 $0x500, s21;
	v30 =	vmul.f32 v13, v13;
	v29 =	vadd.f32 v12, v13;
	v31 =	vmul.f32 v12, v12  }
0x318: {  	s22 =	simm.s32 $0xBF80;
	p1 =	sgt.u32 s17, $0x31;
	v21 =	vadd.f32 v22, v21;
	v24 =	vadd.f32 v25, v24  }
0x319: {  	s22 =	simm.s32 @!p1 $0x8100;
	s11 =	sshra.s32 s11, $0x2;
	s8 =	sshra.s32 s8, $0x2;
	v25 =	vadd.f32 v28, v27;
	v27 =	vadd.f32 v31, v30  }
0x31a: {  	s20 =	sadd.s32 s11, s22;
	s8 =	sadd.s32 s8, s22;
	v20 =	vadd.f32 v23, v20;
	v26 =	vadd.f32 v29, v26  }
0x31b: {  	v21 =	vadd.f32 v24, v21;
	v27 =	vadd.f32 v27, v25;
	v22 =	vld [tilespmem:s8+$0x100]  }
0x31c: {  	v28 =	vperm.xlane v20, v0;
	v29 =	vperm.xlane v26, v0;
	v23 =	vld [tilespmem:s8+$0x110]  }
0x31d: {  	v30 =	vperm.xlane v21, v0;
	v31 =	vperm.xlane v27, v0;
	v24 =	vld [tilespmem:s8+$0xC0]  }
.Ltmp1:
0x31e: {  	v34 =	vadd.f32 v20, v28;
	v35 =	vadd.f32 v26, v29;
	v25 =	vld [tilespmem:s8+$0xD0];
	(pc) =	sbr.rel @p0 .LBB2_5-.Ltmp1, $4  }
0x31f: {  	v28 =	vadd.f32 v30, v21;
	v29 =	vadd.f32 v31, v27;
	v20 =	vld [tilespmem:s8+$0x80]  }
0x320: {  	v30 =	vperm.xlane v34, v1;
	v31 =	vperm.xlane v35, v1;
	v21 =	vld [tilespmem:s8+$0x90]  }
0x321: {  	v32 =	vperm.xlane v28, v1;
	v33 =	vperm.xlane v29, v1;
	v26 =	vld [tilespmem:s8+$0x0]  }
0x322: {  	s17 =	sadd.s32 $0x4, s17;
	v30 =	vadd.f32 v34, v30;
	v31 =	vadd.f32 v35, v31;
	v27 =	vld [tilespmem:s8+$0x40]  }
0x323: {  	v34 =	vld [tilespmem:s8+$0x10]  }
0x324: {  	v35 =	vld [tilespmem:s8+$0x50]  }
0x325: {  	v36 =	vld [tilespmem:s8+$0x20]  }
0x326: {  	v37 =	vld [tilespmem:s8+$0x60]  }
0x327: {  	v38 =	vld [tilespmem:s8+$0x30]  }
0x328: {  	v39 =	vld [tilespmem:s8+$0x70]  }
0x329: {  	v40 =	vld [tilespmem:s8+$0xA0]  }
0x32a: {  	v41 =	vld [tilespmem:s8+$0xB0]  }
0x32b: {  	v42 =	vld [tilespmem:s8+$0xE0]  }
0x32c: {  	v43 =	vld [tilespmem:s8+$0xF0]  }
0x32d: {  	v44 =	vld [tilespmem:s8+$0x120]  }
0x32e: {  	s11 =	sshll.u32 s21, $0x8;
	v45 =	vld [tilespmem:s8+$0x130]  }
0x32f: {  	v28 =	vadd.f32 v32, v28;
	v32 =	vld [tilespmem:s20+$0x90];
	s11 =	sshra.s32 s11, $0x2;
	v46 =	vperm.xlane v30, v2  }
0x330: {  	v29 =	vadd.f32 v33, v29;
	v47 =	vperm.xlane v31, v2;
	v48 =	vld [tilespmem:s11+$0x13000]  }
0x331: {  	v60 =	vld [tilespmem:s11+$0x13010];
	v53 =	vperm.xlane v28, v2;
	v30 =	vadd.f32 v30, v46  }
0x332: {  	v54 =	vperm.xlane v29, v2;
	v31 =	vadd.f32 v31, v47;
	v26 =	vadd.f32 v27, v26;
	v27 =	vld [tilespmem:s20+$0x30]  }
0x333: {  	v28 =	vadd.f32 v53, v28;
	v46 =	vadd.f32 v37, v36;
	v37 =	vld [tilespmem:s20+$0x0]  }
0x334: {  	v29 =	vadd.f32 v54, v29;
	v62 =	vadd.f32 v35, v34;
	v35 =	vld [tilespmem:s20+$0x20]  }
0x335: {  	v47 =	vadd.f32 v39, v38;
	v39 =	vld [tilespmem:s20+$0x60];
	v58 =	vperm.xlane v30, v3;
	v20 =	vadd.f32 v20, v26  }
0x336: {  	v38 =	vld [tilespmem:s20+$0x70];
	v59 =	vperm.xlane v31, v3;
	v21 =	vadd.f32 v21, v62;
	v49 =	vadd.f32 v40, v46  }
0x337: {  	v36 =	vld [tilespmem:s20+$0x10];
	v50 =	vadd.f32 v41, v47;
	v30 =	vadd.f32 v30, v58  }
0x338: {  	v26 =	vld [tilespmem:s20+$0x40];
	v31 =	vadd.f32 v31, v59;
	v20 =	vadd.f32 v24, v20  }
0x339: {  	v40 =	vld [tilespmem:s20+$0xB0];
	v21 =	vadd.f32 v25, v21;
	v51 =	vadd.f32 v42, v49  }
0x33a: {  	v24 =	vld [tilespmem:s20+$0x50];
	v52 =	vadd.f32 v43, v50;
	v20 =	vadd.f32 v22, v20  }
0x33b: {  	v41 =	vld [tilespmem:s20+$0x80];
	v35 =	vadd.f32 v39, v35;
	v27 =	vadd.f32 v38, v27  }
0x33c: {  	v61 =	vld [tilespmem:s11+$0x13020];
	v21 =	vadd.f32 v23, v21;
	v55 =	vadd.f32 v44, v51  }
0x33d: {  	v63 =	vld [tilespmem:s11+$0x13030];
	v56 =	vadd.f32 v45, v52;
	v26 =	vadd.f32 v26, v37  }
0x33e: {  	v53 =	vld [tilespmem:s20+$0xC0];
	v51 =	vperm.xlane v29, v3;
	v20 =	vmul.f32 $2.000000030e-01, v20;
	v27 =	vadd.f32 v40, v27  }
0x33f: {  	v21 =	vmul.f32 $2.000000030e-01, v21;
	v57 =	vmul.f32 $2.000000030e-01, v55;
	v24 =	vadd.f32 v24, v36  }
0x340: {  	v58 =	vld [tilespmem:s20+$0xE0];
	v25 =	vmul.f32 $2.000000030e-01, v56;
	v26 =	vadd.f32 v41, v26;
	v29 =	vadd.f32 v51, v29  }
0x341: {  	v30 =	vmul.f32 $1.562500000e-02, v30;
	v56 =	vld [tilespmem:s20+$0xD0];
	v23 =	vadd.f32 v20, v48;
	v22 =	vadd.f32 v21, v60  }
0x342: {  	v45 =	vld [tilespmem:s20+$0x110];
	v21 =	vadd.f32 v57, v61;
	v20 =	vadd.f32 v25, v63;
	v60 =	vperm.xlane v28, v3  }
0x343: {  	v25 =	vld [tilespmem:s20+$0xA0];
	v24 =	vadd.f32 v32, v24;
	v26 =	vadd.f32 v53, v26;
	v63 =	vmul.f32 v23, v23  }
0x344: {  	v47 =	vld [tilespmem:s20+$0x120];
	v61 =	vadd.f32 v22, v23;
	v62 =	vadd.f32 v20, v21;
	v52 =	vmul.f32 v22, v22  }
0x345: {  	v54 =	vmul.f32 v21, v21;
	v55 =	vmul.f32 v20, v20;
	v28 =	vadd.f32 v60, v28;
	v60 =	vld [tilespmem:s20+$0xF0]  }
0x346: {  	s21 =	sshll.u32 s18, $0x8;
	v44 =	vmul.f32 v30, v30;
	v24 =	vadd.f32 v56, v24;
	v57 =	vadd.f32 v62, v61;
	v61 =	vld [tilespmem:s20+$0x100]  }
0x347: {  	s8 =	sshra.s32 s21, $0x2;
	v49 =	vld [tilespmem:s20+$0x130];
	v59 =	vadd.f32 v52, v63;
	v43 =	vadd.f32 v55, v54;
	v28 =	vmul.f32 $1.562500000e-02, v28  }
0x348: {  	v50 =	vld [tilespmem:s8+$0x13000];
	v25 =	vadd.f32 v25, v35;
	v24 =	vadd.f32 v45, v24  }
0x349: {  	v52 =	vld [tilespmem:s8+$0x13010];
	v62 =	vadd.f32 v43, v59;
	v63 =	vperm.xlane v57, v0;
	v28 =	vsub.f32 v28, v44  }
0x34a: {  	v31 =	vmul.f32 $1.562500000e-02, v31;
	v53 =	vld [tilespmem:s8+$0x13020];
	v25 =	vadd.f32 v58, v25;
	v27 =	vadd.f32 v60, v27  }
0x34b: {  	v29 =	vmul.f32 $1.562500000e-02, v29;
	v55 =	vld [tilespmem:s8+$0x13030];
	v33 =	vadd.f32 v57, v63;
	v26 =	vadd.f32 v61, v26  }
0x34c: {  	v24 =	vmul.f32 $2.000000030e-01, v24;
	v25 =	vadd.f32 v47, v25;
	v27 =	vadd.f32 v49, v27  }
0x34d: {  	v54 =	vperm.xlane v62, v0;
	v28 =	vadd.f32 $9.999999740e-06, v28;
	v26 =	vmul.f32 $2.000000030e-01, v26  }
0x34e: {  	v24 =	vadd.f32 v24, v52;
	v25 =	vmul.f32 $2.000000030e-01, v25;
	v27 =	vmul.f32 $2.000000030e-01, v27  }
0x34f: {  	v56 =	vperm.xlane v33, v1;
	v57 =	vadd.f32 v54, v62;
	v26 =	vadd.f32 v26, v50  }
0x350: {  	v47 =	vmul.f32 v31, v31;
	v25 =	vadd.f32 v25, v53;
	v27 =	vadd.f32 v27, v55  }
0x351: {  	v61 =	vmul.f32 v24, v24;
	v33 =	vadd.f32 v33, v56;
	v37 =	vperm.xlane v57, v1  }
0x352: {  	v35 =	vadd.f32 v24, v26;
	v59 =	vmul.f32 v26, v26;
	v60 =	vadd.f32 v27, v25  }
0x353: {  	v29 =	vsub.f32 v29, v47;
	v62 =	vmul.f32 v25, v25;
	v63 =	vmul.f32 v27, v27  }
0x354: {  	v58 =	vperm.xlane v33, v2;
	v32 =	vadd.f32 v37, v57;
	v35 =	vadd.f32 v60, v35  }
0x355: {  	v52 =	vshrl.u32 v28, $0x1;
	v36 =	vadd.f32 v61, v59;
	v43 =	vadd.f32 v63, v62  }
0x356: {  	v28 =	vmul.f32 $5.000000000e-01, v28;
	v33 =	vadd.f32 v33, v58;
	v42 =	vperm.xlane v32, v2  }
0x357: {  	v29 =	vadd.f32 $9.999999740e-06, v29;
	v46 =	vperm.xlane v35, v0;
	v36 =	vadd.f32 v43, v36  }
0x358: {  	v55 =	vsub.s32 $0x5F3759DF, v52;
	v45 =	vperm.xlane v33, v3;
	v32 =	vadd.f32 v42, v32  }
0x359: {  	v57 =	vmul.f32 v55, v28;
	v34 =	vadd.f32 v35, v46;
	v49 =	vperm.xlane v36, v0  }
0x35a: {  	v54 =	vshrl.u32 v29, $0x1;
	v33 =	vadd.f32 v33, v45;
	v48 =	vperm.xlane v32, v3  }
0x35b: {  	v29 =	vmul.f32 $5.000000000e-01, v29;
	v50 =	vperm.xlane v34, v1;
	v35 =	vadd.f32 v49, v36  }
0x35c: {  	v39 =	vsub.s32 $0x5F3759DF, v54;
	v33 =	vmul.f32 $1.562500000e-02, v33;
	v32 =	vadd.f32 v48, v32  }
0x35d: {  	v59 =	vmul.f32 v39, v29;
	v34 =	vadd.f32 v34, v50;
	v53 =	vperm.xlane v35, v1  }
0x35e: {  	v32 =	vmul.f32 $1.562500000e-02, v32;
	v51 =	vmul.f32 v33, v33  }
0x35f: {  	v37 =	vmul.f32 v55, v57;
	v56 =	vperm.xlane v34, v2;
	v35 =	vadd.f32 v53, v35  }
0x360: {  	v62 =	vmul.f32 v39, v59;
	v32 =	vsub.f32 v32, v51  }
0x361: {  	v37 =	vsub.f32 $1.500000000e+00, v37;
	v34 =	vadd.f32 v34, v56;
	v58 =	vperm.xlane v35, v2  }
0x362: {  	v38 =	vsub.f32 $1.500000000e+00, v62;
	v32 =	vadd.f32 $9.999999740e-06, v32  }
0x363: {  	v36 =	vmul.f32 v55, v37;
	v61 =	vperm.xlane v34, v3;
	v35 =	vadd.f32 v58, v35  }
0x364: {  	v38 =	vmul.f32 v39, v38;
	v60 =	vshrl.u32 v32, $0x1;
	v32 =	vmul.f32 $5.000000000e-01, v32  }
0x365: {  	v63 =	vsub.s32 $0x5F3759DF, v60;
	v34 =	vadd.f32 v34, v61;
	v45 =	vperm.xlane v35, v3  }
0x366: {  	v28 =	vmul.f32 v36, v28;
	v41 =	vmul.f32 v63, v32  }
0x367: {  	v29 =	vmul.f32 v38, v29;
	v34 =	vmul.f32 $1.562500000e-02, v34;
	v35 =	vadd.f32 v45, v35  }
0x368: {  	v19 =	vsub.f32 v19, v30;
	v28 =	vmul.f32 v28, v36;
	v46 =	vmul.f32 v63, v41  }
0x369: {  	v18 =	vsub.f32 v18, v30;
	v47 =	vmul.f32 v34, v34;
	v35 =	vmul.f32 $1.562500000e-02, v35  }
0x36a: {  	v17 =	vsub.f32 v17, v30;
	v29 =	vmul.f32 v29, v38;
	v37 =	vsub.f32 $1.500000000e+00, v46  }
0x36b: {  	v28 =	vsub.f32 $1.500000000e+00, v28;
	v35 =	vsub.f32 v35, v47  }
0x36c: {  	v16 =	vsub.f32 v16, v30;
	v29 =	vsub.f32 $1.500000000e+00, v29;
	v37 =	vmul.f32 v63, v37  }
0x36d: {  	v15 =	vsub.f32 v15, v31;
	v28 =	vmul.f32 v28, v36;
	v35 =	vadd.f32 $9.999999740e-06, v35  }
0x36e: {  	v14 =	vsub.f32 v14, v31;
	v29 =	vmul.f32 v29, v38;
	v32 =	vmul.f32 v37, v32  }
0x36f: {  	v19 =	vmul.f32 v28, v19;
	v49 =	vshrl.u32 v35, $0x1;
	v35 =	vmul.f32 $5.000000000e-01, v35  }
0x370: {  	v18 =	vmul.f32 v28, v18;
	v48 =	vmul.f32 v32, v37;
	v32 =	vsub.s32 $0x5F3759DF, v49  }
0x371: {  	v13 =	vsub.f32 v13, v31;
	v17 =	vmul.f32 v28, v17;
	v50 =	vmul.f32 v32, v35  }
0x372: {  	v12 =	vsub.f32 v12, v31;
	v16 =	vmul.f32 v28, v16;
	v15 =	vmul.f32 v29, v15  }
0x373: {  	v14 =	vmul.f32 v29, v14;
	v30 =	vsub.f32 $1.500000000e+00, v48;
	v51 =	vmul.f32 v32, v50  }
0x374: {  	v20 =	vsub.f32 v20, v33;
	v13 =	vmul.f32 v29, v13;
	v12 =	vmul.f32 v29, v12  }
0x375: {  	v19 =	vmul.f32 v19, v4;
	v30 =	vmul.f32 v30, v37;
	v52 =	vsub.f32 $1.500000000e+00, v51  }
0x376: {  	v23 =	vsub.f32 v23, v33;
	v18 =	vmul.f32 v18, v5;
	v17 =	vmul.f32 v17, v6  }
0x377: {  	v22 =	vsub.f32 v22, v33;
	v20 =	vmul.f32 v30, v20;
	v28 =	vmul.f32 v32, v52  }
0x378: {  	v21 =	vsub.f32 v21, v33;
	v16 =	vmul.f32 v16, v7;
	v15 =	vmul.f32 v15, v4  }
0x379: {  	v19 =	vadd.f32 v19, v8;
	v20 =	vmul.f32 v20, v7;
	v53 =	vmul.f32 v28, v35  }
0x37a: {  	s22 =	sadd.s32 $0x100, s15;
	v14 =	vmul.f32 v14, v5;
	v26 =	vsub.f32 v26, v34;
	v18 =	vadd.f32 v18, v9  }
0x37b: {  	v24 =	vsub.f32 v24, v34;
	[tilespmem:s22+$0xFFFFFF90] =	vst v19;
	v20 =	vadd.f32 v20, v11;
	v54 =	vmul.f32 v53, v28  }
0x37c: {  	v13 =	vmul.f32 v13, v6;
	v25 =	vsub.f32 v25, v34;
	v17 =	vadd.f32 v17, v10;
	[tilespmem:s22+$0xFFFFFFA0] =	vst v18  }
0x37d: {  	v12 =	vmul.f32 v12, v7;
	v16 =	vadd.f32 v16, v11;
	[tilespmem:s22+$0xFFFFFF80] =	vst v20;
	v20 =	vsub.f32 $1.500000000e+00, v54  }
0x37e: {  	v27 =	vsub.f32 v27, v34;
	v15 =	vadd.f32 v15, v8;
	[tilespmem:s22+$0xFFFFFFB0] =	vst v17;
	v23 =	vmul.f32 v30, v23  }
0x37f: {  	v14 =	vadd.f32 v14, v9;
	[tilespmem:s22+$0xFFFFFFC0] =	vst v16;
	v22 =	vmul.f32 v30, v22;
	v55 =	vmul.f32 v20, v28  }
0x380: {  	v13 =	vadd.f32 v13, v10;
	[tilespmem:s22+$0xFFFFFFD0] =	vst v15;
	v21 =	vmul.f32 v30, v21;
	v23 =	vmul.f32 v23, v4  }
0x381: {  	v12 =	vadd.f32 v12, v11;
	[tilespmem:s22+$0xFFFFFFE0] =	vst v14;
	v22 =	vmul.f32 v22, v5;
	v56 =	vmul.f32 v55, v26  }
0x382: {  	[tilespmem:s22+$0xFFFFFFF0] =	vst v13;
	v21 =	vmul.f32 v21, v6;
	v23 =	vadd.f32 v23, v8;
	v57 =	vmul.f32 v55, v24  }
0x383: {  	[tilespmem:s22+$0x0] =	vst v12;
	v22 =	vadd.f32 v22, v9;
	v58 =	vmul.f32 v55, v25;
	v17 =	vmul.f32 v56, v4  }
0x384: {  	v21 =	vadd.f32 v21, v10;
	[tilespmem:s22+$0xFFFFFF50] =	vst v23;
	v59 =	vmul.f32 v55, v27;
	v16 =	vmul.f32 v57, v5  }
0x385: {  	[tilespmem:s22+$0xFFFFFF60] =	vst v22;
	v60 =	vmul.f32 v58, v6;
	v61 =	vadd.f32 v17, v8  }
0x386: {  	[tilespmem:s22+$0xFFFFFF70] =	vst v21;
	v62 =	vmul.f32 v59, v7;
	v63 =	vadd.f32 v16, v9  }
0x387: {  	v13 =	vadd.f32 v60, v10;
	[tilespmem:s22+$0xFFFFFF10] =	vst v61  }
0x388: {  	s1 =	sadd.s32 $0x1, s1;
	v12 =	vadd.f32 v62, v11;
	[tilespmem:s22+$0xFFFFFF20] =	vst v63  }
0x389: {  	p0 =	sne.s32 s1, $0x80;
	[tilespmem:s22+$0xFFFFFF30] =	vst v13  }
.Ltmp2:
0x38a: {  	s2 =	sadd.s32 s10, s2;
	[tilespmem:s22+$0xFFFFFF40] =	vst v12;
	(pc) =	sbr.rel @p0 .LBB2_2-.Ltmp2, $4  }
0x38b: {  	s2 =	smul.u32 $0x320, s2;
	_ =	swait.ge [sflag:s31], $0x1900  }
0x38c: {  	[sflag:s31] =	ssyncset.done $0x0  }
0x38d: {  	s2 =	sadd.s32 s4, s2;
	[sflag:s31] =	ssyncadd.s32 $0xFFFFE700  }
0x38e: {  	[hbm4b:s2+s5] =	stream.linear.scatter [tilespmem:s0], [sflag:$0x5], $0x1900, $0x38;
	[tilespmem:$0x14980] =	vst v63  }
0x38f: {  	s3 =	sadd.s32 $0x1, s3  }
0x390: {  	p0 =	sne.s32 s3, s14  }
.Ltmp3:
0x391: {  	_ = 	snop;
	(pc) =	sbr.rel @p0 .LBB2_1-.Ltmp3, $4  }
0x392: {  	_ = 	snop  }
0x393: {  	_ =	swait.ge [sflag:s31], $0x1900  }
0x394: {  	[sflag:s31] =	ssyncset.done $0x0  }
0x395: {  	[sflag:s31] =	ssyncadd.s32 $0xFFFFE700  }
0x396: {  	_ =	sfence.sel $0x180000  }
0x397: {  	[bflag:$0x0] =	sbarrier.arrive $0xFFFF  }
0x398: {  	_ =	strace $0x90000047  }
0x399: {  	s0 =	stileid.u32;
	[bflag:$0x2] =	sbarrier.arrive $0xFFFF  }
0x39a: {  	p0 =	sne.s32 s0, $0x0;
	s0 =	rddreg [dreg:$0x4]  }
0x39b: {  	s0 =	sadd.s32 @!p0 $0x100000, s0  }
0x39c: {  	[sflag:s0] =	ssyncadd.tile.s32 @!p0 $0x1;
	_ =	shalt  }
.Lfunc_end2:
_tile_overlayer_lowered:
.L_overlay_start_2:
0x39d: {  	(tag) =	ssettag $0x2  }
0x39e: {  	s0 =	rddreg [dreg:$0x0];
	s2 =	stileid.u32  }
0x39f: {  	s1 =	rddreg [dreg:$0x1];
	p0 =	sne.s32 s2, $0x0  }
0x3a0: {  	s3 =	rddreg [dreg:$0x2];
	[bflag:$0x3] =	sbarrier.arrive $0xFFFF;
	s2 =	simm.s32 @!p0 $0x1C06  }
0x3a1: {  	[timem:s3], [sflag:s2] =	dma.local @!p0 [hbm:s0], s1  }
0x3a2: {  	s0 =	simm.s32 @!p0 $0x6  }
0x3a3: {  	_ =	swait.ge @!p0 [sflag:s0], s1  }
0x3a4: {  	s1 =	ssub.s32 @!p0 $0x0, s1;
	[sflag:s0] =	ssyncset.done @!p0 $0x0  }
0x3a5: {  	[sflag:s0] =	ssyncadd.s32 @!p0 s1  }
0x3a6: {  	[bflag:$0x3] =	sbarrier.arrive $0xFFFF  }
0x3a7: {  	_ =	shalt  }

// kernel: sparse-core-data-format-call.cloned.1.call-start
scs
called_computation_lowered:
.L_overlay_start_0:
0x0: {  	s2 =	sld [smem:$0x3FD9]  }
0x1: {  	s3 =	sld [smem:$0x3FFE];
	_ =	sdelay $0x1  }
0x2: {  	s1 =	srdreg.scid  }
0x3: {  	s0 =	sand.u32 $0x1, s1  }
0x4: {  	s18 =	sshll.u32 s0, $0xA;
	s2 =	sadd.s32 s3, s2  }
0x5: {  	s2 =	sadd.s32 s2, s18  }
0x6: {  	[smem:$0x3FC3] =	sst s2  }
0x7: {  	_ = 	snop  }
0x8: {  	s2 =	sld [smem:$0x3FD0];
	(tm) =	ssettm $0x1  }
0x9: {  	s19 =	sld [smem:$0x3FFB];
	_ =	sdelay $0x3  }
0xa: {  	_ =	strace s19  }
0xb: {  	s3 =	sld [smem:$0x3FFC];
	_ =	sdelay $0x3  }
0xc: {  	_ =	strace s3  }
0xd: {  	s3 =	sld [smem:$0x3FFD];
	_ =	sdelay $0x3  }
0xe: {  	_ =	strace s3  }
0xf: {  	_ =	strace $0x8FFFFFFF  }
0x10: {  	s20 =	sld [smem:$0x3FDB];
	_ =	sdelay $0x1  }
0x11: {  	s4 =	simm.s32 $_scs_section_size  }
0x12: {  	s5 =	simm.s32 $_size__tile_overlayer_lowered;
	s6 =	simm.s32 $_tile_overlayer_lowered  }
0x13: {  	s23 =	simm.s32 $0x1BFF;
	s22 =	sshll.u32 s6, $0x1;
	s3 =	sadd.s32 s4, s20  }
0x14: {  	s7 =	simm.s32 $0x0;
	s21 =	sshll.u32 s5, $0x1;
	s5 =	sadd.s32 s22, s3  }
0x15: {  	[timem:s7], [sflag:s23] =	dma.local [hbm:s5], s21  }
0x16: {  	_ =	swait.ge [sflag:s23], s21  }
0x17: {  	s4 =	ssub.s32 $0x0, s21;
	[sflag:s23] =	ssyncset.done $0x0  }
0x18: {  	[sflag:s23] =	ssyncadd.s32 s4;
	_ =	sdelay $0x1  }
0x19: {  	s24 =	simm.s32 $0x1B8B  }
0x1a: {  	_ =	swait.ge [sflag:s24], $0x1  }
0x1b: {  	[sflag:s24] =	ssyncset.done $0x0  }
0x1c: {  	s26 =	simm.s32 $0x1B8E;
	s25 =	sld [smem:$0x3FFE];
	[sflag:s24] =	ssyncadd.s32 $0xFFFFFFFF  }
0x1d: {  	s27 =	simm.s32 $execute0_lowered;
	[smem:$0x3FD2] =	sst s26  }
0x1e: {  	s5 =	sshll.u32 s27, $0x1;
	_ =	strace $0x80000049;
	[dreg:$0x1] =	wrdreg $0xFFFFFFFF  }
0x1f: {  	s28 =	simm.s32 $_size_execute0_lowered;
	s3 =	sadd.s32 s3, s5;
	[dreg:$0x0] =	wrdreg $0x0  }
0x20: {  	s5 =	sshll.u32 s28, $0x1;
	[dreg:$0x2] =	wrdreg s3  }
0x21: {  	[dreg:$0x3] =	wrdreg s5  }
0x22: {  	[dreg:$0x4] =	wrdreg $0xC0  }
0x23: {  	_ =	task [dreg:s7], $0x5FFFF  }
0x24: {  	[dreg:$0x1] =	wrdreg $0xFFFFFFFF  }
0x25: {  	[dreg:$0x0] =	wrdreg $0x60  }
0x26: {  	[dreg:$0x2] =	wrdreg s25  }
0x27: {  	[dreg:$0x3] =	wrdreg s2  }
0x28: {  	[dreg:$0x4] =	wrdreg $0x9  }
0x29: {  	_ =	task.clear_ibuf [dreg:s7], $0x5FFFF;
	_ =	strace $0x90000049  }
0x2a: {  	s29 =	simm.s32 $0x9;
	_ =	strace $0x8000004B  }
0x2b: {  	_ =	swait.ge [sflag:s29], $0x1  }
0x2c: {  	[sflag:s29] =	ssyncadd.s32 $0xFFFFFFFF  }
0x2d: {  	_ =	strace $0x9000004B  }
0x2e: {  	_ =	sfence  }
0x2f: {  	s30 =	sld [smem:$0x0];
	_ =	sdelay $0x2  }
0x30: {  	s31 =	sshll.u32 s1, $0xD;
	s1 =	sshrl.u32 s1, $0x2  }
0x31: {  	s3 =	sand.u32 $0x4000, s31;
	s1 =	sadd.s32 s1, s30  }
0x32: {  	s0 =	sor.u32 s3, s0;
	s1 =	sshll.u32 s1, $0x11  }
0x33: {  	s0 =	sor.u32 s1, s0  }
0x34: {  	s0 =	sadd.s32 $0x8F2B, s0  }
0x35: {  	[sflag:s0] =	ssyncadd.remote.s32 $0x1  }
0x36: {  	_ =	sfence.sel $0xFFFF  }
0x37: {  	[dreg:$0x0] =	wrdreg $0xFFFFFFFF;
	(pc) =	sbr.abs _section_cstart, $3  }
0x38: {  	[dreg:$0x1] =	wrdreg $0xFFFFFFFF  }
0x39: {  	_ =	task.clear_ibuf [dreg:s7], $0x2FFFF;
	_ =	strace $0x9FFFFFFF  }
0x3a: {  	(tm) =	ssettm $0x7FFFFFFF  }
0x3b: {  	_ =	shalt  }
tec
execute0_lowered:
.L_overlay_start_1:
0x0: {  	(tag) =	ssettag $0x1  }
0x1: {  	s0 =	srdreg.scid  }
0x2: {  	s1 =	sshll.u32 s0, $0x4  }
0x3: {  	s0 =	stileid.u32;
	s1 =	sand.u32 $0x10, s1  }
0x4: {  	s1 =	sor.u32 s0, s1  }
0x5: {  	s6 =	rddreg [dreg:$0x0];
	s4 =	simm.s32 $0x1;
	s2 =	sshll.u32 s1, $0x7  }
0x6: {  	s7 =	simm.s32 $0x2;
	s12 =	simm.s32 $0x0;
	s1 =	ssub.s32 $0x4000, s2  }
0x7: {  	s8 =	simm.s32 $0x20000;
	s13 =	simm.s32 $0x0;
	s3 =	sand.u32 $0xF80, s1  }
0x8: {  	s9 =	simm.s32 $0x0;
	s5 =	sshrl.u32 s1, $0xC;
	p0 =	sne.s32 s3, $0x0  }
.Ltmp0:
0x9: {  	s1 =	rddreg [dreg:$0x2];
	s4 =	simm.s32 @!p0 $0x0;
	(pc) =	sbr.rel .LBB1_1-.Ltmp0, $4  }
0xa: {  	s11 =	simm.s32 $0x0;
	s3 =	rddreg [dreg:$0x1];
	s5 =	sadd.s32 s4, s5  }
0xb: {  	_ =	strace $0x8000004A;
	s4 =	simm.s32 $0x1;
	s5 =	smul.u32 $0x32, s5  }
0xc: {  	s6 =	sadd.s32 $0x2400, s6;
	s10 =	smov.u32 s2;
	[sflag:s4] =	ssyncpa.u1 $0x0  }
0xd: {  	p0 =	por $0x0, $0x0;
	[sflag:s7] =	ssyncpa.u1 $0x0;
	s7 =	sor.u32 $0x1, s5  }
.LBB1_4:
0xe: {  	s16 =	sshll.u32 s13, $0x3;
	s17 =	sand.u32 $0x78, s13  }
0xf: {  	s30 =	sand.u32 $0x1F800, s13;
	s12 =	sshll.u32 s12, $0x11;
	s16 =	sand.u32 $0x3C00, s16  }
0x10: {  	[tilespmem:s15+$0x810 ss:$0x81] =	vst.msk $0xffff, v2;
	s31 =	sand.u32 $0x7, s13;
	s16 =	sor.u32 s17, s16;
	s17 =	sadd.s32 s3, s30  }
0x11: {  	[tilespmem:s15+$0x1020 ss:$0x81] =	vst.msk $0xffff, v0;
	s13 =	sshll.u32 s31, $0x12;
	s12 =	sadd.s32 s12, s17;
	s16 =	sshrl.u32 s16, $0x3  }
0x12: {  	[tilespmem:s15+$0x0 ss:$0x81] =	vst.msk $0xffff, v1;
	s13 =	sor.u32 $0x400, s13;
	s12 =	sadd.s32 s16, s12  }
0x13: {  	[hbm4b:s12+s13] =	stream.strided.scatter [tilespmem:s14], [sflag:$0x2], $0x2000, s8, s13, $0x20;
	[tilespmem:$0x8080] =	vst v63  }
.LBB1_5:
0x14: {  	s14 =	sadd.s32 $0x1, s9  }
0x15: {  	s12 =	sadd.s32 $0x1000, s10;
	s16 =	smov.u32 s10;
	p2 =	sgt.s32 s14, $0x31  }
0x16: {  	s16 =	smov.u32 @p2 s12  }
0x17: {  	s14 =	simm.s32 @p2 $0x0;
	p2 =	sgt.s32 s16, $0x3FFF  }
0x18: {  	s16 =	smov.u32 @p2 s2;
	p2 =	sne.s32 s11, s7  }
.Ltmp1:
0x19: {  	p1 =	slt.u32 s11, $0x2;
	(pc) =	sbr.rel @!p2 .LBB1_6-.Ltmp1, $4  }
0x1a: {  	s15 =	simm.s32 @!p1 $0x2  }
0x1b: {  	s13 =	smov.u32 s10;
	p0 =	por !p0, !p0;
	_ =	swait.ge @!p1 [sflag:s15], $0x2000  }
0x1c: {  	s12 =	smov.u32 s9;
	[sflag:s15] =	ssyncset.done @!p1 $0x0;
	s9 =	smov.u32 s14  }
0x1d: {  	s11 =	sadd.s32 $0x1, s11;
	[sflag:s15] =	ssyncadd.s32 @!p1 $0xFFFFE000;
	s10 =	smov.u32 s16  }
.LBB1_1:
0x1e: {  	p1 =	sge.u32 s11, s5  }
0x1f: {  	s14 =	sand.u32 @!p1 $0x1FFFFFF, s9  }
0x20: {  	s15 =	smulhi.u32 @!p1 $0x4924925, s14;
	_ =	sdelay $0x1  }
0x21: {  	s15 =	smul.u32 @!p1 $0x38, s15  }
0x22: {  	s16 =	sxor.u32 @!p1 $0xFFFFFFFF, s11;
	s17 =	smul.u32 @!p1 $0x380, s10  }
0x23: {  	s31 =	sadd.s32 $0xFFFFFFFF, s11;
	s16 =	sshll.u32 @!p1 s16, $0xD;
	s14 =	ssub.s32 @!p1 s14, s15  }
0x24: {  	s15 =	sand.u32 @!p1 $0x2000, s16;
	s16 =	sadd.s32 @!p1 s6, s17;
	s14 =	sshll.u32 @!p1 s14, $0x4  }
0x25: {  	s17 =	simm.s32 @!p1 $0x1C00;
	s14 =	sadd.s32 @!p1 s14, s16;
	s16 =	simm.s32 @!p1 $0x40  }
0x26: {  	[tilespmem:s15], [sflag:$0x1] =	stream.strided.gather @!p1 [hbm4b:s14+s16], $0x2000, s17, s16, $0x38;
	[tilespmem:$0x8080] =	vst v63  }
0x27: {  	p1 =	sge.u32 s31, s5  }
.Ltmp2:
0x28: {  	_ = 	snop;
	(pc) =	sbr.rel @p1 .LBB1_5-.Ltmp2, $1  }
0x29: {  	_ =	sdelay $0x3  }
0x2a: {  	s14 =	simm.s32 $0x1  }
0x2b: {  	_ =	swait.ge [sflag:s4], $0x2000;
	s14 =	simm.s32 @!p0 $0x0  }
0x2c: {  	[sflag:s4] =	ssyncset.done $0x0;
	s15 =	sshll.u32 s14, $0xD  }
0x2d: {  	[sflag:s4] =	ssyncadd.s32 $0xFFFFE000;
	s18 =	sor.u32 $0x20, s15  }
0x2e: {  	s14 =	smul.u32 $0x8100, s14;
	v3 =	vld [tilespmem:s18+$0x10]  }
0x2f: {  	s30 =	sand.u32 $0x1, s11;
	v2 =	vld [tilespmem:s18+$0xFFFFFFF0]  }
0x30: {  	s15 =	smul.u32 $0x8100, s30;
	s14 =	sshrl.u32 s14, $0x2;
	v0 =	vld [tilespmem:s18+$0x0]  }
0x31: {  	v1 =	vld [tilespmem:s18+$0xFFFFFFE0];
	s16 =	sor.u32 $0x4000, s14  }
0x32: {  	s31 =	sshrl.u32 s15, $0x2;
	s15 =	sadd.s32 $0x0, s16  }
0x33: {  	s17 =	simm.s32 $0x4;
	s18 =	sadd.s32 $0x40, s18;
	s14 =	sor.u32 $0x4000, s31;
	[tilespmem:s15+$0x1830 ss:$0x81] =	vst.msk $0xffff, v3  }
.LBB1_3:
0x34: {  	v3 =	vld [tilespmem:s18+$0x10];
	p1 =	sne.s32 s17, $0x1FC;
	[tilespmem:s15+$0x810 ss:$0x81] =	vst.msk $0xffff, v2;
	s19 =	smov.u32 s17;
	s17 =	sadd.s32 $0x4, s17  }
.Ltmp3:
0x35: {  	v2 =	vld [tilespmem:s18+$0xFFFFFFF0];
	[tilespmem:s15+$0x1020 ss:$0x81] =	vst.msk $0xffff, v0;
	(pc) =	sbr.rel @p1 .LBB1_3-.Ltmp3, $4  }
0x36: {  	v0 =	vld [tilespmem:s18+$0x0];
	[tilespmem:s15+$0x0 ss:$0x81] =	vst.msk $0xffff, v1  }
0x37: {  	s15 =	sshra.s32 s19, $0x2;
	v1 =	vld [tilespmem:s18+$0xFFFFFFE0]  }
0x38: {  	s15 =	sadd.s32 s15, s16  }
0x39: {  	s18 =	sadd.s32 $0x40, s18;
	[tilespmem:s15+$0x1830 ss:$0x81] =	vst.msk $0xffff, v3  }
.Ltmp4:
0x3a: {  	_ = 	snop;
	(pc) =	sbr.rel .LBB1_4-.Ltmp4, $1  }
0x3b: {  	_ =	sdelay $0x3  }
.LBB1_6:
0x3c: {  	_ =	sfence.sel $0x180000  }
0x3d: {  	s2 =	simm.s32 $0x1;
	[bflag:$0x0] =	sbarrier.arrive $0xFFFF  }
0x3e: {  	s31 =	simm.s32 $0x2;
	[sflag:s2] =	ssyncpa.u1 $0x1  }
0x3f: {  	[sflag:s31] =	ssyncpa.u1 $0x1  }
0x40: {  	p0 =	sne.s32 s0, $0x0;
	_ =	strace $0x9000004A  }
0x41: {  	s0 =	sadd.s32 @!p0 $0x100000, s1;
	[bflag:$0x2] =	sbarrier.arrive $0xFFFF  }
0x42: {  	[sflag:s0] =	ssyncadd.tile.s32 @!p0 $0x1;
	_ =	shalt  }
.Lfunc_end1:
_tile_overlayer_lowered:
.L_overlay_start_2:
0x43: {  	(tag) =	ssettag $0x2  }
0x44: {  	s0 =	rddreg [dreg:$0x0];
	s2 =	stileid.u32  }
0x45: {  	s1 =	rddreg [dreg:$0x1];
	p0 =	sne.s32 s2, $0x0  }
0x46: {  	s3 =	rddreg [dreg:$0x2];
	[bflag:$0x3] =	sbarrier.arrive $0xFFFF;
	s2 =	simm.s32 @!p0 $0x1C01  }
0x47: {  	[timem:s3], [sflag:s2] =	dma.local @!p0 [hbm:s0], s1  }
0x48: {  	s0 =	simm.s32 @!p0 $0x1  }
0x49: {  	_ =	swait.ge @!p0 [sflag:s0], s1  }
0x4a: {  	s1 =	ssub.s32 @!p0 $0x0, s1;
	[sflag:s0] =	ssyncset.done @!p0 $0x0  }
0x4b: {  	[sflag:s0] =	ssyncadd.s32 @!p0 s1  }
0x4c: {  	[bflag:$0x3] =	sbarrier.arrive $0xFFFF  }
0x4d: {  	_ =	shalt  }

</sc_bundles>
